<compile_context>
chip_gen: v7x
topology: tpu7x:2x2x1
jax: 0.10.2.dev20260603
libtpu: 0.0.44.dev20260713+nightly
codegen_flags: <defaults>
</compile_context>

<pallas_src>
import functools

import jax
import jax.numpy as jnp
from jax import lax
from jax.experimental import pallas as pl
from jax.experimental.pallas import tpu as pltpu
from jax.experimental.pallas import tpu_sc as plsc

D = 64
DP = 128
IW = 128
K = 4
CHUNK = K * IW


def _build(N, V):
    info = plsc.get_sparse_core_info()
    NC, NS = info.num_cores, info.num_subcores
    NW = NC * NS
    assert N % (NW * CHUNK) == 0
    b_per_w = N // NW
    n_chunks = b_per_w // CHUNK
    assert n_chunks % 4 == 0
    G = n_chunks // 4

    mesh = plsc.VectorSubcoreMesh(core_axis_name="c", subcore_axis_name="s")

    @functools.partial(
        pl.kernel,
        mesh=mesh,
        out_type=jax.ShapeDtypeStruct((N, DP), jnp.float32),
        compiler_params=pltpu.CompilerParams(use_tc_tiling_on_sc=False),
        scratch_types=[
            pltpu.VMEM((4, K, IW), jnp.int32),
            pltpu.VMEM((2, CHUNK, D), jnp.float32),
            pltpu.VMEM_SHARED((V, D), jnp.float32),
            pltpu.SemaphoreType.DMA,
            pltpu.SemaphoreType.DMA,
            pltpu.SemaphoreType.DMA,
            pltpu.SemaphoreType.DMA,
            pltpu.SemaphoreType.DMA,
            pltpu.SemaphoreType.DMA,
            pltpu.SemaphoreType.DMA,
            pltpu.SemaphoreType.DMA,
        ],
    )
    def k(table_hbm, idx_hbm, out_hbm, idx_v, rows_v, table_sh,
          gat_sem0, gat_sem1, idx_sem0, idx_sem1, idx_sem2, idx_sem3,
          out_sem0, out_sem1):
        wid = lax.axis_index("s") * NC + lax.axis_index("c")
        base = wid * b_per_w
        rbase = base // IW

        @pl.when(lax.axis_index("s") == 0)
        def _stage():
            pltpu.sync_copy(table_hbm, table_sh)
        plsc.subcore_barrier()

        gat_sems = (gat_sem0, gat_sem1)
        idx_sems = (idx_sem0, idx_sem1, idx_sem2, idx_sem3)
        out_sems = (out_sem0, out_sem1)

        def idx_copy(i, s):
            return pltpu.make_async_copy(
                idx_hbm.at[pl.ds(rbase + i * K, K)], idx_v.at[s], idx_sems[s]
            )

        def out_copy(i, b):
            return pltpu.make_async_copy(
                rows_v.at[b],
                out_hbm.at[pl.ds(base + i * CHUNK, CHUNK), pl.ds(0, D)],
                out_sems[b],
            )

        def fire_gathers(s, b):
            for j in range(K):
                pltpu.async_copy(
                    table_sh.at[idx_v.at[s, j]],
                    rows_v.at[b, pl.ds(j * IW, IW)],
                    gat_sems[b],
                )

        def drain_gathers(b):
            for j in range(K):
                pltpu.make_async_copy(
                    table_sh.at[idx_v.at[0, 0]],
                    rows_v.at[b, pl.ds(j * IW, IW)],
                    gat_sems[b],
                ).wait()

        idx_copy(0, 0).start()
        idx_copy(1, 1).start()
        idx_copy(2, 2).start()

        def step(i, p):
            b = p % 2
            idx_copy(i, p).wait()

            if not (isinstance(i, int) and i < 2):
                out_copy(i, b).wait()
            fire_gathers(p, b)

            if not (isinstance(i, int) and i < 1):
                drain_gathers(1 - b)
                out_copy(i - 1, 1 - b).start()
                if isinstance(i, int):
                    if i + 2 < n_chunks:
                        idx_copy(i + 2, (p + 2) % 4).start()
                else:
                    @pl.when(i + 2 < n_chunks)
                    def _prefetch():
                        idx_copy(i + 2, (p + 2) % 4).start()

        def body(g, _):
            for p in range(4):
                step(4 * g + p, p)
            return 0

        for p in range(4):
            step(p, p)
        lax.fori_loop(1, G, body, 0)

        last = n_chunks - 1
        drain_gathers(last % 2)
        out_copy(last, last % 2).start()
        out_copy(0, 0).wait()
        out_copy(0, 1).wait()

    return k


def kernel(positions, table):
    B, S = positions.shape
    V, d = table.shape
    N = B * S
    idx = positions.reshape(N // IW, IW).astype(jnp.int32)
    out = _build(N, V)(table, idx)
    return out[:, :d].reshape(B, S, d)

# --- scband reference (transcript-rebuilt; emitter-appended) ---
"""Pipeline reference for scband-position-embedding-16492674417196 (READ-ONLY COPY).

The authoritative reference and input builder live on the scoring server;
editing this copy changes nothing except your own understanding.
"""

import jax, jax.numpy as jnp
import numpy as np

EMBEDDING_DIM = 64
MAX_LEN = 200
BATCH = 16384
SEQ = 200

def setup_inputs(seed: int = 0) -> dict:
    key = jax.random.key(seed)
    k_idx, k_tab = jax.random.split(key)
    positions = jax.random.randint(k_idx, (BATCH, SEQ), 0, MAX_LEN, dtype=jnp.int64 if jax.config.jax_enable_x64 else jnp.int32)
    # nn.Embedding default init: N(0, 1)
    table = jax.random.normal(k_tab, (MAX_LEN, EMBEDDING_DIM), dtype=jnp.float32)
    return {"positions": positions, "table": table}

def reference(positions, table):
    # PositionEmbedding.forward: embedding lookup on timestep/position indices
    return jnp.take(table, positions, axis=0)

if __name__ == "__main__":
    import jax
    _d = setup_inputs()
    print(jax.jit(kernel)(*tuple(_d.values())))

</pallas_src>

<mosaic_0001>
#map = affine_map<(d0, d1) -> (0, 0)>
module attributes {stable_mosaic.version = 14 : i64} {
  func.func @k(%arg0: i32, %arg1: i32, %arg2: memref<200x64xf32, #tpu.memory_space<hbm>>, %arg3: memref<25600x128xi32, #tpu.memory_space<hbm>>, %arg4: memref<3276800x128xf32, #tpu.memory_space<hbm>>, %arg5: memref<4x4x128xi32, #tpu.memory_space<vmem>>, %arg6: memref<2x512x64xf32, #tpu.memory_space<vmem>>, %arg7: memref<200x64xf32, #tpu.memory_space<vmem_shared>>, %arg8: memref<!tpu.dma_semaphore, #tpu.memory_space<semaphore_mem>>, %arg9: memref<!tpu.dma_semaphore, #tpu.memory_space<semaphore_mem>>, %arg10: memref<!tpu.dma_semaphore, #tpu.memory_space<semaphore_mem>>, %arg11: memref<!tpu.dma_semaphore, #tpu.memory_space<semaphore_mem>>, %arg12: memref<!tpu.dma_semaphore, #tpu.memory_space<semaphore_mem>>, %arg13: memref<!tpu.dma_semaphore, #tpu.memory_space<semaphore_mem>>, %arg14: memref<!tpu.dma_semaphore, #tpu.memory_space<semaphore_mem>>, %arg15: memref<!tpu.dma_semaphore, #tpu.memory_space<semaphore_mem>>) attributes {dimension_semantics = [#tpu.dimension_semantics<core_parallel>, #tpu.dimension_semantics<subcore_parallel>], iteration_bounds = array<i64: 2, 16>, scalar_prefetch = 0 : i64, scratch_operands = 11 : i64, tpu.core_type = #tpu.core_type<sc_vector_subcore>, window_params = [{transform_indices = #map}, {transform_indices = #map}, {transform_indices = #map}]} {
    %mul3A = arith.constant 2 : i32
    %mul3A_0 = arith.muli %arg1, %mul3A : i32
    %add3A = arith.addi %mul3A_0, %arg0 : i32
    %mul3A_1 = arith.constant 102400 : i32
    %mul3A_2 = arith.muli %add3A, %mul3A_1 : i32
    %jit3A = arith.constant 128 : i32
    %div3A = arith.divsi %mul3A_2, %jit3A : i32
    %sign3A = arith.constant 0 : i32
    %sign3A_3 = arith.cmpi sgt, %mul3A_2, %sign3A : i32
    %sign3A_4 = arith.extui %sign3A_3 : i1 to i32
    %sign3A_5 = arith.constant 0 : i32
    %sign3A_6 = arith.cmpi slt, %mul3A_2, %sign3A_5 : i32
    %sign3A_7 = arith.extui %sign3A_6 : i1 to i32
    %sign3A_8 = arith.subi %sign3A_4, %sign3A_7 : i32
    %sign3A_9 = arith.constant 0 : i32
    %sign3A_10 = arith.cmpi sgt, %jit3A, %sign3A_9 : i32
    %sign3A_11 = arith.extui %sign3A_10 : i1 to i32
    %sign3A_12 = arith.constant 0 : i32
    %sign3A_13 = arith.cmpi slt, %jit3A, %sign3A_12 : i32
    %sign3A_14 = arith.extui %sign3A_13 : i1 to i32
    %sign3A_15 = arith.subi %sign3A_11, %sign3A_14 : i32
    %ne3A = arith.cmpi ne, %sign3A_8, %sign3A_15 : i32
    %rem3A = arith.remsi %mul3A_2, %jit3A : i32
    %ne3A_16 = arith.constant 0 : i32
    %ne3A_17 = arith.cmpi ne, %rem3A, %ne3A_16 : i32
    %and3A = arith.andi %ne3A, %ne3A_17 : i1
    %sub3A = arith.constant 1 : i32
    %sub3A_18 = arith.subi %div3A, %sub3A : i32
    %select_n3A = arith.select %and3A, %sub3A_18, %div3A : i32
    %eq3A = arith.constant 0 : i32
    %eq3A_19 = arith.cmpi eq, %arg1, %eq3A : i32
    %convert_element_type3A = arith.extui %eq3A_19 : i1 to i32
    %cond3A = arith.constant 0 : i32
    %cond3A_20 = arith.cmpi ne, %convert_element_type3A, %cond3A : i32
    scf.if %cond3A_20 {
      "tpu.region"() ({
        %run_scoped3A = tpu.sem_alloc : memref<!tpu.dma_semaphore, #tpu.memory_space<semaphore_mem>>
        tpu.enqueue_dma source(%arg2 : memref<200x64xf32, #tpu.memory_space<hbm>>) target(%arg7 : memref<200x64xf32, #tpu.memory_space<vmem_shared>>) target_semaphore(%run_scoped3A : memref<!tpu.dma_semaphore, #tpu.memory_space<semaphore_mem>>)
        tpu.wait_dma2 semaphore(%run_scoped3A : memref<!tpu.dma_semaphore, #tpu.memory_space<semaphore_mem>>) src(%arg2 : memref<200x64xf32, #tpu.memory_space<hbm>>) dst(%arg7 : memref<200x64xf32, #tpu.memory_space<vmem_shared>>)
        tpu.yield
      }) : () -> ()
    } else {
    }
    %barrier3A = arith.constant 0 : index
    tpu.barrier barrier_id(%barrier3A)
    %add3A_21 = arith.constant 0 : i32
    %add3A_22 = arith.addi %select_n3A, %add3A_21 : i32
    %dma_start3A = arith.constant 0 : i32
    %dma_start3A_23 = arith.constant 0 : i32
    %dma_start3A_24 = arith.constant 0 : i32
    %dma_start3A_25 = tpu.memref_slice %arg5[%dma_start3A, %dma_start3A_23, %dma_start3A_24] : memref<4x4x128xi32, #tpu.memory_space<vmem>> -> memref<1x4x128xi32, #tpu.memory_space<vmem>>
    %dma_start3A_26 = tpu.memref_squeeze %dma_start3A_25 : memref<1x4x128xi32, #tpu.memory_space<vmem>> -> memref<4x128xi32, #tpu.memory_space<vmem>>
    %dma_start3A_27 = arith.constant 0 : i32
    %dma_start3A_28 = tpu.memref_slice %arg3[%add3A_22, %dma_start3A_27] : memref<25600x128xi32, #tpu.memory_space<hbm>> -> memref<4x128xi32, #tpu.memory_space<hbm>>
    %dma_start3A_29 = arith.constant 0 : i32
    %dma_start3A_30 = arith.constant 0 : i32
    %dma_start3A_31 = tpu.memref_slice %arg5[%dma_start3A, %dma_start3A_29, %dma_start3A_30] : memref<4x4x128xi32, #tpu.memory_space<vmem>> -> memref<1x4x128xi32, #tpu.memory_space<vmem>>
    %dma_start3A_32 = tpu.memref_squeeze %dma_start3A_31 : memref<1x4x128xi32, #tpu.memory_space<vmem>> -> memref<4x128xi32, #tpu.memory_space<vmem>>
    %dma_start3A_33 = arith.constant 0 : i32
    %dma_start3A_34 = tpu.memref_slice %arg3[%add3A_22, %dma_start3A_33] : memref<25600x128xi32, #tpu.memory_space<hbm>> -> memref<4x128xi32, #tpu.memory_space<hbm>>
    tpu.enqueue_dma source(%dma_start3A_34 : memref<4x128xi32, #tpu.memory_space<hbm>>) target(%dma_start3A_32 : memref<4x128xi32, #tpu.memory_space<vmem>>) target_semaphore(%arg10 : memref<!tpu.dma_semaphore, #tpu.memory_space<semaphore_mem>>)
    %add3A_35 = arith.constant 4 : i32
    %add3A_36 = arith.addi %select_n3A, %add3A_35 : i32
    %dma_start3A_37 = arith.constant 1 : i32
    %dma_start3A_38 = arith.constant 0 : i32
    %dma_start3A_39 = arith.constant 0 : i32
    %dma_start3A_40 = tpu.memref_slice %arg5[%dma_start3A_37, %dma_start3A_38, %dma_start3A_39] : memref<4x4x128xi32, #tpu.memory_space<vmem>> -> memref<1x4x128xi32, #tpu.memory_space<vmem>>
    %dma_start3A_41 = tpu.memref_squeeze %dma_start3A_40 : memref<1x4x128xi32, #tpu.memory_space<vmem>> -> memref<4x128xi32, #tpu.memory_space<vmem>>
    %dma_start3A_42 = arith.constant 0 : i32
    %dma_start3A_43 = tpu.memref_slice %arg3[%add3A_36, %dma_start3A_42] : memref<25600x128xi32, #tpu.memory_space<hbm>> -> memref<4x128xi32, #tpu.memory_space<hbm>>
    %dma_start3A_44 = arith.constant 0 : i32
    %dma_start3A_45 = arith.constant 0 : i32
    %dma_start3A_46 = tpu.memref_slice %arg5[%dma_start3A_37, %dma_start3A_44, %dma_start3A_45] : memref<4x4x128xi32, #tpu.memory_space<vmem>> -> memref<1x4x128xi32, #tpu.memory_space<vmem>>
    %dma_start3A_47 = tpu.memref_squeeze %dma_start3A_46 : memref<1x4x128xi32, #tpu.memory_space<vmem>> -> memref<4x128xi32, #tpu.memory_space<vmem>>
    %dma_start3A_48 = arith.constant 0 : i32
    %dma_start3A_49 = tpu.memref_slice %arg3[%add3A_36, %dma_start3A_48] : memref<25600x128xi32, #tpu.memory_space<hbm>> -> memref<4x128xi32, #tpu.memory_space<hbm>>
    tpu.enqueue_dma source(%dma_start3A_49 : memref<4x128xi32, #tpu.memory_space<hbm>>) target(%dma_start3A_47 : memref<4x128xi32, #tpu.memory_space<vmem>>) target_semaphore(%arg11 : memref<!tpu.dma_semaphore, #tpu.memory_space<semaphore_mem>>)
    %add3A_50 = arith.constant 8 : i32
    %add3A_51 = arith.addi %select_n3A, %add3A_50 : i32
    %dma_start3A_52 = arith.constant 2 : i32
    %dma_start3A_53 = arith.constant 0 : i32
    %dma_start3A_54 = arith.constant 0 : i32
    %dma_start3A_55 = tpu.memref_slice %arg5[%dma_start3A_52, %dma_start3A_53, %dma_start3A_54] : memref<4x4x128xi32, #tpu.memory_space<vmem>> -> memref<1x4x128xi32, #tpu.memory_space<vmem>>
    %dma_start3A_56 = tpu.memref_squeeze %dma_start3A_55 : memref<1x4x128xi32, #tpu.memory_space<vmem>> -> memref<4x128xi32, #tpu.memory_space<vmem>>
    %dma_start3A_57 = arith.constant 0 : i32
    %dma_start3A_58 = tpu.memref_slice %arg3[%add3A_51, %dma_start3A_57] : memref<25600x128xi32, #tpu.memory_space<hbm>> -> memref<4x128xi32, #tpu.memory_space<hbm>>
    %dma_start3A_59 = arith.constant 0 : i32
    %dma_start3A_60 = arith.constant 0 : i32
    %dma_start3A_61 = tpu.memref_slice %arg5[%dma_start3A_52, %dma_start3A_59, %dma_start3A_60] : memref<4x4x128xi32, #tpu.memory_space<vmem>> -> memref<1x4x128xi32, #tpu.memory_space<vmem>>
    %dma_start3A_62 = tpu.memref_squeeze %dma_start3A_61 : memref<1x4x128xi32, #tpu.memory_space<vmem>> -> memref<4x128xi32, #tpu.memory_space<vmem>>
    %dma_start3A_63 = arith.constant 0 : i32
    %dma_start3A_64 = tpu.memref_slice %arg3[%add3A_51, %dma_start3A_63] : memref<25600x128xi32, #tpu.memory_space<hbm>> -> memref<4x128xi32, #tpu.memory_space<hbm>>
    tpu.enqueue_dma source(%dma_start3A_64 : memref<4x128xi32, #tpu.memory_space<hbm>>) target(%dma_start3A_62 : memref<4x128xi32, #tpu.memory_space<vmem>>) target_semaphore(%arg12 : memref<!tpu.dma_semaphore, #tpu.memory_space<semaphore_mem>>)
    %add3A_65 = arith.constant 0 : i32
    %add3A_66 = arith.addi %select_n3A, %add3A_65 : i32
    %dma_wait3A = arith.constant 0 : i32
    %dma_wait3A_67 = arith.constant 0 : i32
    %dma_wait3A_68 = arith.constant 0 : i32
    %dma_wait3A_69 = tpu.memref_slice %arg5[%dma_wait3A, %dma_wait3A_67, %dma_wait3A_68] : memref<4x4x128xi32, #tpu.memory_space<vmem>> -> memref<1x4x128xi32, #tpu.memory_space<vmem>>
    %dma_wait3A_70 = tpu.memref_squeeze %dma_wait3A_69 : memref<1x4x128xi32, #tpu.memory_space<vmem>> -> memref<4x128xi32, #tpu.memory_space<vmem>>
    %dma_wait3A_71 = arith.constant 0 : i32
    %dma_wait3A_72 = tpu.memref_slice %arg3[%add3A_66, %dma_wait3A_71] : memref<25600x128xi32, #tpu.memory_space<hbm>> -> memref<4x128xi32, #tpu.memory_space<hbm>>
    %dma_wait3A_73 = arith.constant 0 : i32
    %dma_wait3A_74 = arith.constant 0 : i32
    %dma_wait3A_75 = tpu.memref_slice %arg5[%dma_wait3A, %dma_wait3A_73, %dma_wait3A_74] : memref<4x4x128xi32, #tpu.memory_space<vmem>> -> memref<1x4x128xi32, #tpu.memory_space<vmem>>
    %dma_wait3A_76 = tpu.memref_squeeze %dma_wait3A_75 : memref<1x4x128xi32, #tpu.memory_space<vmem>> -> memref<4x128xi32, #tpu.memory_space<vmem>>
    %dma_wait3A_77 = arith.constant 0 : i32
    %dma_wait3A_78 = tpu.memref_slice %arg3[%add3A_66, %dma_wait3A_77] : memref<25600x128xi32, #tpu.memory_space<hbm>> -> memref<4x128xi32, #tpu.memory_space<hbm>>
    tpu.wait_dma2 semaphore(%arg10 : memref<!tpu.dma_semaphore, #tpu.memory_space<semaphore_mem>>) src(%dma_wait3A_78 : memref<4x128xi32, #tpu.memory_space<hbm>>) dst(%dma_wait3A_76 : memref<4x128xi32, #tpu.memory_space<vmem>>)
    %dma_start3A_79 = arith.constant 0 : i32
    %dma_start3A_80 = arith.constant 0 : i32
    %dma_start3A_81 = arith.constant 0 : i32
    %dma_start3A_82 = arith.constant 0 : i32
    %dma_start3A_83 = arith.constant 0 : i32
    %dma_start3A_84 = tpu.memref_slice %arg6[%dma_start3A_81, %dma_start3A_82, %dma_start3A_83] : memref<2x512x64xf32, #tpu.memory_space<vmem>> -> memref<1x128x64xf32, #tpu.memory_space<vmem>>
    %dma_start3A_85 = tpu.memref_squeeze %dma_start3A_84 : memref<1x128x64xf32, #tpu.memory_space<vmem>> -> memref<128x64xf32, #tpu.memory_space<vmem>>
    %dma_start3A_86 = arith.constant 0 : i32
    %dma_start3A_87 = tpu.memref_slice %arg5[%dma_start3A_79, %dma_start3A_80, %dma_start3A_86] : memref<4x4x128xi32, #tpu.memory_space<vmem>> -> memref<1x1x128xi32, #tpu.memory_space<vmem>>
    %dma_start3A_88 = tpu.memref_squeeze %dma_start3A_87 : memref<1x1x128xi32, #tpu.memory_space<vmem>> -> memref<128xi32, #tpu.memory_space<vmem>>
    %dma_start3A_89 = arith.constant 0 : i32
    %dma_start3A_90 = arith.constant 0 : i32
    %dma_start3A_91 = tpu.memref_slice %arg7[%dma_start3A_89, %dma_start3A_90] : memref<200x64xf32, #tpu.memory_space<vmem_shared>> -> memref<200x64xf32, #tpu.memory_space<vmem_shared>>
    tpu.enqueue_indirect_dma source(%dma_start3A_91 : memref<200x64xf32, #tpu.memory_space<vmem_shared>>) target(%dma_start3A_85 : memref<128x64xf32, #tpu.memory_space<vmem>>) offsets(%dma_start3A_88 : memref<128xi32, #tpu.memory_space<vmem>>) semaphore(%arg8 : memref<!tpu.dma_semaphore, #tpu.memory_space<semaphore_mem>>)
    %dma_start3A_92 = arith.constant 0 : i32
    %dma_start3A_93 = arith.constant 1 : i32
    %dma_start3A_94 = arith.constant 0 : i32
    %dma_start3A_95 = arith.constant 128 : i32
    %dma_start3A_96 = arith.constant 0 : i32
    %dma_start3A_97 = tpu.memref_slice %arg6[%dma_start3A_94, %dma_start3A_95, %dma_start3A_96] : memref<2x512x64xf32, #tpu.memory_space<vmem>> -> memref<1x128x64xf32, #tpu.memory_space<vmem>>
    %dma_start3A_98 = tpu.memref_squeeze %dma_start3A_97 : memref<1x128x64xf32, #tpu.memory_space<vmem>> -> memref<128x64xf32, #tpu.memory_space<vmem>>
    %dma_start3A_99 = arith.constant 0 : i32
    %dma_start3A_100 = tpu.memref_slice %arg5[%dma_start3A_92, %dma_start3A_93, %dma_start3A_99] : memref<4x4x128xi32, #tpu.memory_space<vmem>> -> memref<1x1x128xi32, #tpu.memory_space<vmem>>
    %dma_start3A_101 = tpu.memref_squeeze %dma_start3A_100 : memref<1x1x128xi32, #tpu.memory_space<vmem>> -> memref<128xi32, #tpu.memory_space<vmem>>
    %dma_start3A_102 = arith.constant 0 : i32
    %dma_start3A_103 = arith.constant 0 : i32
    %dma_start3A_104 = tpu.memref_slice %arg7[%dma_start3A_102, %dma_start3A_103] : memref<200x64xf32, #tpu.memory_space<vmem_shared>> -> memref<200x64xf32, #tpu.memory_space<vmem_shared>>
    tpu.enqueue_indirect_dma source(%dma_start3A_104 : memref<200x64xf32, #tpu.memory_space<vmem_shared>>) target(%dma_start3A_98 : memref<128x64xf32, #tpu.memory_space<vmem>>) offsets(%dma_start3A_101 : memref<128xi32, #tpu.memory_space<vmem>>) semaphore(%arg8 : memref<!tpu.dma_semaphore, #tpu.memory_space<semaphore_mem>>)
    %dma_start3A_105 = arith.constant 0 : i32
    %dma_start3A_106 = arith.constant 2 : i32
    %dma_start3A_107 = arith.constant 0 : i32
    %dma_start3A_108 = arith.constant 256 : i32
    %dma_start3A_109 = arith.constant 0 : i32
    %dma_start3A_110 = tpu.memref_slice %arg6[%dma_start3A_107, %dma_start3A_108, %dma_start3A_109] : memref<2x512x64xf32, #tpu.memory_space<vmem>> -> memref<1x128x64xf32, #tpu.memory_space<vmem>>
    %dma_start3A_111 = tpu.memref_squeeze %dma_start3A_110 : memref<1x128x64xf32, #tpu.memory_space<vmem>> -> memref<128x64xf32, #tpu.memory_space<vmem>>
    %dma_start3A_112 = arith.constant 0 : i32
    %dma_start3A_113 = tpu.memref_slice %arg5[%dma_start3A_105, %dma_start3A_106, %dma_start3A_112] : memref<4x4x128xi32, #tpu.memory_space<vmem>> -> memref<1x1x128xi32, #tpu.memory_space<vmem>>
    %dma_start3A_114 = tpu.memref_squeeze %dma_start3A_113 : memref<1x1x128xi32, #tpu.memory_space<vmem>> -> memref<128xi32, #tpu.memory_space<vmem>>
    %dma_start3A_115 = arith.constant 0 : i32
    %dma_start3A_116 = arith.constant 0 : i32
    %dma_start3A_117 = tpu.memref_slice %arg7[%dma_start3A_115, %dma_start3A_116] : memref<200x64xf32, #tpu.memory_space<vmem_shared>> -> memref<200x64xf32, #tpu.memory_space<vmem_shared>>
    tpu.enqueue_indirect_dma source(%dma_start3A_117 : memref<200x64xf32, #tpu.memory_space<vmem_shared>>) target(%dma_start3A_111 : memref<128x64xf32, #tpu.memory_space<vmem>>) offsets(%dma_start3A_114 : memref<128xi32, #tpu.memory_space<vmem>>) semaphore(%arg8 : memref<!tpu.dma_semaphore, #tpu.memory_space<semaphore_mem>>)
    %dma_start3A_118 = arith.constant 0 : i32
    %dma_start3A_119 = arith.constant 3 : i32
    %dma_start3A_120 = arith.constant 0 : i32
    %dma_start3A_121 = arith.constant 384 : i32
    %dma_start3A_122 = arith.constant 0 : i32
    %dma_start3A_123 = tpu.memref_slice %arg6[%dma_start3A_120, %dma_start3A_121, %dma_start3A_122] : memref<2x512x64xf32, #tpu.memory_space<vmem>> -> memref<1x128x64xf32, #tpu.memory_space<vmem>>
    %dma_start3A_124 = tpu.memref_squeeze %dma_start3A_123 : memref<1x128x64xf32, #tpu.memory_space<vmem>> -> memref<128x64xf32, #tpu.memory_space<vmem>>
    %dma_start3A_125 = arith.constant 0 : i32
    %dma_start3A_126 = tpu.memref_slice %arg5[%dma_start3A_118, %dma_start3A_119, %dma_start3A_125] : memref<4x4x128xi32, #tpu.memory_space<vmem>> -> memref<1x1x128xi32, #tpu.memory_space<vmem>>
    %dma_start3A_127 = tpu.memref_squeeze %dma_start3A_126 : memref<1x1x128xi32, #tpu.memory_space<vmem>> -> memref<128xi32, #tpu.memory_space<vmem>>
    %dma_start3A_128 = arith.constant 0 : i32
    %dma_start3A_129 = arith.constant 0 : i32
    %dma_start3A_130 = tpu.memref_slice %arg7[%dma_start3A_128, %dma_start3A_129] : memref<200x64xf32, #tpu.memory_space<vmem_shared>> -> memref<200x64xf32, #tpu.memory_space<vmem_shared>>
    tpu.enqueue_indirect_dma source(%dma_start3A_130 : memref<200x64xf32, #tpu.memory_space<vmem_shared>>) target(%dma_start3A_124 : memref<128x64xf32, #tpu.memory_space<vmem>>) offsets(%dma_start3A_127 : memref<128xi32, #tpu.memory_space<vmem>>) semaphore(%arg8 : memref<!tpu.dma_semaphore, #tpu.memory_space<semaphore_mem>>)
    %add3A_131 = arith.constant 4 : i32
    %add3A_132 = arith.addi %select_n3A, %add3A_131 : i32
    %dma_wait3A_133 = arith.constant 1 : i32
    %dma_wait3A_134 = arith.constant 0 : i32
    %dma_wait3A_135 = arith.constant 0 : i32
    %dma_wait3A_136 = tpu.memref_slice %arg5[%dma_wait3A_133, %dma_wait3A_134, %dma_wait3A_135] : memref<4x4x128xi32, #tpu.memory_space<vmem>> -> memref<1x4x128xi32, #tpu.memory_space<vmem>>
    %dma_wait3A_137 = tpu.memref_squeeze %dma_wait3A_136 : memref<1x4x128xi32, #tpu.memory_space<vmem>> -> memref<4x128xi32, #tpu.memory_space<vmem>>
    %dma_wait3A_138 = arith.constant 0 : i32
    %dma_wait3A_139 = tpu.memref_slice %arg3[%add3A_132, %dma_wait3A_138] : memref<25600x128xi32, #tpu.memory_space<hbm>> -> memref<4x128xi32, #tpu.memory_space<hbm>>
    %dma_wait3A_140 = arith.constant 0 : i32
    %dma_wait3A_141 = arith.constant 0 : i32
    %dma_wait3A_142 = tpu.memref_slice %arg5[%dma_wait3A_133, %dma_wait3A_140, %dma_wait3A_141] : memref<4x4x128xi32, #tpu.memory_space<vmem>> -> memref<1x4x128xi32, #tpu.memory_space<vmem>>
    %dma_wait3A_143 = tpu.memref_squeeze %dma_wait3A_142 : memref<1x4x128xi32, #tpu.memory_space<vmem>> -> memref<4x128xi32, #tpu.memory_space<vmem>>
    %dma_wait3A_144 = arith.constant 0 : i32
    %dma_wait3A_145 = tpu.memref_slice %arg3[%add3A_132, %dma_wait3A_144] : memref<25600x128xi32, #tpu.memory_space<hbm>> -> memref<4x128xi32, #tpu.memory_space<hbm>>
    tpu.wait_dma2 semaphore(%arg11 : memref<!tpu.dma_semaphore, #tpu.memory_space<semaphore_mem>>) src(%dma_wait3A_145 : memref<4x128xi32, #tpu.memory_space<hbm>>) dst(%dma_wait3A_143 : memref<4x128xi32, #tpu.memory_space<vmem>>)
    %dma_start3A_146 = arith.constant 1 : i32
    %dma_start3A_147 = arith.constant 0 : i32
    %dma_start3A_148 = arith.constant 1 : i32
    %dma_start3A_149 = arith.constant 0 : i32
    %dma_start3A_150 = arith.constant 0 : i32
    %dma_start3A_151 = tpu.memref_slice %arg6[%dma_start3A_148, %dma_start3A_149, %dma_start3A_150] : memref<2x512x64xf32, #tpu.memory_space<vmem>> -> memref<1x128x64xf32, #tpu.memory_space<vmem>>
    %dma_start3A_152 = tpu.memref_squeeze %dma_start3A_151 : memref<1x128x64xf32, #tpu.memory_space<vmem>> -> memref<128x64xf32, #tpu.memory_space<vmem>>
    %dma_start3A_153 = arith.constant 0 : i32
    %dma_start3A_154 = tpu.memref_slice %arg5[%dma_start3A_146, %dma_start3A_147, %dma_start3A_153] : memref<4x4x128xi32, #tpu.memory_space<vmem>> -> memref<1x1x128xi32, #tpu.memory_space<vmem>>
    %dma_start3A_155 = tpu.memref_squeeze %dma_start3A_154 : memref<1x1x128xi32, #tpu.memory_space<vmem>> -> memref<128xi32, #tpu.memory_space<vmem>>
    %dma_start3A_156 = arith.constant 0 : i32
    %dma_start3A_157 = arith.constant 0 : i32
    %dma_start3A_158 = tpu.memref_slice %arg7[%dma_start3A_156, %dma_start3A_157] : memref<200x64xf32, #tpu.memory_space<vmem_shared>> -> memref<200x64xf32, #tpu.memory_space<vmem_shared>>
    tpu.enqueue_indirect_dma source(%dma_start3A_158 : memref<200x64xf32, #tpu.memory_space<vmem_shared>>) target(%dma_start3A_152 : memref<128x64xf32, #tpu.memory_space<vmem>>) offsets(%dma_start3A_155 : memref<128xi32, #tpu.memory_space<vmem>>) semaphore(%arg9 : memref<!tpu.dma_semaphore, #tpu.memory_space<semaphore_mem>>)
    %dma_start3A_159 = arith.constant 1 : i32
    %dma_start3A_160 = arith.constant 1 : i32
    %dma_start3A_161 = arith.constant 1 : i32
    %dma_start3A_162 = arith.constant 128 : i32
    %dma_start3A_163 = arith.constant 0 : i32
    %dma_start3A_164 = tpu.memref_slice %arg6[%dma_start3A_161, %dma_start3A_162, %dma_start3A_163] : memref<2x512x64xf32, #tpu.memory_space<vmem>> -> memref<1x128x64xf32, #tpu.memory_space<vmem>>
    %dma_start3A_165 = tpu.memref_squeeze %dma_start3A_164 : memref<1x128x64xf32, #tpu.memory_space<vmem>> -> memref<128x64xf32, #tpu.memory_space<vmem>>
    %dma_start3A_166 = arith.constant 0 : i32
    %dma_start3A_167 = tpu.memref_slice %arg5[%dma_start3A_159, %dma_start3A_160, %dma_start3A_166] : memref<4x4x128xi32, #tpu.memory_space<vmem>> -> memref<1x1x128xi32, #tpu.memory_space<vmem>>
    %dma_start3A_168 = tpu.memref_squeeze %dma_start3A_167 : memref<1x1x128xi32, #tpu.memory_space<vmem>> -> memref<128xi32, #tpu.memory_space<vmem>>
    %dma_start3A_169 = arith.constant 0 : i32
    %dma_start3A_170 = arith.constant 0 : i32
    %dma_start3A_171 = tpu.memref_slice %arg7[%dma_start3A_169, %dma_start3A_170] : memref<200x64xf32, #tpu.memory_space<vmem_shared>> -> memref<200x64xf32, #tpu.memory_space<vmem_shared>>
    tpu.enqueue_indirect_dma source(%dma_start3A_171 : memref<200x64xf32, #tpu.memory_space<vmem_shared>>) target(%dma_start3A_165 : memref<128x64xf32, #tpu.memory_space<vmem>>) offsets(%dma_start3A_168 : memref<128xi32, #tpu.memory_space<vmem>>) semaphore(%arg9 : memref<!tpu.dma_semaphore, #tpu.memory_space<semaphore_mem>>)
    %dma_start3A_172 = arith.constant 1 : i32
    %dma_start3A_173 = arith.constant 2 : i32
    %dma_start3A_174 = arith.constant 1 : i32
    %dma_start3A_175 = arith.constant 256 : i32
    %dma_start3A_176 = arith.constant 0 : i32
    %dma_start3A_177 = tpu.memref_slice %arg6[%dma_start3A_174, %dma_start3A_175, %dma_start3A_176] : memref<2x512x64xf32, #tpu.memory_space<vmem>> -> memref<1x128x64xf32, #tpu.memory_space<vmem>>
    %dma_start3A_178 = tpu.memref_squeeze %dma_start3A_177 : memref<1x128x64xf32, #tpu.memory_space<vmem>> -> memref<128x64xf32, #tpu.memory_space<vmem>>
    %dma_start3A_179 = arith.constant 0 : i32
    %dma_start3A_180 = tpu.memref_slice %arg5[%dma_start3A_172, %dma_start3A_173, %dma_start3A_179] : memref<4x4x128xi32, #tpu.memory_space<vmem>> -> memref<1x1x128xi32, #tpu.memory_space<vmem>>
    %dma_start3A_181 = tpu.memref_squeeze %dma_start3A_180 : memref<1x1x128xi32, #tpu.memory_space<vmem>> -> memref<128xi32, #tpu.memory_space<vmem>>
    %dma_start3A_182 = arith.constant 0 : i32
    %dma_start3A_183 = arith.constant 0 : i32
    %dma_start3A_184 = tpu.memref_slice %arg7[%dma_start3A_182, %dma_start3A_183] : memref<200x64xf32, #tpu.memory_space<vmem_shared>> -> memref<200x64xf32, #tpu.memory_space<vmem_shared>>
    tpu.enqueue_indirect_dma source(%dma_start3A_184 : memref<200x64xf32, #tpu.memory_space<vmem_shared>>) target(%dma_start3A_178 : memref<128x64xf32, #tpu.memory_space<vmem>>) offsets(%dma_start3A_181 : memref<128xi32, #tpu.memory_space<vmem>>) semaphore(%arg9 : memref<!tpu.dma_semaphore, #tpu.memory_space<semaphore_mem>>)
    %dma_start3A_185 = arith.constant 1 : i32
    %dma_start3A_186 = arith.constant 3 : i32
    %dma_start3A_187 = arith.constant 1 : i32
    %dma_start3A_188 = arith.constant 384 : i32
    %dma_start3A_189 = arith.constant 0 : i32
    %dma_start3A_190 = tpu.memref_slice %arg6[%dma_start3A_187, %dma_start3A_188, %dma_start3A_189] : memref<2x512x64xf32, #tpu.memory_space<vmem>> -> memref<1x128x64xf32, #tpu.memory_space<vmem>>
    %dma_start3A_191 = tpu.memref_squeeze %dma_start3A_190 : memref<1x128x64xf32, #tpu.memory_space<vmem>> -> memref<128x64xf32, #tpu.memory_space<vmem>>
    %dma_start3A_192 = arith.constant 0 : i32
    %dma_start3A_193 = tpu.memref_slice %arg5[%dma_start3A_185, %dma_start3A_186, %dma_start3A_192] : memref<4x4x128xi32, #tpu.memory_space<vmem>> -> memref<1x1x128xi32, #tpu.memory_space<vmem>>
    %dma_start3A_194 = tpu.memref_squeeze %dma_start3A_193 : memref<1x1x128xi32, #tpu.memory_space<vmem>> -> memref<128xi32, #tpu.memory_space<vmem>>
    %dma_start3A_195 = arith.constant 0 : i32
    %dma_start3A_196 = arith.constant 0 : i32
    %dma_start3A_197 = tpu.memref_slice %arg7[%dma_start3A_195, %dma_start3A_196] : memref<200x64xf32, #tpu.memory_space<vmem_shared>> -> memref<200x64xf32, #tpu.memory_space<vmem_shared>>
    tpu.enqueue_indirect_dma source(%dma_start3A_197 : memref<200x64xf32, #tpu.memory_space<vmem_shared>>) target(%dma_start3A_191 : memref<128x64xf32, #tpu.memory_space<vmem>>) offsets(%dma_start3A_194 : memref<128xi32, #tpu.memory_space<vmem>>) semaphore(%arg9 : memref<!tpu.dma_semaphore, #tpu.memory_space<semaphore_mem>>)
    %dma_wait3A_198 = arith.constant 0 : i32
    %dma_wait3A_199 = arith.constant 0 : i32
    %dma_wait3A_200 = arith.constant 0 : i32
    %dma_wait3A_201 = arith.constant 0 : i32
    %dma_wait3A_202 = arith.constant 0 : i32
    %dma_wait3A_203 = tpu.memref_slice %arg6[%dma_wait3A_200, %dma_wait3A_201, %dma_wait3A_202] : memref<2x512x64xf32, #tpu.memory_space<vmem>> -> memref<1x128x64xf32, #tpu.memory_space<vmem>>
    %dma_wait3A_204 = tpu.memref_squeeze %dma_wait3A_203 : memref<1x128x64xf32, #tpu.memory_space<vmem>> -> memref<128x64xf32, #tpu.memory_space<vmem>>
    %dma_wait3A_205 = arith.constant 0 : i32
    %dma_wait3A_206 = tpu.memref_slice %arg5[%dma_wait3A_198, %dma_wait3A_199, %dma_wait3A_205] : memref<4x4x128xi32, #tpu.memory_space<vmem>> -> memref<1x1x128xi32, #tpu.memory_space<vmem>>
    %dma_wait3A_207 = tpu.memref_squeeze %dma_wait3A_206 : memref<1x1x128xi32, #tpu.memory_space<vmem>> -> memref<128xi32, #tpu.memory_space<vmem>>
    %dma_wait3A_208 = arith.constant 0 : i32
    %dma_wait3A_209 = arith.constant 0 : i32
    %dma_wait3A_210 = tpu.memref_slice %arg7[%dma_wait3A_208, %dma_wait3A_209] : memref<200x64xf32, #tpu.memory_space<vmem_shared>> -> memref<200x64xf32, #tpu.memory_space<vmem_shared>>
    tpu.wait_indirect_dma semaphore(%arg8 : memref<!tpu.dma_semaphore, #tpu.memory_space<semaphore_mem>>) src(%dma_wait3A_210 : memref<200x64xf32, #tpu.memory_space<vmem_shared>>) dst(%dma_wait3A_204 : memref<128x64xf32, #tpu.memory_space<vmem>>)
    %dma_wait3A_211 = arith.constant 0 : i32
    %dma_wait3A_212 = arith.constant 0 : i32
    %dma_wait3A_213 = arith.constant 0 : i32
    %dma_wait3A_214 = arith.constant 128 : i32
    %dma_wait3A_215 = arith.constant 0 : i32
    %dma_wait3A_216 = tpu.memref_slice %arg6[%dma_wait3A_213, %dma_wait3A_214, %dma_wait3A_215] : memref<2x512x64xf32, #tpu.memory_space<vmem>> -> memref<1x128x64xf32, #tpu.memory_space<vmem>>
    %dma_wait3A_217 = tpu.memref_squeeze %dma_wait3A_216 : memref<1x128x64xf32, #tpu.memory_space<vmem>> -> memref<128x64xf32, #tpu.memory_space<vmem>>
    %dma_wait3A_218 = arith.constant 0 : i32
    %dma_wait3A_219 = tpu.memref_slice %arg5[%dma_wait3A_211, %dma_wait3A_212, %dma_wait3A_218] : memref<4x4x128xi32, #tpu.memory_space<vmem>> -> memref<1x1x128xi32, #tpu.memory_space<vmem>>
    %dma_wait3A_220 = tpu.memref_squeeze %dma_wait3A_219 : memref<1x1x128xi32, #tpu.memory_space<vmem>> -> memref<128xi32, #tpu.memory_space<vmem>>
    %dma_wait3A_221 = arith.constant 0 : i32
    %dma_wait3A_222 = arith.constant 0 : i32
    %dma_wait3A_223 = tpu.memref_slice %arg7[%dma_wait3A_221, %dma_wait3A_222] : memref<200x64xf32, #tpu.memory_space<vmem_shared>> -> memref<200x64xf32, #tpu.memory_space<vmem_shared>>
    tpu.wait_indirect_dma semaphore(%arg8 : memref<!tpu.dma_semaphore, #tpu.memory_space<semaphore_mem>>) src(%dma_wait3A_223 : memref<200x64xf32, #tpu.memory_space<vmem_shared>>) dst(%dma_wait3A_217 : memref<128x64xf32, #tpu.memory_space<vmem>>)
    %dma_wait3A_224 = arith.constant 0 : i32
    %dma_wait3A_225 = arith.constant 0 : i32
    %dma_wait3A_226 = arith.constant 0 : i32
    %dma_wait3A_227 = arith.constant 256 : i32
    %dma_wait3A_228 = arith.constant 0 : i32
    %dma_wait3A_229 = tpu.memref_slice %arg6[%dma_wait3A_226, %dma_wait3A_227, %dma_wait3A_228] : memref<2x512x64xf32, #tpu.memory_space<vmem>> -> memref<1x128x64xf32, #tpu.memory_space<vmem>>
    %dma_wait3A_230 = tpu.memref_squeeze %dma_wait3A_229 : memref<1x128x64xf32, #tpu.memory_space<vmem>> -> memref<128x64xf32, #tpu.memory_space<vmem>>
    %dma_wait3A_231 = arith.constant 0 : i32
    %dma_wait3A_232 = tpu.memref_slice %arg5[%dma_wait3A_224, %dma_wait3A_225, %dma_wait3A_231] : memref<4x4x128xi32, #tpu.memory_space<vmem>> -> memref<1x1x128xi32, #tpu.memory_space<vmem>>
    %dma_wait3A_233 = tpu.memref_squeeze %dma_wait3A_232 : memref<1x1x128xi32, #tpu.memory_space<vmem>> -> memref<128xi32, #tpu.memory_space<vmem>>
    %dma_wait3A_234 = arith.constant 0 : i32
    %dma_wait3A_235 = arith.constant 0 : i32
    %dma_wait3A_236 = tpu.memref_slice %arg7[%dma_wait3A_234, %dma_wait3A_235] : memref<200x64xf32, #tpu.memory_space<vmem_shared>> -> memref<200x64xf32, #tpu.memory_space<vmem_shared>>
    tpu.wait_indirect_dma semaphore(%arg8 : memref<!tpu.dma_semaphore, #tpu.memory_space<semaphore_mem>>) src(%dma_wait3A_236 : memref<200x64xf32, #tpu.memory_space<vmem_shared>>) dst(%dma_wait3A_230 : memref<128x64xf32, #tpu.memory_space<vmem>>)
    %dma_wait3A_237 = arith.constant 0 : i32
    %dma_wait3A_238 = arith.constant 0 : i32
    %dma_wait3A_239 = arith.constant 0 : i32
    %dma_wait3A_240 = arith.constant 384 : i32
    %dma_wait3A_241 = arith.constant 0 : i32
    %dma_wait3A_242 = tpu.memref_slice %arg6[%dma_wait3A_239, %dma_wait3A_240, %dma_wait3A_241] : memref<2x512x64xf32, #tpu.memory_space<vmem>> -> memref<1x128x64xf32, #tpu.memory_space<vmem>>
    %dma_wait3A_243 = tpu.memref_squeeze %dma_wait3A_242 : memref<1x128x64xf32, #tpu.memory_space<vmem>> -> memref<128x64xf32, #tpu.memory_space<vmem>>
    %dma_wait3A_244 = arith.constant 0 : i32
    %dma_wait3A_245 = tpu.memref_slice %arg5[%dma_wait3A_237, %dma_wait3A_238, %dma_wait3A_244] : memref<4x4x128xi32, #tpu.memory_space<vmem>> -> memref<1x1x128xi32, #tpu.memory_space<vmem>>
    %dma_wait3A_246 = tpu.memref_squeeze %dma_wait3A_245 : memref<1x1x128xi32, #tpu.memory_space<vmem>> -> memref<128xi32, #tpu.memory_space<vmem>>
    %dma_wait3A_247 = arith.constant 0 : i32
    %dma_wait3A_248 = arith.constant 0 : i32
    %dma_wait3A_249 = tpu.memref_slice %arg7[%dma_wait3A_247, %dma_wait3A_248] : memref<200x64xf32, #tpu.memory_space<vmem_shared>> -> memref<200x64xf32, #tpu.memory_space<vmem_shared>>
    tpu.wait_indirect_dma semaphore(%arg8 : memref<!tpu.dma_semaphore, #tpu.memory_space<semaphore_mem>>) src(%dma_wait3A_249 : memref<200x64xf32, #tpu.memory_space<vmem_shared>>) dst(%dma_wait3A_243 : memref<128x64xf32, #tpu.memory_space<vmem>>)
    %add3A_250 = arith.constant 0 : i32
    %add3A_251 = arith.addi %mul3A_2, %add3A_250 : i32
    %dma_start3A_252 = arith.constant 0 : i32
    %dma_start3A_253 = arith.constant 0 : i32
    %dma_start3A_254 = arith.constant 0 : i32
    %dma_start3A_255 = tpu.memref_slice %arg6[%dma_start3A_252, %dma_start3A_253, %dma_start3A_254] : memref<2x512x64xf32, #tpu.memory_space<vmem>> -> memref<1x512x64xf32, #tpu.memory_space<vmem>>
    %dma_start3A_256 = tpu.memref_squeeze %dma_start3A_255 : memref<1x512x64xf32, #tpu.memory_space<vmem>> -> memref<512x64xf32, #tpu.memory_space<vmem>>
    %dma_start3A_257 = arith.constant 0 : i32
    %dma_start3A_258 = tpu.memref_slice %arg4[%add3A_251, %dma_start3A_257] : memref<3276800x128xf32, #tpu.memory_space<hbm>> -> memref<512x64xf32, #tpu.memory_space<hbm>>
    %dma_start3A_259 = arith.constant 0 : i32
    %dma_start3A_260 = tpu.memref_slice %arg4[%add3A_251, %dma_start3A_259] : memref<3276800x128xf32, #tpu.memory_space<hbm>> -> memref<512x64xf32, #tpu.memory_space<hbm>>
    %dma_start3A_261 = arith.constant 0 : i32
    %dma_start3A_262 = arith.constant 0 : i32
    %dma_start3A_263 = tpu.memref_slice %arg6[%dma_start3A_252, %dma_start3A_261, %dma_start3A_262] : memref<2x512x64xf32, #tpu.memory_space<vmem>> -> memref<1x512x64xf32, #tpu.memory_space<vmem>>
    %dma_start3A_264 = tpu.memref_squeeze %dma_start3A_263 : memref<1x512x64xf32, #tpu.memory_space<vmem>> -> memref<512x64xf32, #tpu.memory_space<vmem>>
    tpu.enqueue_dma source(%dma_start3A_264 : memref<512x64xf32, #tpu.memory_space<vmem>>) target(%dma_start3A_260 : memref<512x64xf32, #tpu.memory_space<hbm>>) target_semaphore(%arg14 : memref<!tpu.dma_semaphore, #tpu.memory_space<semaphore_mem>>)
    %add3A_265 = arith.constant 12 : i32
    %add3A_266 = arith.addi %select_n3A, %add3A_265 : i32
    %dma_start3A_267 = arith.constant 3 : i32
    %dma_start3A_268 = arith.constant 0 : i32
    %dma_start3A_269 = arith.constant 0 : i32
    %dma_start3A_270 = tpu.memref_slice %arg5[%dma_start3A_267, %dma_start3A_268, %dma_start3A_269] : memref<4x4x128xi32, #tpu.memory_space<vmem>> -> memref<1x4x128xi32, #tpu.memory_space<vmem>>
    %dma_start3A_271 = tpu.memref_squeeze %dma_start3A_270 : memref<1x4x128xi32, #tpu.memory_space<vmem>> -> memref<4x128xi32, #tpu.memory_space<vmem>>
    %dma_start3A_272 = arith.constant 0 : i32
    %dma_start3A_273 = tpu.memref_slice %arg3[%add3A_266, %dma_start3A_272] : memref<25600x128xi32, #tpu.memory_space<hbm>> -> memref<4x128xi32, #tpu.memory_space<hbm>>
    %dma_start3A_274 = arith.constant 0 : i32
    %dma_start3A_275 = arith.constant 0 : i32
    %dma_start3A_276 = tpu.memref_slice %arg5[%dma_start3A_267, %dma_start3A_274, %dma_start3A_275] : memref<4x4x128xi32, #tpu.memory_space<vmem>> -> memref<1x4x128xi32, #tpu.memory_space<vmem>>
    %dma_start3A_277 = tpu.memref_squeeze %dma_start3A_276 : memref<1x4x128xi32, #tpu.memory_space<vmem>> -> memref<4x128xi32, #tpu.memory_space<vmem>>
    %dma_start3A_278 = arith.constant 0 : i32
    %dma_start3A_279 = tpu.memref_slice %arg3[%add3A_266, %dma_start3A_278] : memref<25600x128xi32, #tpu.memory_space<hbm>> -> memref<4x128xi32, #tpu.memory_space<hbm>>
    tpu.enqueue_dma source(%dma_start3A_279 : memref<4x128xi32, #tpu.memory_space<hbm>>) target(%dma_start3A_277 : memref<4x128xi32, #tpu.memory_space<vmem>>) target_semaphore(%arg13 : memref<!tpu.dma_semaphore, #tpu.memory_space<semaphore_mem>>)
    %add3A_280 = arith.constant 8 : i32
    %add3A_281 = arith.addi %select_n3A, %add3A_280 : i32
    %dma_wait3A_282 = arith.constant 2 : i32
    %dma_wait3A_283 = arith.constant 0 : i32
    %dma_wait3A_284 = arith.constant 0 : i32
    %dma_wait3A_285 = tpu.memref_slice %arg5[%dma_wait3A_282, %dma_wait3A_283, %dma_wait3A_284] : memref<4x4x128xi32, #tpu.memory_space<vmem>> -> memref<1x4x128xi32, #tpu.memory_space<vmem>>
    %dma_wait3A_286 = tpu.memref_squeeze %dma_wait3A_285 : memref<1x4x128xi32, #tpu.memory_space<vmem>> -> memref<4x128xi32, #tpu.memory_space<vmem>>
    %dma_wait3A_287 = arith.constant 0 : i32
    %dma_wait3A_288 = tpu.memref_slice %arg3[%add3A_281, %dma_wait3A_287] : memref<25600x128xi32, #tpu.memory_space<hbm>> -> memref<4x128xi32, #tpu.memory_space<hbm>>
    %dma_wait3A_289 = arith.constant 0 : i32
    %dma_wait3A_290 = arith.constant 0 : i32
    %dma_wait3A_291 = tpu.memref_slice %arg5[%dma_wait3A_282, %dma_wait3A_289, %dma_wait3A_290] : memref<4x4x128xi32, #tpu.memory_space<vmem>> -> memref<1x4x128xi32, #tpu.memory_space<vmem>>
    %dma_wait3A_292 = tpu.memref_squeeze %dma_wait3A_291 : memref<1x4x128xi32, #tpu.memory_space<vmem>> -> memref<4x128xi32, #tpu.memory_space<vmem>>
    %dma_wait3A_293 = arith.constant 0 : i32
    %dma_wait3A_294 = tpu.memref_slice %arg3[%add3A_281, %dma_wait3A_293] : memref<25600x128xi32, #tpu.memory_space<hbm>> -> memref<4x128xi32, #tpu.memory_space<hbm>>
    tpu.wait_dma2 semaphore(%arg12 : memref<!tpu.dma_semaphore, #tpu.memory_space<semaphore_mem>>) src(%dma_wait3A_294 : memref<4x128xi32, #tpu.memory_space<hbm>>) dst(%dma_wait3A_292 : memref<4x128xi32, #tpu.memory_space<vmem>>)
    %add3A_295 = arith.constant 1024 : i32
    %add3A_296 = arith.addi %mul3A_2, %add3A_295 : i32
    %dma_wait3A_297 = arith.constant 0 : i32
    %dma_wait3A_298 = arith.constant 0 : i32
    %dma_wait3A_299 = arith.constant 0 : i32
    %dma_wait3A_300 = tpu.memref_slice %arg6[%dma_wait3A_297, %dma_wait3A_298, %dma_wait3A_299] : memref<2x512x64xf32, #tpu.memory_space<vmem>> -> memref<1x512x64xf32, #tpu.memory_space<vmem>>
    %dma_wait3A_301 = tpu.memref_squeeze %dma_wait3A_300 : memref<1x512x64xf32, #tpu.memory_space<vmem>> -> memref<512x64xf32, #tpu.memory_space<vmem>>
    %dma_wait3A_302 = arith.constant 0 : i32
    %dma_wait3A_303 = tpu.memref_slice %arg4[%add3A_296, %dma_wait3A_302] : memref<3276800x128xf32, #tpu.memory_space<hbm>> -> memref<512x64xf32, #tpu.memory_space<hbm>>
    %dma_wait3A_304 = arith.constant 0 : i32
    %dma_wait3A_305 = tpu.memref_slice %arg4[%add3A_296, %dma_wait3A_304] : memref<3276800x128xf32, #tpu.memory_space<hbm>> -> memref<512x64xf32, #tpu.memory_space<hbm>>
    %dma_wait3A_306 = arith.constant 0 : i32
    %dma_wait3A_307 = arith.constant 0 : i32
    %dma_wait3A_308 = tpu.memref_slice %arg6[%dma_wait3A_297, %dma_wait3A_306, %dma_wait3A_307] : memref<2x512x64xf32, #tpu.memory_space<vmem>> -> memref<1x512x64xf32, #tpu.memory_space<vmem>>
    %dma_wait3A_309 = tpu.memref_squeeze %dma_wait3A_308 : memref<1x512x64xf32, #tpu.memory_space<vmem>> -> memref<512x64xf32, #tpu.memory_space<vmem>>
    tpu.wait_dma2 semaphore(%arg14 : memref<!tpu.dma_semaphore, #tpu.memory_space<semaphore_mem>>) src(%dma_wait3A_309 : memref<512x64xf32, #tpu.memory_space<vmem>>) dst(%dma_wait3A_305 : memref<512x64xf32, #tpu.memory_space<hbm>>)
    %dma_start3A_310 = arith.constant 2 : i32
    %dma_start3A_311 = arith.constant 0 : i32
    %dma_start3A_312 = arith.constant 0 : i32
    %dma_start3A_313 = arith.constant 0 : i32
    %dma_start3A_314 = arith.constant 0 : i32
    %dma_start3A_315 = tpu.memref_slice %arg6[%dma_start3A_312, %dma_start3A_313, %dma_start3A_314] : memref<2x512x64xf32, #tpu.memory_space<vmem>> -> memref<1x128x64xf32, #tpu.memory_space<vmem>>
    %dma_start3A_316 = tpu.memref_squeeze %dma_start3A_315 : memref<1x128x64xf32, #tpu.memory_space<vmem>> -> memref<128x64xf32, #tpu.memory_space<vmem>>
    %dma_start3A_317 = arith.constant 0 : i32
    %dma_start3A_318 = tpu.memref_slice %arg5[%dma_start3A_310, %dma_start3A_311, %dma_start3A_317] : memref<4x4x128xi32, #tpu.memory_space<vmem>> -> memref<1x1x128xi32, #tpu.memory_space<vmem>>
    %dma_start3A_319 = tpu.memref_squeeze %dma_start3A_318 : memref<1x1x128xi32, #tpu.memory_space<vmem>> -> memref<128xi32, #tpu.memory_space<vmem>>
    %dma_start3A_320 = arith.constant 0 : i32
    %dma_start3A_321 = arith.constant 0 : i32
    %dma_start3A_322 = tpu.memref_slice %arg7[%dma_start3A_320, %dma_start3A_321] : memref<200x64xf32, #tpu.memory_space<vmem_shared>> -> memref<200x64xf32, #tpu.memory_space<vmem_shared>>
    tpu.enqueue_indirect_dma source(%dma_start3A_322 : memref<200x64xf32, #tpu.memory_space<vmem_shared>>) target(%dma_start3A_316 : memref<128x64xf32, #tpu.memory_space<vmem>>) offsets(%dma_start3A_319 : memref<128xi32, #tpu.memory_space<vmem>>) semaphore(%arg8 : memref<!tpu.dma_semaphore, #tpu.memory_space<semaphore_mem>>)
    %dma_start3A_323 = arith.constant 2 : i32
    %dma_start3A_324 = arith.constant 1 : i32
    %dma_start3A_325 = arith.constant 0 : i32
    %dma_start3A_326 = arith.constant 128 : i32
    %dma_start3A_327 = arith.constant 0 : i32
    %dma_start3A_328 = tpu.memref_slice %arg6[%dma_start3A_325, %dma_start3A_326, %dma_start3A_327] : memref<2x512x64xf32, #tpu.memory_space<vmem>> -> memref<1x128x64xf32, #tpu.memory_space<vmem>>
    %dma_start3A_329 = tpu.memref_squeeze %dma_start3A_328 : memref<1x128x64xf32, #tpu.memory_space<vmem>> -> memref<128x64xf32, #tpu.memory_space<vmem>>
    %dma_start3A_330 = arith.constant 0 : i32
    %dma_start3A_331 = tpu.memref_slice %arg5[%dma_start3A_323, %dma_start3A_324, %dma_start3A_330] : memref<4x4x128xi32, #tpu.memory_space<vmem>> -> memref<1x1x128xi32, #tpu.memory_space<vmem>>
    %dma_start3A_332 = tpu.memref_squeeze %dma_start3A_331 : memref<1x1x128xi32, #tpu.memory_space<vmem>> -> memref<128xi32, #tpu.memory_space<vmem>>
    %dma_start3A_333 = arith.constant 0 : i32
    %dma_start3A_334 = arith.constant 0 : i32
    %dma_start3A_335 = tpu.memref_slice %arg7[%dma_start3A_333, %dma_start3A_334] : memref<200x64xf32, #tpu.memory_space<vmem_shared>> -> memref<200x64xf32, #tpu.memory_space<vmem_shared>>
    tpu.enqueue_indirect_dma source(%dma_start3A_335 : memref<200x64xf32, #tpu.memory_space<vmem_shared>>) target(%dma_start3A_329 : memref<128x64xf32, #tpu.memory_space<vmem>>) offsets(%dma_start3A_332 : memref<128xi32, #tpu.memory_space<vmem>>) semaphore(%arg8 : memref<!tpu.dma_semaphore, #tpu.memory_space<semaphore_mem>>)
    %dma_start3A_336 = arith.constant 2 : i32
    %dma_start3A_337 = arith.constant 2 : i32
    %dma_start3A_338 = arith.constant 0 : i32
    %dma_start3A_339 = arith.constant 256 : i32
    %dma_start3A_340 = arith.constant 0 : i32
    %dma_start3A_341 = tpu.memref_slice %arg6[%dma_start3A_338, %dma_start3A_339, %dma_start3A_340] : memref<2x512x64xf32, #tpu.memory_space<vmem>> -> memref<1x128x64xf32, #tpu.memory_space<vmem>>
    %dma_start3A_342 = tpu.memref_squeeze %dma_start3A_341 : memref<1x128x64xf32, #tpu.memory_space<vmem>> -> memref<128x64xf32, #tpu.memory_space<vmem>>
    %dma_start3A_343 = arith.constant 0 : i32
    %dma_start3A_344 = tpu.memref_slice %arg5[%dma_start3A_336, %dma_start3A_337, %dma_start3A_343] : memref<4x4x128xi32, #tpu.memory_space<vmem>> -> memref<1x1x128xi32, #tpu.memory_space<vmem>>
    %dma_start3A_345 = tpu.memref_squeeze %dma_start3A_344 : memref<1x1x128xi32, #tpu.memory_space<vmem>> -> memref<128xi32, #tpu.memory_space<vmem>>
    %dma_start3A_346 = arith.constant 0 : i32
    %dma_start3A_347 = arith.constant 0 : i32
    %dma_start3A_348 = tpu.memref_slice %arg7[%dma_start3A_346, %dma_start3A_347] : memref<200x64xf32, #tpu.memory_space<vmem_shared>> -> memref<200x64xf32, #tpu.memory_space<vmem_shared>>
    tpu.enqueue_indirect_dma source(%dma_start3A_348 : memref<200x64xf32, #tpu.memory_space<vmem_shared>>) target(%dma_start3A_342 : memref<128x64xf32, #tpu.memory_space<vmem>>) offsets(%dma_start3A_345 : memref<128xi32, #tpu.memory_space<vmem>>) semaphore(%arg8 : memref<!tpu.dma_semaphore, #tpu.memory_space<semaphore_mem>>)
    %dma_start3A_349 = arith.constant 2 : i32
    %dma_start3A_350 = arith.constant 3 : i32
    %dma_start3A_351 = arith.constant 0 : i32
    %dma_start3A_352 = arith.constant 384 : i32
    %dma_start3A_353 = arith.constant 0 : i32
    %dma_start3A_354 = tpu.memref_slice %arg6[%dma_start3A_351, %dma_start3A_352, %dma_start3A_353] : memref<2x512x64xf32, #tpu.memory_space<vmem>> -> memref<1x128x64xf32, #tpu.memory_space<vmem>>
    %dma_start3A_355 = tpu.memref_squeeze %dma_start3A_354 : memref<1x128x64xf32, #tpu.memory_space<vmem>> -> memref<128x64xf32, #tpu.memory_space<vmem>>
    %dma_start3A_356 = arith.constant 0 : i32
    %dma_start3A_357 = tpu.memref_slice %arg5[%dma_start3A_349, %dma_start3A_350, %dma_start3A_356] : memref<4x4x128xi32, #tpu.memory_space<vmem>> -> memref<1x1x128xi32, #tpu.memory_space<vmem>>
    %dma_start3A_358 = tpu.memref_squeeze %dma_start3A_357 : memref<1x1x128xi32, #tpu.memory_space<vmem>> -> memref<128xi32, #tpu.memory_space<vmem>>
    %dma_start3A_359 = arith.constant 0 : i32
    %dma_start3A_360 = arith.constant 0 : i32
    %dma_start3A_361 = tpu.memref_slice %arg7[%dma_start3A_359, %dma_start3A_360] : memref<200x64xf32, #tpu.memory_space<vmem_shared>> -> memref<200x64xf32, #tpu.memory_space<vmem_shared>>
    tpu.enqueue_indirect_dma source(%dma_start3A_361 : memref<200x64xf32, #tpu.memory_space<vmem_shared>>) target(%dma_start3A_355 : memref<128x64xf32, #tpu.memory_space<vmem>>) offsets(%dma_start3A_358 : memref<128xi32, #tpu.memory_space<vmem>>) semaphore(%arg8 : memref<!tpu.dma_semaphore, #tpu.memory_space<semaphore_mem>>)
    %dma_wait3A_362 = arith.constant 0 : i32
    %dma_wait3A_363 = arith.constant 0 : i32
    %dma_wait3A_364 = arith.constant 1 : i32
    %dma_wait3A_365 = arith.constant 0 : i32
    %dma_wait3A_366 = arith.constant 0 : i32
    %dma_wait3A_367 = tpu.memref_slice %arg6[%dma_wait3A_364, %dma_wait3A_365, %dma_wait3A_366] : memref<2x512x64xf32, #tpu.memory_space<vmem>> -> memref<1x128x64xf32, #tpu.memory_space<vmem>>
    %dma_wait3A_368 = tpu.memref_squeeze %dma_wait3A_367 : memref<1x128x64xf32, #tpu.memory_space<vmem>> -> memref<128x64xf32, #tpu.memory_space<vmem>>
    %dma_wait3A_369 = arith.constant 0 : i32
    %dma_wait3A_370 = tpu.memref_slice %arg5[%dma_wait3A_362, %dma_wait3A_363, %dma_wait3A_369] : memref<4x4x128xi32, #tpu.memory_space<vmem>> -> memref<1x1x128xi32, #tpu.memory_space<vmem>>
    %dma_wait3A_371 = tpu.memref_squeeze %dma_wait3A_370 : memref<1x1x128xi32, #tpu.memory_space<vmem>> -> memref<128xi32, #tpu.memory_space<vmem>>
    %dma_wait3A_372 = arith.constant 0 : i32
    %dma_wait3A_373 = arith.constant 0 : i32
    %dma_wait3A_374 = tpu.memref_slice %arg7[%dma_wait3A_372, %dma_wait3A_373] : memref<200x64xf32, #tpu.memory_space<vmem_shared>> -> memref<200x64xf32, #tpu.memory_space<vmem_shared>>
    tpu.wait_indirect_dma semaphore(%arg9 : memref<!tpu.dma_semaphore, #tpu.memory_space<semaphore_mem>>) src(%dma_wait3A_374 : memref<200x64xf32, #tpu.memory_space<vmem_shared>>) dst(%dma_wait3A_368 : memref<128x64xf32, #tpu.memory_space<vmem>>)
    %dma_wait3A_375 = arith.constant 0 : i32
    %dma_wait3A_376 = arith.constant 0 : i32
    %dma_wait3A_377 = arith.constant 1 : i32
    %dma_wait3A_378 = arith.constant 128 : i32
    %dma_wait3A_379 = arith.constant 0 : i32
    %dma_wait3A_380 = tpu.memref_slice %arg6[%dma_wait3A_377, %dma_wait3A_378, %dma_wait3A_379] : memref<2x512x64xf32, #tpu.memory_space<vmem>> -> memref<1x128x64xf32, #tpu.memory_space<vmem>>
    %dma_wait3A_381 = tpu.memref_squeeze %dma_wait3A_380 : memref<1x128x64xf32, #tpu.memory_space<vmem>> -> memref<128x64xf32, #tpu.memory_space<vmem>>
    %dma_wait3A_382 = arith.constant 0 : i32
    %dma_wait3A_383 = tpu.memref_slice %arg5[%dma_wait3A_375, %dma_wait3A_376, %dma_wait3A_382] : memref<4x4x128xi32, #tpu.memory_space<vmem>> -> memref<1x1x128xi32, #tpu.memory_space<vmem>>
    %dma_wait3A_384 = tpu.memref_squeeze %dma_wait3A_383 : memref<1x1x128xi32, #tpu.memory_space<vmem>> -> memref<128xi32, #tpu.memory_space<vmem>>
    %dma_wait3A_385 = arith.constant 0 : i32
    %dma_wait3A_386 = arith.constant 0 : i32
    %dma_wait3A_387 = tpu.memref_slice %arg7[%dma_wait3A_385, %dma_wait3A_386] : memref<200x64xf32, #tpu.memory_space<vmem_shared>> -> memref<200x64xf32, #tpu.memory_space<vmem_shared>>
    tpu.wait_indirect_dma semaphore(%arg9 : memref<!tpu.dma_semaphore, #tpu.memory_space<semaphore_mem>>) src(%dma_wait3A_387 : memref<200x64xf32, #tpu.memory_space<vmem_shared>>) dst(%dma_wait3A_381 : memref<128x64xf32, #tpu.memory_space<vmem>>)
    %dma_wait3A_388 = arith.constant 0 : i32
    %dma_wait3A_389 = arith.constant 0 : i32
    %dma_wait3A_390 = arith.constant 1 : i32
    %dma_wait3A_391 = arith.constant 256 : i32
    %dma_wait3A_392 = arith.constant 0 : i32
    %dma_wait3A_393 = tpu.memref_slice %arg6[%dma_wait3A_390, %dma_wait3A_391, %dma_wait3A_392] : memref<2x512x64xf32, #tpu.memory_space<vmem>> -> memref<1x128x64xf32, #tpu.memory_space<vmem>>
    %dma_wait3A_394 = tpu.memref_squeeze %dma_wait3A_393 : memref<1x128x64xf32, #tpu.memory_space<vmem>> -> memref<128x64xf32, #tpu.memory_space<vmem>>
    %dma_wait3A_395 = arith.constant 0 : i32
    %dma_wait3A_396 = tpu.memref_slice %arg5[%dma_wait3A_388, %dma_wait3A_389, %dma_wait3A_395] : memref<4x4x128xi32, #tpu.memory_space<vmem>> -> memref<1x1x128xi32, #tpu.memory_space<vmem>>
    %dma_wait3A_397 = tpu.memref_squeeze %dma_wait3A_396 : memref<1x1x128xi32, #tpu.memory_space<vmem>> -> memref<128xi32, #tpu.memory_space<vmem>>
    %dma_wait3A_398 = arith.constant 0 : i32
    %dma_wait3A_399 = arith.constant 0 : i32
    %dma_wait3A_400 = tpu.memref_slice %arg7[%dma_wait3A_398, %dma_wait3A_399] : memref<200x64xf32, #tpu.memory_space<vmem_shared>> -> memref<200x64xf32, #tpu.memory_space<vmem_shared>>
    tpu.wait_indirect_dma semaphore(%arg9 : memref<!tpu.dma_semaphore, #tpu.memory_space<semaphore_mem>>) src(%dma_wait3A_400 : memref<200x64xf32, #tpu.memory_space<vmem_shared>>) dst(%dma_wait3A_394 : memref<128x64xf32, #tpu.memory_space<vmem>>)
    %dma_wait3A_401 = arith.constant 0 : i32
    %dma_wait3A_402 = arith.constant 0 : i32
    %dma_wait3A_403 = arith.constant 1 : i32
    %dma_wait3A_404 = arith.constant 384 : i32
    %dma_wait3A_405 = arith.constant 0 : i32
    %dma_wait3A_406 = tpu.memref_slice %arg6[%dma_wait3A_403, %dma_wait3A_404, %dma_wait3A_405] : memref<2x512x64xf32, #tpu.memory_space<vmem>> -> memref<1x128x64xf32, #tpu.memory_space<vmem>>
    %dma_wait3A_407 = tpu.memref_squeeze %dma_wait3A_406 : memref<1x128x64xf32, #tpu.memory_space<vmem>> -> memref<128x64xf32, #tpu.memory_space<vmem>>
    %dma_wait3A_408 = arith.constant 0 : i32
    %dma_wait3A_409 = tpu.memref_slice %arg5[%dma_wait3A_401, %dma_wait3A_402, %dma_wait3A_408] : memref<4x4x128xi32, #tpu.memory_space<vmem>> -> memref<1x1x128xi32, #tpu.memory_space<vmem>>
    %dma_wait3A_410 = tpu.memref_squeeze %dma_wait3A_409 : memref<1x1x128xi32, #tpu.memory_space<vmem>> -> memref<128xi32, #tpu.memory_space<vmem>>
    %dma_wait3A_411 = arith.constant 0 : i32
    %dma_wait3A_412 = arith.constant 0 : i32
    %dma_wait3A_413 = tpu.memref_slice %arg7[%dma_wait3A_411, %dma_wait3A_412] : memref<200x64xf32, #tpu.memory_space<vmem_shared>> -> memref<200x64xf32, #tpu.memory_space<vmem_shared>>
    tpu.wait_indirect_dma semaphore(%arg9 : memref<!tpu.dma_semaphore, #tpu.memory_space<semaphore_mem>>) src(%dma_wait3A_413 : memref<200x64xf32, #tpu.memory_space<vmem_shared>>) dst(%dma_wait3A_407 : memref<128x64xf32, #tpu.memory_space<vmem>>)
    %add3A_414 = arith.constant 512 : i32
    %add3A_415 = arith.addi %mul3A_2, %add3A_414 : i32
    %dma_start3A_416 = arith.constant 1 : i32
    %dma_start3A_417 = arith.constant 0 : i32
    %dma_start3A_418 = arith.constant 0 : i32
    %dma_start3A_419 = tpu.memref_slice %arg6[%dma_start3A_416, %dma_start3A_417, %dma_start3A_418] : memref<2x512x64xf32, #tpu.memory_space<vmem>> -> memref<1x512x64xf32, #tpu.memory_space<vmem>>
    %dma_start3A_420 = tpu.memref_squeeze %dma_start3A_419 : memref<1x512x64xf32, #tpu.memory_space<vmem>> -> memref<512x64xf32, #tpu.memory_space<vmem>>
    %dma_start3A_421 = arith.constant 0 : i32
    %dma_start3A_422 = tpu.memref_slice %arg4[%add3A_415, %dma_start3A_421] : memref<3276800x128xf32, #tpu.memory_space<hbm>> -> memref<512x64xf32, #tpu.memory_space<hbm>>
    %dma_start3A_423 = arith.constant 0 : i32
    %dma_start3A_424 = tpu.memref_slice %arg4[%add3A_415, %dma_start3A_423] : memref<3276800x128xf32, #tpu.memory_space<hbm>> -> memref<512x64xf32, #tpu.memory_space<hbm>>
    %dma_start3A_425 = arith.constant 0 : i32
    %dma_start3A_426 = arith.constant 0 : i32
    %dma_start3A_427 = tpu.memref_slice %arg6[%dma_start3A_416, %dma_start3A_425, %dma_start3A_426] : memref<2x512x64xf32, #tpu.memory_space<vmem>> -> memref<1x512x64xf32, #tpu.memory_space<vmem>>
    %dma_start3A_428 = tpu.memref_squeeze %dma_start3A_427 : memref<1x512x64xf32, #tpu.memory_space<vmem>> -> memref<512x64xf32, #tpu.memory_space<vmem>>
    tpu.enqueue_dma source(%dma_start3A_428 : memref<512x64xf32, #tpu.memory_space<vmem>>) target(%dma_start3A_424 : memref<512x64xf32, #tpu.memory_space<hbm>>) target_semaphore(%arg15 : memref<!tpu.dma_semaphore, #tpu.memory_space<semaphore_mem>>)
    %add3A_429 = arith.constant 16 : i32
    %add3A_430 = arith.addi %select_n3A, %add3A_429 : i32
    %dma_start3A_431 = arith.constant 0 : i32
    %dma_start3A_432 = arith.constant 0 : i32
    %dma_start3A_433 = arith.constant 0 : i32
    %dma_start3A_434 = tpu.memref_slice %arg5[%dma_start3A_431, %dma_start3A_432, %dma_start3A_433] : memref<4x4x128xi32, #tpu.memory_space<vmem>> -> memref<1x4x128xi32, #tpu.memory_space<vmem>>
    %dma_start3A_435 = tpu.memref_squeeze %dma_start3A_434 : memref<1x4x128xi32, #tpu.memory_space<vmem>> -> memref<4x128xi32, #tpu.memory_space<vmem>>
    %dma_start3A_436 = arith.constant 0 : i32
    %dma_start3A_437 = tpu.memref_slice %arg3[%add3A_430, %dma_start3A_436] : memref<25600x128xi32, #tpu.memory_space<hbm>> -> memref<4x128xi32, #tpu.memory_space<hbm>>
    %dma_start3A_438 = arith.constant 0 : i32
    %dma_start3A_439 = arith.constant 0 : i32
    %dma_start3A_440 = tpu.memref_slice %arg5[%dma_start3A_431, %dma_start3A_438, %dma_start3A_439] : memref<4x4x128xi32, #tpu.memory_space<vmem>> -> memref<1x4x128xi32, #tpu.memory_space<vmem>>
    %dma_start3A_441 = tpu.memref_squeeze %dma_start3A_440 : memref<1x4x128xi32, #tpu.memory_space<vmem>> -> memref<4x128xi32, #tpu.memory_space<vmem>>
    %dma_start3A_442 = arith.constant 0 : i32
    %dma_start3A_443 = tpu.memref_slice %arg3[%add3A_430, %dma_start3A_442] : memref<25600x128xi32, #tpu.memory_space<hbm>> -> memref<4x128xi32, #tpu.memory_space<hbm>>
    tpu.enqueue_dma source(%dma_start3A_443 : memref<4x128xi32, #tpu.memory_space<hbm>>) target(%dma_start3A_441 : memref<4x128xi32, #tpu.memory_space<vmem>>) target_semaphore(%arg10 : memref<!tpu.dma_semaphore, #tpu.memory_space<semaphore_mem>>)
    %add3A_444 = arith.constant 12 : i32
    %add3A_445 = arith.addi %select_n3A, %add3A_444 : i32
    %dma_wait3A_446 = arith.constant 3 : i32
    %dma_wait3A_447 = arith.constant 0 : i32
    %dma_wait3A_448 = arith.constant 0 : i32
    %dma_wait3A_449 = tpu.memref_slice %arg5[%dma_wait3A_446, %dma_wait3A_447, %dma_wait3A_448] : memref<4x4x128xi32, #tpu.memory_space<vmem>> -> memref<1x4x128xi32, #tpu.memory_space<vmem>>
    %dma_wait3A_450 = tpu.memref_squeeze %dma_wait3A_449 : memref<1x4x128xi32, #tpu.memory_space<vmem>> -> memref<4x128xi32, #tpu.memory_space<vmem>>
    %dma_wait3A_451 = arith.constant 0 : i32
    %dma_wait3A_452 = tpu.memref_slice %arg3[%add3A_445, %dma_wait3A_451] : memref<25600x128xi32, #tpu.memory_space<hbm>> -> memref<4x128xi32, #tpu.memory_space<hbm>>
    %dma_wait3A_453 = arith.constant 0 : i32
    %dma_wait3A_454 = arith.constant 0 : i32
    %dma_wait3A_455 = tpu.memref_slice %arg5[%dma_wait3A_446, %dma_wait3A_453, %dma_wait3A_454] : memref<4x4x128xi32, #tpu.memory_space<vmem>> -> memref<1x4x128xi32, #tpu.memory_space<vmem>>
    %dma_wait3A_456 = tpu.memref_squeeze %dma_wait3A_455 : memref<1x4x128xi32, #tpu.memory_space<vmem>> -> memref<4x128xi32, #tpu.memory_space<vmem>>
    %dma_wait3A_457 = arith.constant 0 : i32
    %dma_wait3A_458 = tpu.memref_slice %arg3[%add3A_445, %dma_wait3A_457] : memref<25600x128xi32, #tpu.memory_space<hbm>> -> memref<4x128xi32, #tpu.memory_space<hbm>>
    tpu.wait_dma2 semaphore(%arg13 : memref<!tpu.dma_semaphore, #tpu.memory_space<semaphore_mem>>) src(%dma_wait3A_458 : memref<4x128xi32, #tpu.memory_space<hbm>>) dst(%dma_wait3A_456 : memref<4x128xi32, #tpu.memory_space<vmem>>)
    %add3A_459 = arith.constant 1536 : i32
    %add3A_460 = arith.addi %mul3A_2, %add3A_459 : i32
    %dma_wait3A_461 = arith.constant 1 : i32
    %dma_wait3A_462 = arith.constant 0 : i32
    %dma_wait3A_463 = arith.constant 0 : i32
    %dma_wait3A_464 = tpu.memref_slice %arg6[%dma_wait3A_461, %dma_wait3A_462, %dma_wait3A_463] : memref<2x512x64xf32, #tpu.memory_space<vmem>> -> memref<1x512x64xf32, #tpu.memory_space<vmem>>
    %dma_wait3A_465 = tpu.memref_squeeze %dma_wait3A_464 : memref<1x512x64xf32, #tpu.memory_space<vmem>> -> memref<512x64xf32, #tpu.memory_space<vmem>>
    %dma_wait3A_466 = arith.constant 0 : i32
    %dma_wait3A_467 = tpu.memref_slice %arg4[%add3A_460, %dma_wait3A_466] : memref<3276800x128xf32, #tpu.memory_space<hbm>> -> memref<512x64xf32, #tpu.memory_space<hbm>>
    %dma_wait3A_468 = arith.constant 0 : i32
    %dma_wait3A_469 = tpu.memref_slice %arg4[%add3A_460, %dma_wait3A_468] : memref<3276800x128xf32, #tpu.memory_space<hbm>> -> memref<512x64xf32, #tpu.memory_space<hbm>>
    %dma_wait3A_470 = arith.constant 0 : i32
    %dma_wait3A_471 = arith.constant 0 : i32
    %dma_wait3A_472 = tpu.memref_slice %arg6[%dma_wait3A_461, %dma_wait3A_470, %dma_wait3A_471] : memref<2x512x64xf32, #tpu.memory_space<vmem>> -> memref<1x512x64xf32, #tpu.memory_space<vmem>>
    %dma_wait3A_473 = tpu.memref_squeeze %dma_wait3A_472 : memref<1x512x64xf32, #tpu.memory_space<vmem>> -> memref<512x64xf32, #tpu.memory_space<vmem>>
    tpu.wait_dma2 semaphore(%arg15 : memref<!tpu.dma_semaphore, #tpu.memory_space<semaphore_mem>>) src(%dma_wait3A_473 : memref<512x64xf32, #tpu.memory_space<vmem>>) dst(%dma_wait3A_469 : memref<512x64xf32, #tpu.memory_space<hbm>>)
    %dma_start3A_474 = arith.constant 3 : i32
    %dma_start3A_475 = arith.constant 0 : i32
    %dma_start3A_476 = arith.constant 1 : i32
    %dma_start3A_477 = arith.constant 0 : i32
    %dma_start3A_478 = arith.constant 0 : i32
    %dma_start3A_479 = tpu.memref_slice %arg6[%dma_start3A_476, %dma_start3A_477, %dma_start3A_478] : memref<2x512x64xf32, #tpu.memory_space<vmem>> -> memref<1x128x64xf32, #tpu.memory_space<vmem>>
    %dma_start3A_480 = tpu.memref_squeeze %dma_start3A_479 : memref<1x128x64xf32, #tpu.memory_space<vmem>> -> memref<128x64xf32, #tpu.memory_space<vmem>>
    %dma_start3A_481 = arith.constant 0 : i32
    %dma_start3A_482 = tpu.memref_slice %arg5[%dma_start3A_474, %dma_start3A_475, %dma_start3A_481] : memref<4x4x128xi32, #tpu.memory_space<vmem>> -> memref<1x1x128xi32, #tpu.memory_space<vmem>>
    %dma_start3A_483 = tpu.memref_squeeze %dma_start3A_482 : memref<1x1x128xi32, #tpu.memory_space<vmem>> -> memref<128xi32, #tpu.memory_space<vmem>>
    %dma_start3A_484 = arith.constant 0 : i32
    %dma_start3A_485 = arith.constant 0 : i32
    %dma_start3A_486 = tpu.memref_slice %arg7[%dma_start3A_484, %dma_start3A_485] : memref<200x64xf32, #tpu.memory_space<vmem_shared>> -> memref<200x64xf32, #tpu.memory_space<vmem_shared>>
    tpu.enqueue_indirect_dma source(%dma_start3A_486 : memref<200x64xf32, #tpu.memory_space<vmem_shared>>) target(%dma_start3A_480 : memref<128x64xf32, #tpu.memory_space<vmem>>) offsets(%dma_start3A_483 : memref<128xi32, #tpu.memory_space<vmem>>) semaphore(%arg9 : memref<!tpu.dma_semaphore, #tpu.memory_space<semaphore_mem>>)
    %dma_start3A_487 = arith.constant 3 : i32
    %dma_start3A_488 = arith.constant 1 : i32
    %dma_start3A_489 = arith.constant 1 : i32
    %dma_start3A_490 = arith.constant 128 : i32
    %dma_start3A_491 = arith.constant 0 : i32
    %dma_start3A_492 = tpu.memref_slice %arg6[%dma_start3A_489, %dma_start3A_490, %dma_start3A_491] : memref<2x512x64xf32, #tpu.memory_space<vmem>> -> memref<1x128x64xf32, #tpu.memory_space<vmem>>
    %dma_start3A_493 = tpu.memref_squeeze %dma_start3A_492 : memref<1x128x64xf32, #tpu.memory_space<vmem>> -> memref<128x64xf32, #tpu.memory_space<vmem>>
    %dma_start3A_494 = arith.constant 0 : i32
    %dma_start3A_495 = tpu.memref_slice %arg5[%dma_start3A_487, %dma_start3A_488, %dma_start3A_494] : memref<4x4x128xi32, #tpu.memory_space<vmem>> -> memref<1x1x128xi32, #tpu.memory_space<vmem>>
    %dma_start3A_496 = tpu.memref_squeeze %dma_start3A_495 : memref<1x1x128xi32, #tpu.memory_space<vmem>> -> memref<128xi32, #tpu.memory_space<vmem>>
    %dma_start3A_497 = arith.constant 0 : i32
    %dma_start3A_498 = arith.constant 0 : i32
    %dma_start3A_499 = tpu.memref_slice %arg7[%dma_start3A_497, %dma_start3A_498] : memref<200x64xf32, #tpu.memory_space<vmem_shared>> -> memref<200x64xf32, #tpu.memory_space<vmem_shared>>
    tpu.enqueue_indirect_dma source(%dma_start3A_499 : memref<200x64xf32, #tpu.memory_space<vmem_shared>>) target(%dma_start3A_493 : memref<128x64xf32, #tpu.memory_space<vmem>>) offsets(%dma_start3A_496 : memref<128xi32, #tpu.memory_space<vmem>>) semaphore(%arg9 : memref<!tpu.dma_semaphore, #tpu.memory_space<semaphore_mem>>)
    %dma_start3A_500 = arith.constant 3 : i32
    %dma_start3A_501 = arith.constant 2 : i32
    %dma_start3A_502 = arith.constant 1 : i32
    %dma_start3A_503 = arith.constant 256 : i32
    %dma_start3A_504 = arith.constant 0 : i32
    %dma_start3A_505 = tpu.memref_slice %arg6[%dma_start3A_502, %dma_start3A_503, %dma_start3A_504] : memref<2x512x64xf32, #tpu.memory_space<vmem>> -> memref<1x128x64xf32, #tpu.memory_space<vmem>>
    %dma_start3A_506 = tpu.memref_squeeze %dma_start3A_505 : memref<1x128x64xf32, #tpu.memory_space<vmem>> -> memref<128x64xf32, #tpu.memory_space<vmem>>
    %dma_start3A_507 = arith.constant 0 : i32
    %dma_start3A_508 = tpu.memref_slice %arg5[%dma_start3A_500, %dma_start3A_501, %dma_start3A_507] : memref<4x4x128xi32, #tpu.memory_space<vmem>> -> memref<1x1x128xi32, #tpu.memory_space<vmem>>
    %dma_start3A_509 = tpu.memref_squeeze %dma_start3A_508 : memref<1x1x128xi32, #tpu.memory_space<vmem>> -> memref<128xi32, #tpu.memory_space<vmem>>
    %dma_start3A_510 = arith.constant 0 : i32
    %dma_start3A_511 = arith.constant 0 : i32
    %dma_start3A_512 = tpu.memref_slice %arg7[%dma_start3A_510, %dma_start3A_511] : memref<200x64xf32, #tpu.memory_space<vmem_shared>> -> memref<200x64xf32, #tpu.memory_space<vmem_shared>>
    tpu.enqueue_indirect_dma source(%dma_start3A_512 : memref<200x64xf32, #tpu.memory_space<vmem_shared>>) target(%dma_start3A_506 : memref<128x64xf32, #tpu.memory_space<vmem>>) offsets(%dma_start3A_509 : memref<128xi32, #tpu.memory_space<vmem>>) semaphore(%arg9 : memref<!tpu.dma_semaphore, #tpu.memory_space<semaphore_mem>>)
    %dma_start3A_513 = arith.constant 3 : i32
    %dma_start3A_514 = arith.constant 3 : i32
    %dma_start3A_515 = arith.constant 1 : i32
    %dma_start3A_516 = arith.constant 384 : i32
    %dma_start3A_517 = arith.constant 0 : i32
    %dma_start3A_518 = tpu.memref_slice %arg6[%dma_start3A_515, %dma_start3A_516, %dma_start3A_517] : memref<2x512x64xf32, #tpu.memory_space<vmem>> -> memref<1x128x64xf32, #tpu.memory_space<vmem>>
    %dma_start3A_519 = tpu.memref_squeeze %dma_start3A_518 : memref<1x128x64xf32, #tpu.memory_space<vmem>> -> memref<128x64xf32, #tpu.memory_space<vmem>>
    %dma_start3A_520 = arith.constant 0 : i32
    %dma_start3A_521 = tpu.memref_slice %arg5[%dma_start3A_513, %dma_start3A_514, %dma_start3A_520] : memref<4x4x128xi32, #tpu.memory_space<vmem>> -> memref<1x1x128xi32, #tpu.memory_space<vmem>>
    %dma_start3A_522 = tpu.memref_squeeze %dma_start3A_521 : memref<1x1x128xi32, #tpu.memory_space<vmem>> -> memref<128xi32, #tpu.memory_space<vmem>>
    %dma_start3A_523 = arith.constant 0 : i32
    %dma_start3A_524 = arith.constant 0 : i32
    %dma_start3A_525 = tpu.memref_slice %arg7[%dma_start3A_523, %dma_start3A_524] : memref<200x64xf32, #tpu.memory_space<vmem_shared>> -> memref<200x64xf32, #tpu.memory_space<vmem_shared>>
    tpu.enqueue_indirect_dma source(%dma_start3A_525 : memref<200x64xf32, #tpu.memory_space<vmem_shared>>) target(%dma_start3A_519 : memref<128x64xf32, #tpu.memory_space<vmem>>) offsets(%dma_start3A_522 : memref<128xi32, #tpu.memory_space<vmem>>) semaphore(%arg9 : memref<!tpu.dma_semaphore, #tpu.memory_space<semaphore_mem>>)
    %dma_wait3A_526 = arith.constant 0 : i32
    %dma_wait3A_527 = arith.constant 0 : i32
    %dma_wait3A_528 = arith.constant 0 : i32
    %dma_wait3A_529 = arith.constant 0 : i32
    %dma_wait3A_530 = arith.constant 0 : i32
    %dma_wait3A_531 = tpu.memref_slice %arg6[%dma_wait3A_528, %dma_wait3A_529, %dma_wait3A_530] : memref<2x512x64xf32, #tpu.memory_space<vmem>> -> memref<1x128x64xf32, #tpu.memory_space<vmem>>
    %dma_wait3A_532 = tpu.memref_squeeze %dma_wait3A_531 : memref<1x128x64xf32, #tpu.memory_space<vmem>> -> memref<128x64xf32, #tpu.memory_space<vmem>>
    %dma_wait3A_533 = arith.constant 0 : i32
    %dma_wait3A_534 = tpu.memref_slice %arg5[%dma_wait3A_526, %dma_wait3A_527, %dma_wait3A_533] : memref<4x4x128xi32, #tpu.memory_space<vmem>> -> memref<1x1x128xi32, #tpu.memory_space<vmem>>
    %dma_wait3A_535 = tpu.memref_squeeze %dma_wait3A_534 : memref<1x1x128xi32, #tpu.memory_space<vmem>> -> memref<128xi32, #tpu.memory_space<vmem>>
    %dma_wait3A_536 = arith.constant 0 : i32
    %dma_wait3A_537 = arith.constant 0 : i32
    %dma_wait3A_538 = tpu.memref_slice %arg7[%dma_wait3A_536, %dma_wait3A_537] : memref<200x64xf32, #tpu.memory_space<vmem_shared>> -> memref<200x64xf32, #tpu.memory_space<vmem_shared>>
    tpu.wait_indirect_dma semaphore(%arg8 : memref<!tpu.dma_semaphore, #tpu.memory_space<semaphore_mem>>) src(%dma_wait3A_538 : memref<200x64xf32, #tpu.memory_space<vmem_shared>>) dst(%dma_wait3A_532 : memref<128x64xf32, #tpu.memory_space<vmem>>)
    %dma_wait3A_539 = arith.constant 0 : i32
    %dma_wait3A_540 = arith.constant 0 : i32
    %dma_wait3A_541 = arith.constant 0 : i32
    %dma_wait3A_542 = arith.constant 128 : i32
    %dma_wait3A_543 = arith.constant 0 : i32
    %dma_wait3A_544 = tpu.memref_slice %arg6[%dma_wait3A_541, %dma_wait3A_542, %dma_wait3A_543] : memref<2x512x64xf32, #tpu.memory_space<vmem>> -> memref<1x128x64xf32, #tpu.memory_space<vmem>>
    %dma_wait3A_545 = tpu.memref_squeeze %dma_wait3A_544 : memref<1x128x64xf32, #tpu.memory_space<vmem>> -> memref<128x64xf32, #tpu.memory_space<vmem>>
    %dma_wait3A_546 = arith.constant 0 : i32
    %dma_wait3A_547 = tpu.memref_slice %arg5[%dma_wait3A_539, %dma_wait3A_540, %dma_wait3A_546] : memref<4x4x128xi32, #tpu.memory_space<vmem>> -> memref<1x1x128xi32, #tpu.memory_space<vmem>>
    %dma_wait3A_548 = tpu.memref_squeeze %dma_wait3A_547 : memref<1x1x128xi32, #tpu.memory_space<vmem>> -> memref<128xi32, #tpu.memory_space<vmem>>
    %dma_wait3A_549 = arith.constant 0 : i32
    %dma_wait3A_550 = arith.constant 0 : i32
    %dma_wait3A_551 = tpu.memref_slice %arg7[%dma_wait3A_549, %dma_wait3A_550] : memref<200x64xf32, #tpu.memory_space<vmem_shared>> -> memref<200x64xf32, #tpu.memory_space<vmem_shared>>
    tpu.wait_indirect_dma semaphore(%arg8 : memref<!tpu.dma_semaphore, #tpu.memory_space<semaphore_mem>>) src(%dma_wait3A_551 : memref<200x64xf32, #tpu.memory_space<vmem_shared>>) dst(%dma_wait3A_545 : memref<128x64xf32, #tpu.memory_space<vmem>>)
    %dma_wait3A_552 = arith.constant 0 : i32
    %dma_wait3A_553 = arith.constant 0 : i32
    %dma_wait3A_554 = arith.constant 0 : i32
    %dma_wait3A_555 = arith.constant 256 : i32
    %dma_wait3A_556 = arith.constant 0 : i32
    %dma_wait3A_557 = tpu.memref_slice %arg6[%dma_wait3A_554, %dma_wait3A_555, %dma_wait3A_556] : memref<2x512x64xf32, #tpu.memory_space<vmem>> -> memref<1x128x64xf32, #tpu.memory_space<vmem>>
    %dma_wait3A_558 = tpu.memref_squeeze %dma_wait3A_557 : memref<1x128x64xf32, #tpu.memory_space<vmem>> -> memref<128x64xf32, #tpu.memory_space<vmem>>
    %dma_wait3A_559 = arith.constant 0 : i32
    %dma_wait3A_560 = tpu.memref_slice %arg5[%dma_wait3A_552, %dma_wait3A_553, %dma_wait3A_559] : memref<4x4x128xi32, #tpu.memory_space<vmem>> -> memref<1x1x128xi32, #tpu.memory_space<vmem>>
    %dma_wait3A_561 = tpu.memref_squeeze %dma_wait3A_560 : memref<1x1x128xi32, #tpu.memory_space<vmem>> -> memref<128xi32, #tpu.memory_space<vmem>>
    %dma_wait3A_562 = arith.constant 0 : i32
    %dma_wait3A_563 = arith.constant 0 : i32
    %dma_wait3A_564 = tpu.memref_slice %arg7[%dma_wait3A_562, %dma_wait3A_563] : memref<200x64xf32, #tpu.memory_space<vmem_shared>> -> memref<200x64xf32, #tpu.memory_space<vmem_shared>>
    tpu.wait_indirect_dma semaphore(%arg8 : memref<!tpu.dma_semaphore, #tpu.memory_space<semaphore_mem>>) src(%dma_wait3A_564 : memref<200x64xf32, #tpu.memory_space<vmem_shared>>) dst(%dma_wait3A_558 : memref<128x64xf32, #tpu.memory_space<vmem>>)
    %dma_wait3A_565 = arith.constant 0 : i32
    %dma_wait3A_566 = arith.constant 0 : i32
    %dma_wait3A_567 = arith.constant 0 : i32
    %dma_wait3A_568 = arith.constant 384 : i32
    %dma_wait3A_569 = arith.constant 0 : i32
    %dma_wait3A_570 = tpu.memref_slice %arg6[%dma_wait3A_567, %dma_wait3A_568, %dma_wait3A_569] : memref<2x512x64xf32, #tpu.memory_space<vmem>> -> memref<1x128x64xf32, #tpu.memory_space<vmem>>
    %dma_wait3A_571 = tpu.memref_squeeze %dma_wait3A_570 : memref<1x128x64xf32, #tpu.memory_space<vmem>> -> memref<128x64xf32, #tpu.memory_space<vmem>>
    %dma_wait3A_572 = arith.constant 0 : i32
    %dma_wait3A_573 = tpu.memref_slice %arg5[%dma_wait3A_565, %dma_wait3A_566, %dma_wait3A_572] : memref<4x4x128xi32, #tpu.memory_space<vmem>> -> memref<1x1x128xi32, #tpu.memory_space<vmem>>
    %dma_wait3A_574 = tpu.memref_squeeze %dma_wait3A_573 : memref<1x1x128xi32, #tpu.memory_space<vmem>> -> memref<128xi32, #tpu.memory_space<vmem>>
    %dma_wait3A_575 = arith.constant 0 : i32
    %dma_wait3A_576 = arith.constant 0 : i32
    %dma_wait3A_577 = tpu.memref_slice %arg7[%dma_wait3A_575, %dma_wait3A_576] : memref<200x64xf32, #tpu.memory_space<vmem_shared>> -> memref<200x64xf32, #tpu.memory_space<vmem_shared>>
    tpu.wait_indirect_dma semaphore(%arg8 : memref<!tpu.dma_semaphore, #tpu.memory_space<semaphore_mem>>) src(%dma_wait3A_577 : memref<200x64xf32, #tpu.memory_space<vmem_shared>>) dst(%dma_wait3A_571 : memref<128x64xf32, #tpu.memory_space<vmem>>)
    %add3A_578 = arith.constant 1024 : i32
    %add3A_579 = arith.addi %mul3A_2, %add3A_578 : i32
    %dma_start3A_580 = arith.constant 0 : i32
    %dma_start3A_581 = arith.constant 0 : i32
    %dma_start3A_582 = arith.constant 0 : i32
    %dma_start3A_583 = tpu.memref_slice %arg6[%dma_start3A_580, %dma_start3A_581, %dma_start3A_582] : memref<2x512x64xf32, #tpu.memory_space<vmem>> -> memref<1x512x64xf32, #tpu.memory_space<vmem>>
    %dma_start3A_584 = tpu.memref_squeeze %dma_start3A_583 : memref<1x512x64xf32, #tpu.memory_space<vmem>> -> memref<512x64xf32, #tpu.memory_space<vmem>>
    %dma_start3A_585 = arith.constant 0 : i32
    %dma_start3A_586 = tpu.memref_slice %arg4[%add3A_579, %dma_start3A_585] : memref<3276800x128xf32, #tpu.memory_space<hbm>> -> memref<512x64xf32, #tpu.memory_space<hbm>>
    %dma_start3A_587 = arith.constant 0 : i32
    %dma_start3A_588 = tpu.memref_slice %arg4[%add3A_579, %dma_start3A_587] : memref<3276800x128xf32, #tpu.memory_space<hbm>> -> memref<512x64xf32, #tpu.memory_space<hbm>>
    %dma_start3A_589 = arith.constant 0 : i32
    %dma_start3A_590 = arith.constant 0 : i32
    %dma_start3A_591 = tpu.memref_slice %arg6[%dma_start3A_580, %dma_start3A_589, %dma_start3A_590] : memref<2x512x64xf32, #tpu.memory_space<vmem>> -> memref<1x512x64xf32, #tpu.memory_space<vmem>>
    %dma_start3A_592 = tpu.memref_squeeze %dma_start3A_591 : memref<1x512x64xf32, #tpu.memory_space<vmem>> -> memref<512x64xf32, #tpu.memory_space<vmem>>
    tpu.enqueue_dma source(%dma_start3A_592 : memref<512x64xf32, #tpu.memory_space<vmem>>) target(%dma_start3A_588 : memref<512x64xf32, #tpu.memory_space<hbm>>) target_semaphore(%arg14 : memref<!tpu.dma_semaphore, #tpu.memory_space<semaphore_mem>>)
    %add3A_593 = arith.constant 20 : i32
    %add3A_594 = arith.addi %select_n3A, %add3A_593 : i32
    %dma_start3A_595 = arith.constant 1 : i32
    %dma_start3A_596 = arith.constant 0 : i32
    %dma_start3A_597 = arith.constant 0 : i32
    %dma_start3A_598 = tpu.memref_slice %arg5[%dma_start3A_595, %dma_start3A_596, %dma_start3A_597] : memref<4x4x128xi32, #tpu.memory_space<vmem>> -> memref<1x4x128xi32, #tpu.memory_space<vmem>>
    %dma_start3A_599 = tpu.memref_squeeze %dma_start3A_598 : memref<1x4x128xi32, #tpu.memory_space<vmem>> -> memref<4x128xi32, #tpu.memory_space<vmem>>
    %dma_start3A_600 = arith.constant 0 : i32
    %dma_start3A_601 = tpu.memref_slice %arg3[%add3A_594, %dma_start3A_600] : memref<25600x128xi32, #tpu.memory_space<hbm>> -> memref<4x128xi32, #tpu.memory_space<hbm>>
    %dma_start3A_602 = arith.constant 0 : i32
    %dma_start3A_603 = arith.constant 0 : i32
    %dma_start3A_604 = tpu.memref_slice %arg5[%dma_start3A_595, %dma_start3A_602, %dma_start3A_603] : memref<4x4x128xi32, #tpu.memory_space<vmem>> -> memref<1x4x128xi32, #tpu.memory_space<vmem>>
    %dma_start3A_605 = tpu.memref_squeeze %dma_start3A_604 : memref<1x4x128xi32, #tpu.memory_space<vmem>> -> memref<4x128xi32, #tpu.memory_space<vmem>>
    %dma_start3A_606 = arith.constant 0 : i32
    %dma_start3A_607 = tpu.memref_slice %arg3[%add3A_594, %dma_start3A_606] : memref<25600x128xi32, #tpu.memory_space<hbm>> -> memref<4x128xi32, #tpu.memory_space<hbm>>
    tpu.enqueue_dma source(%dma_start3A_607 : memref<4x128xi32, #tpu.memory_space<hbm>>) target(%dma_start3A_605 : memref<4x128xi32, #tpu.memory_space<vmem>>) target_semaphore(%arg11 : memref<!tpu.dma_semaphore, #tpu.memory_space<semaphore_mem>>)
    %scan3A = arith.constant 0 : i32
    %scan3A_608 = arith.constant 1 : i32
    %scan3A_609 = arith.constant 49 : i32
    %scan3A_610 = arith.addi %scan3A_608, %scan3A_609 : i32
    %scan3A_611 = arith.constant 1 : i32
    %scan3A_612 = scf.for %scan3A_711 = %scan3A_608 to %scan3A_610 step %scan3A_611 iter_args(%scan3A_712 = %scan3A) -> (i32)  : i32 {
      %mul3A_713 = arith.constant 4 : i32
      %mul3A_714 = arith.muli %mul3A_713, %scan3A_711 : i32
      %add3A_715 = arith.constant 0 : i32
      %add3A_716 = arith.addi %mul3A_714, %add3A_715 : i32
      %mul3A_717 = arith.constant 4 : i32
      %mul3A_718 = arith.muli %add3A_716, %mul3A_717 : i32
      %add3A_719 = arith.addi %select_n3A, %mul3A_718 : i32
      %dma_wait3A_720 = arith.constant 0 : i32
      %dma_wait3A_721 = arith.constant 0 : i32
      %dma_wait3A_722 = arith.constant 0 : i32
      %dma_wait3A_723 = tpu.memref_slice %arg5[%dma_wait3A_720, %dma_wait3A_721, %dma_wait3A_722] : memref<4x4x128xi32, #tpu.memory_space<vmem>> -> memref<1x4x128xi32, #tpu.memory_space<vmem>>
      %dma_wait3A_724 = tpu.memref_squeeze %dma_wait3A_723 : memref<1x4x128xi32, #tpu.memory_space<vmem>> -> memref<4x128xi32, #tpu.memory_space<vmem>>
      %dma_wait3A_725 = arith.constant 0 : i32
      %dma_wait3A_726 = tpu.memref_slice %arg3[%add3A_719, %dma_wait3A_725] : memref<25600x128xi32, #tpu.memory_space<hbm>> -> memref<4x128xi32, #tpu.memory_space<hbm>>
      %dma_wait3A_727 = arith.constant 0 : i32
      %dma_wait3A_728 = arith.constant 0 : i32
      %dma_wait3A_729 = tpu.memref_slice %arg5[%dma_wait3A_720, %dma_wait3A_727, %dma_wait3A_728] : memref<4x4x128xi32, #tpu.memory_space<vmem>> -> memref<1x4x128xi32, #tpu.memory_space<vmem>>
      %dma_wait3A_730 = tpu.memref_squeeze %dma_wait3A_729 : memref<1x4x128xi32, #tpu.memory_space<vmem>> -> memref<4x128xi32, #tpu.memory_space<vmem>>
      %dma_wait3A_731 = arith.constant 0 : i32
      %dma_wait3A_732 = tpu.memref_slice %arg3[%add3A_719, %dma_wait3A_731] : memref<25600x128xi32, #tpu.memory_space<hbm>> -> memref<4x128xi32, #tpu.memory_space<hbm>>
      tpu.wait_dma2 semaphore(%arg10 : memref<!tpu.dma_semaphore, #tpu.memory_space<semaphore_mem>>) src(%dma_wait3A_732 : memref<4x128xi32, #tpu.memory_space<hbm>>) dst(%dma_wait3A_730 : memref<4x128xi32, #tpu.memory_space<vmem>>)
      %mul3A_733 = arith.constant 512 : i32
      %mul3A_734 = arith.muli %add3A_716, %mul3A_733 : i32
      %add3A_735 = arith.addi %mul3A_2, %mul3A_734 : i32
      %dma_wait3A_736 = arith.constant 0 : i32
      %dma_wait3A_737 = arith.constant 0 : i32
      %dma_wait3A_738 = arith.constant 0 : i32
      %dma_wait3A_739 = tpu.memref_slice %arg6[%dma_wait3A_736, %dma_wait3A_737, %dma_wait3A_738] : memref<2x512x64xf32, #tpu.memory_space<vmem>> -> memref<1x512x64xf32, #tpu.memory_space<vmem>>
      %dma_wait3A_740 = tpu.memref_squeeze %dma_wait3A_739 : memref<1x512x64xf32, #tpu.memory_space<vmem>> -> memref<512x64xf32, #tpu.memory_space<vmem>>
      %dma_wait3A_741 = arith.constant 0 : i32
      %dma_wait3A_742 = tpu.memref_slice %arg4[%add3A_735, %dma_wait3A_741] : memref<3276800x128xf32, #tpu.memory_space<hbm>> -> memref<512x64xf32, #tpu.memory_space<hbm>>
      %dma_wait3A_743 = arith.constant 0 : i32
      %dma_wait3A_744 = tpu.memref_slice %arg4[%add3A_735, %dma_wait3A_743] : memref<3276800x128xf32, #tpu.memory_space<hbm>> -> memref<512x64xf32, #tpu.memory_space<hbm>>
      %dma_wait3A_745 = arith.constant 0 : i32
      %dma_wait3A_746 = arith.constant 0 : i32
      %dma_wait3A_747 = tpu.memref_slice %arg6[%dma_wait3A_736, %dma_wait3A_745, %dma_wait3A_746] : memref<2x512x64xf32, #tpu.memory_space<vmem>> -> memref<1x512x64xf32, #tpu.memory_space<vmem>>
      %dma_wait3A_748 = tpu.memref_squeeze %dma_wait3A_747 : memref<1x512x64xf32, #tpu.memory_space<vmem>> -> memref<512x64xf32, #tpu.memory_space<vmem>>
      tpu.wait_dma2 semaphore(%arg14 : memref<!tpu.dma_semaphore, #tpu.memory_space<semaphore_mem>>) src(%dma_wait3A_748 : memref<512x64xf32, #tpu.memory_space<vmem>>) dst(%dma_wait3A_744 : memref<512x64xf32, #tpu.memory_space<hbm>>)
      %dma_start3A_749 = arith.constant 0 : i32
      %dma_start3A_750 = arith.constant 0 : i32
      %dma_start3A_751 = arith.constant 0 : i32
      %dma_start3A_752 = arith.constant 0 : i32
      %dma_start3A_753 = arith.constant 0 : i32
      %dma_start3A_754 = tpu.memref_slice %arg6[%dma_start3A_751, %dma_start3A_752, %dma_start3A_753] : memref<2x512x64xf32, #tpu.memory_space<vmem>> -> memref<1x128x64xf32, #tpu.memory_space<vmem>>
      %dma_start3A_755 = tpu.memref_squeeze %dma_start3A_754 : memref<1x128x64xf32, #tpu.memory_space<vmem>> -> memref<128x64xf32, #tpu.memory_space<vmem>>
      %dma_start3A_756 = arith.constant 0 : i32
      %dma_start3A_757 = tpu.memref_slice %arg5[%dma_start3A_749, %dma_start3A_750, %dma_start3A_756] : memref<4x4x128xi32, #tpu.memory_space<vmem>> -> memref<1x1x128xi32, #tpu.memory_space<vmem>>
      %dma_start3A_758 = tpu.memref_squeeze %dma_start3A_757 : memref<1x1x128xi32, #tpu.memory_space<vmem>> -> memref<128xi32, #tpu.memory_space<vmem>>
      %dma_start3A_759 = arith.constant 0 : i32
      %dma_start3A_760 = arith.constant 0 : i32
      %dma_start3A_761 = tpu.memref_slice %arg7[%dma_start3A_759, %dma_start3A_760] : memref<200x64xf32, #tpu.memory_space<vmem_shared>> -> memref<200x64xf32, #tpu.memory_space<vmem_shared>>
      tpu.enqueue_indirect_dma source(%dma_start3A_761 : memref<200x64xf32, #tpu.memory_space<vmem_shared>>) target(%dma_start3A_755 : memref<128x64xf32, #tpu.memory_space<vmem>>) offsets(%dma_start3A_758 : memref<128xi32, #tpu.memory_space<vmem>>) semaphore(%arg8 : memref<!tpu.dma_semaphore, #tpu.memory_space<semaphore_mem>>)
      %dma_start3A_762 = arith.constant 0 : i32
      %dma_start3A_763 = arith.constant 1 : i32
      %dma_start3A_764 = arith.constant 0 : i32
      %dma_start3A_765 = arith.constant 128 : i32
      %dma_start3A_766 = arith.constant 0 : i32
      %dma_start3A_767 = tpu.memref_slice %arg6[%dma_start3A_764, %dma_start3A_765, %dma_start3A_766] : memref<2x512x64xf32, #tpu.memory_space<vmem>> -> memref<1x128x64xf32, #tpu.memory_space<vmem>>
      %dma_start3A_768 = tpu.memref_squeeze %dma_start3A_767 : memref<1x128x64xf32, #tpu.memory_space<vmem>> -> memref<128x64xf32, #tpu.memory_space<vmem>>
      %dma_start3A_769 = arith.constant 0 : i32
      %dma_start3A_770 = tpu.memref_slice %arg5[%dma_start3A_762, %dma_start3A_763, %dma_start3A_769] : memref<4x4x128xi32, #tpu.memory_space<vmem>> -> memref<1x1x128xi32, #tpu.memory_space<vmem>>
      %dma_start3A_771 = tpu.memref_squeeze %dma_start3A_770 : memref<1x1x128xi32, #tpu.memory_space<vmem>> -> memref<128xi32, #tpu.memory_space<vmem>>
      %dma_start3A_772 = arith.constant 0 : i32
      %dma_start3A_773 = arith.constant 0 : i32
      %dma_start3A_774 = tpu.memref_slice %arg7[%dma_start3A_772, %dma_start3A_773] : memref<200x64xf32, #tpu.memory_space<vmem_shared>> -> memref<200x64xf32, #tpu.memory_space<vmem_shared>>
      tpu.enqueue_indirect_dma source(%dma_start3A_774 : memref<200x64xf32, #tpu.memory_space<vmem_shared>>) target(%dma_start3A_768 : memref<128x64xf32, #tpu.memory_space<vmem>>) offsets(%dma_start3A_771 : memref<128xi32, #tpu.memory_space<vmem>>) semaphore(%arg8 : memref<!tpu.dma_semaphore, #tpu.memory_space<semaphore_mem>>)
      %dma_start3A_775 = arith.constant 0 : i32
      %dma_start3A_776 = arith.constant 2 : i32
      %dma_start3A_777 = arith.constant 0 : i32
      %dma_start3A_778 = arith.constant 256 : i32
      %dma_start3A_779 = arith.constant 0 : i32
      %dma_start3A_780 = tpu.memref_slice %arg6[%dma_start3A_777, %dma_start3A_778, %dma_start3A_779] : memref<2x512x64xf32, #tpu.memory_space<vmem>> -> memref<1x128x64xf32, #tpu.memory_space<vmem>>
      %dma_start3A_781 = tpu.memref_squeeze %dma_start3A_780 : memref<1x128x64xf32, #tpu.memory_space<vmem>> -> memref<128x64xf32, #tpu.memory_space<vmem>>
      %dma_start3A_782 = arith.constant 0 : i32
      %dma_start3A_783 = tpu.memref_slice %arg5[%dma_start3A_775, %dma_start3A_776, %dma_start3A_782] : memref<4x4x128xi32, #tpu.memory_space<vmem>> -> memref<1x1x128xi32, #tpu.memory_space<vmem>>
      %dma_start3A_784 = tpu.memref_squeeze %dma_start3A_783 : memref<1x1x128xi32, #tpu.memory_space<vmem>> -> memref<128xi32, #tpu.memory_space<vmem>>
      %dma_start3A_785 = arith.constant 0 : i32
      %dma_start3A_786 = arith.constant 0 : i32
      %dma_start3A_787 = tpu.memref_slice %arg7[%dma_start3A_785, %dma_start3A_786] : memref<200x64xf32, #tpu.memory_space<vmem_shared>> -> memref<200x64xf32, #tpu.memory_space<vmem_shared>>
      tpu.enqueue_indirect_dma source(%dma_start3A_787 : memref<200x64xf32, #tpu.memory_space<vmem_shared>>) target(%dma_start3A_781 : memref<128x64xf32, #tpu.memory_space<vmem>>) offsets(%dma_start3A_784 : memref<128xi32, #tpu.memory_space<vmem>>) semaphore(%arg8 : memref<!tpu.dma_semaphore, #tpu.memory_space<semaphore_mem>>)
      %dma_start3A_788 = arith.constant 0 : i32
      %dma_start3A_789 = arith.constant 3 : i32
      %dma_start3A_790 = arith.constant 0 : i32
      %dma_start3A_791 = arith.constant 384 : i32
      %dma_start3A_792 = arith.constant 0 : i32
      %dma_start3A_793 = tpu.memref_slice %arg6[%dma_start3A_790, %dma_start3A_791, %dma_start3A_792] : memref<2x512x64xf32, #tpu.memory_space<vmem>> -> memref<1x128x64xf32, #tpu.memory_space<vmem>>
      %dma_start3A_794 = tpu.memref_squeeze %dma_start3A_793 : memref<1x128x64xf32, #tpu.memory_space<vmem>> -> memref<128x64xf32, #tpu.memory_space<vmem>>
      %dma_start3A_795 = arith.constant 0 : i32
      %dma_start3A_796 = tpu.memref_slice %arg5[%dma_start3A_788, %dma_start3A_789, %dma_start3A_795] : memref<4x4x128xi32, #tpu.memory_space<vmem>> -> memref<1x1x128xi32, #tpu.memory_space<vmem>>
      %dma_start3A_797 = tpu.memref_squeeze %dma_start3A_796 : memref<1x1x128xi32, #tpu.memory_space<vmem>> -> memref<128xi32, #tpu.memory_space<vmem>>
      %dma_start3A_798 = arith.constant 0 : i32
      %dma_start3A_799 = arith.constant 0 : i32
      %dma_start3A_800 = tpu.memref_slice %arg7[%dma_start3A_798, %dma_start3A_799] : memref<200x64xf32, #tpu.memory_space<vmem_shared>> -> memref<200x64xf32, #tpu.memory_space<vmem_shared>>
      tpu.enqueue_indirect_dma source(%dma_start3A_800 : memref<200x64xf32, #tpu.memory_space<vmem_shared>>) target(%dma_start3A_794 : memref<128x64xf32, #tpu.memory_space<vmem>>) offsets(%dma_start3A_797 : memref<128xi32, #tpu.memory_space<vmem>>) semaphore(%arg8 : memref<!tpu.dma_semaphore, #tpu.memory_space<semaphore_mem>>)
      %dma_wait3A_801 = arith.constant 0 : i32
      %dma_wait3A_802 = arith.constant 0 : i32
      %dma_wait3A_803 = arith.constant 1 : i32
      %dma_wait3A_804 = arith.constant 0 : i32
      %dma_wait3A_805 = arith.constant 0 : i32
      %dma_wait3A_806 = tpu.memref_slice %arg6[%dma_wait3A_803, %dma_wait3A_804, %dma_wait3A_805] : memref<2x512x64xf32, #tpu.memory_space<vmem>> -> memref<1x128x64xf32, #tpu.memory_space<vmem>>
      %dma_wait3A_807 = tpu.memref_squeeze %dma_wait3A_806 : memref<1x128x64xf32, #tpu.memory_space<vmem>> -> memref<128x64xf32, #tpu.memory_space<vmem>>
      %dma_wait3A_808 = arith.constant 0 : i32
      %dma_wait3A_809 = tpu.memref_slice %arg5[%dma_wait3A_801, %dma_wait3A_802, %dma_wait3A_808] : memref<4x4x128xi32, #tpu.memory_space<vmem>> -> memref<1x1x128xi32, #tpu.memory_space<vmem>>
      %dma_wait3A_810 = tpu.memref_squeeze %dma_wait3A_809 : memref<1x1x128xi32, #tpu.memory_space<vmem>> -> memref<128xi32, #tpu.memory_space<vmem>>
      %dma_wait3A_811 = arith.constant 0 : i32
      %dma_wait3A_812 = arith.constant 0 : i32
      %dma_wait3A_813 = tpu.memref_slice %arg7[%dma_wait3A_811, %dma_wait3A_812] : memref<200x64xf32, #tpu.memory_space<vmem_shared>> -> memref<200x64xf32, #tpu.memory_space<vmem_shared>>
      tpu.wait_indirect_dma semaphore(%arg9 : memref<!tpu.dma_semaphore, #tpu.memory_space<semaphore_mem>>) src(%dma_wait3A_813 : memref<200x64xf32, #tpu.memory_space<vmem_shared>>) dst(%dma_wait3A_807 : memref<128x64xf32, #tpu.memory_space<vmem>>)
      %dma_wait3A_814 = arith.constant 0 : i32
      %dma_wait3A_815 = arith.constant 0 : i32
      %dma_wait3A_816 = arith.constant 1 : i32
      %dma_wait3A_817 = arith.constant 128 : i32
      %dma_wait3A_818 = arith.constant 0 : i32
      %dma_wait3A_819 = tpu.memref_slice %arg6[%dma_wait3A_816, %dma_wait3A_817, %dma_wait3A_818] : memref<2x512x64xf32, #tpu.memory_space<vmem>> -> memref<1x128x64xf32, #tpu.memory_space<vmem>>
      %dma_wait3A_820 = tpu.memref_squeeze %dma_wait3A_819 : memref<1x128x64xf32, #tpu.memory_space<vmem>> -> memref<128x64xf32, #tpu.memory_space<vmem>>
      %dma_wait3A_821 = arith.constant 0 : i32
      %dma_wait3A_822 = tpu.memref_slice %arg5[%dma_wait3A_814, %dma_wait3A_815, %dma_wait3A_821] : memref<4x4x128xi32, #tpu.memory_space<vmem>> -> memref<1x1x128xi32, #tpu.memory_space<vmem>>
      %dma_wait3A_823 = tpu.memref_squeeze %dma_wait3A_822 : memref<1x1x128xi32, #tpu.memory_space<vmem>> -> memref<128xi32, #tpu.memory_space<vmem>>
      %dma_wait3A_824 = arith.constant 0 : i32
      %dma_wait3A_825 = arith.constant 0 : i32
      %dma_wait3A_826 = tpu.memref_slice %arg7[%dma_wait3A_824, %dma_wait3A_825] : memref<200x64xf32, #tpu.memory_space<vmem_shared>> -> memref<200x64xf32, #tpu.memory_space<vmem_shared>>
      tpu.wait_indirect_dma semaphore(%arg9 : memref<!tpu.dma_semaphore, #tpu.memory_space<semaphore_mem>>) src(%dma_wait3A_826 : memref<200x64xf32, #tpu.memory_space<vmem_shared>>) dst(%dma_wait3A_820 : memref<128x64xf32, #tpu.memory_space<vmem>>)
      %dma_wait3A_827 = arith.constant 0 : i32
      %dma_wait3A_828 = arith.constant 0 : i32
      %dma_wait3A_829 = arith.constant 1 : i32
      %dma_wait3A_830 = arith.constant 256 : i32
      %dma_wait3A_831 = arith.constant 0 : i32
      %dma_wait3A_832 = tpu.memref_slice %arg6[%dma_wait3A_829, %dma_wait3A_830, %dma_wait3A_831] : memref<2x512x64xf32, #tpu.memory_space<vmem>> -> memref<1x128x64xf32, #tpu.memory_space<vmem>>
      %dma_wait3A_833 = tpu.memref_squeeze %dma_wait3A_832 : memref<1x128x64xf32, #tpu.memory_space<vmem>> -> memref<128x64xf32, #tpu.memory_space<vmem>>
      %dma_wait3A_834 = arith.constant 0 : i32
      %dma_wait3A_835 = tpu.memref_slice %arg5[%dma_wait3A_827, %dma_wait3A_828, %dma_wait3A_834] : memref<4x4x128xi32, #tpu.memory_space<vmem>> -> memref<1x1x128xi32, #tpu.memory_space<vmem>>
      %dma_wait3A_836 = tpu.memref_squeeze %dma_wait3A_835 : memref<1x1x128xi32, #tpu.memory_space<vmem>> -> memref<128xi32, #tpu.memory_space<vmem>>
      %dma_wait3A_837 = arith.constant 0 : i32
      %dma_wait3A_838 = arith.constant 0 : i32
      %dma_wait3A_839 = tpu.memref_slice %arg7[%dma_wait3A_837, %dma_wait3A_838] : memref<200x64xf32, #tpu.memory_space<vmem_shared>> -> memref<200x64xf32, #tpu.memory_space<vmem_shared>>
      tpu.wait_indirect_dma semaphore(%arg9 : memref<!tpu.dma_semaphore, #tpu.memory_space<semaphore_mem>>) src(%dma_wait3A_839 : memref<200x64xf32, #tpu.memory_space<vmem_shared>>) dst(%dma_wait3A_833 : memref<128x64xf32, #tpu.memory_space<vmem>>)
      %dma_wait3A_840 = arith.constant 0 : i32
      %dma_wait3A_841 = arith.constant 0 : i32
      %dma_wait3A_842 = arith.constant 1 : i32
      %dma_wait3A_843 = arith.constant 384 : i32
      %dma_wait3A_844 = arith.constant 0 : i32
      %dma_wait3A_845 = tpu.memref_slice %arg6[%dma_wait3A_842, %dma_wait3A_843, %dma_wait3A_844] : memref<2x512x64xf32, #tpu.memory_space<vmem>> -> memref<1x128x64xf32, #tpu.memory_space<vmem>>
      %dma_wait3A_846 = tpu.memref_squeeze %dma_wait3A_845 : memref<1x128x64xf32, #tpu.memory_space<vmem>> -> memref<128x64xf32, #tpu.memory_space<vmem>>
      %dma_wait3A_847 = arith.constant 0 : i32
      %dma_wait3A_848 = tpu.memref_slice %arg5[%dma_wait3A_840, %dma_wait3A_841, %dma_wait3A_847] : memref<4x4x128xi32, #tpu.memory_space<vmem>> -> memref<1x1x128xi32, #tpu.memory_space<vmem>>
      %dma_wait3A_849 = tpu.memref_squeeze %dma_wait3A_848 : memref<1x1x128xi32, #tpu.memory_space<vmem>> -> memref<128xi32, #tpu.memory_space<vmem>>
      %dma_wait3A_850 = arith.constant 0 : i32
      %dma_wait3A_851 = arith.constant 0 : i32
      %dma_wait3A_852 = tpu.memref_slice %arg7[%dma_wait3A_850, %dma_wait3A_851] : memref<200x64xf32, #tpu.memory_space<vmem_shared>> -> memref<200x64xf32, #tpu.memory_space<vmem_shared>>
      tpu.wait_indirect_dma semaphore(%arg9 : memref<!tpu.dma_semaphore, #tpu.memory_space<semaphore_mem>>) src(%dma_wait3A_852 : memref<200x64xf32, #tpu.memory_space<vmem_shared>>) dst(%dma_wait3A_846 : memref<128x64xf32, #tpu.memory_space<vmem>>)
      %sub3A_853 = arith.constant 1 : i32
      %sub3A_854 = arith.subi %add3A_716, %sub3A_853 : i32
      %mul3A_855 = arith.constant 512 : i32
      %mul3A_856 = arith.muli %sub3A_854, %mul3A_855 : i32
      %add3A_857 = arith.addi %mul3A_2, %mul3A_856 : i32
      %dma_start3A_858 = arith.constant 1 : i32
      %dma_start3A_859 = arith.constant 0 : i32
      %dma_start3A_860 = arith.constant 0 : i32
      %dma_start3A_861 = tpu.memref_slice %arg6[%dma_start3A_858, %dma_start3A_859, %dma_start3A_860] : memref<2x512x64xf32, #tpu.memory_space<vmem>> -> memref<1x512x64xf32, #tpu.memory_space<vmem>>
      %dma_start3A_862 = tpu.memref_squeeze %dma_start3A_861 : memref<1x512x64xf32, #tpu.memory_space<vmem>> -> memref<512x64xf32, #tpu.memory_space<vmem>>
      %dma_start3A_863 = arith.constant 0 : i32
      %dma_start3A_864 = tpu.memref_slice %arg4[%add3A_857, %dma_start3A_863] : memref<3276800x128xf32, #tpu.memory_space<hbm>> -> memref<512x64xf32, #tpu.memory_space<hbm>>
      %dma_start3A_865 = arith.constant 0 : i32
      %dma_start3A_866 = tpu.memref_slice %arg4[%add3A_857, %dma_start3A_865] : memref<3276800x128xf32, #tpu.memory_space<hbm>> -> memref<512x64xf32, #tpu.memory_space<hbm>>
      %dma_start3A_867 = arith.constant 0 : i32
      %dma_start3A_868 = arith.constant 0 : i32
      %dma_start3A_869 = tpu.memref_slice %arg6[%dma_start3A_858, %dma_start3A_867, %dma_start3A_868] : memref<2x512x64xf32, #tpu.memory_space<vmem>> -> memref<1x512x64xf32, #tpu.memory_space<vmem>>
      %dma_start3A_870 = tpu.memref_squeeze %dma_start3A_869 : memref<1x512x64xf32, #tpu.memory_space<vmem>> -> memref<512x64xf32, #tpu.memory_space<vmem>>
      tpu.enqueue_dma source(%dma_start3A_870 : memref<512x64xf32, #tpu.memory_space<vmem>>) target(%dma_start3A_866 : memref<512x64xf32, #tpu.memory_space<hbm>>) target_semaphore(%arg15 : memref<!tpu.dma_semaphore, #tpu.memory_space<semaphore_mem>>)
      %add3A_871 = arith.constant 2 : i32
      %add3A_872 = arith.addi %add3A_716, %add3A_871 : i32
      %lt3A = arith.constant 200 : i32
      %lt3A_873 = arith.cmpi slt, %add3A_872, %lt3A : i32
      %convert_element_type3A_874 = arith.extui %lt3A_873 : i1 to i32
      %cond3A_875 = arith.constant 0 : i32
      %cond3A_876 = arith.cmpi ne, %convert_element_type3A_874, %cond3A_875 : i32
      scf.if %cond3A_876 {
        %add3A_1373 = arith.constant 2 : i32
        %add3A_1374 = arith.addi %add3A_716, %add3A_1373 : i32
        %mul3A_1375 = arith.constant 4 : i32
        %mul3A_1376 = arith.muli %add3A_1374, %mul3A_1375 : i32
        %add3A_1377 = arith.addi %select_n3A, %mul3A_1376 : i32
        %dma_start3A_1378 = arith.constant 2 : i32
        %dma_start3A_1379 = arith.constant 0 : i32
        %dma_start3A_1380 = arith.constant 0 : i32
        %dma_start3A_1381 = tpu.memref_slice %arg5[%dma_start3A_1378, %dma_start3A_1379, %dma_start3A_1380] : memref<4x4x128xi32, #tpu.memory_space<vmem>> -> memref<1x4x128xi32, #tpu.memory_space<vmem>>
        %dma_start3A_1382 = tpu.memref_squeeze %dma_start3A_1381 : memref<1x4x128xi32, #tpu.memory_space<vmem>> -> memref<4x128xi32, #tpu.memory_space<vmem>>
        %dma_start3A_1383 = arith.constant 0 : i32
        %dma_start3A_1384 = tpu.memref_slice %arg3[%add3A_1377, %dma_start3A_1383] : memref<25600x128xi32, #tpu.memory_space<hbm>> -> memref<4x128xi32, #tpu.memory_space<hbm>>
        %dma_start3A_1385 = arith.constant 0 : i32
        %dma_start3A_1386 = arith.constant 0 : i32
        %dma_start3A_1387 = tpu.memref_slice %arg5[%dma_start3A_1378, %dma_start3A_1385, %dma_start3A_1386] : memref<4x4x128xi32, #tpu.memory_space<vmem>> -> memref<1x4x128xi32, #tpu.memory_space<vmem>>
        %dma_start3A_1388 = tpu.memref_squeeze %dma_start3A_1387 : memref<1x4x128xi32, #tpu.memory_space<vmem>> -> memref<4x128xi32, #tpu.memory_space<vmem>>
        %dma_start3A_1389 = arith.constant 0 : i32
        %dma_start3A_1390 = tpu.memref_slice %arg3[%add3A_1377, %dma_start3A_1389] : memref<25600x128xi32, #tpu.memory_space<hbm>> -> memref<4x128xi32, #tpu.memory_space<hbm>>
        tpu.enqueue_dma source(%dma_start3A_1390 : memref<4x128xi32, #tpu.memory_space<hbm>>) target(%dma_start3A_1388 : memref<4x128xi32, #tpu.memory_space<vmem>>) target_semaphore(%arg12 : memref<!tpu.dma_semaphore, #tpu.memory_space<semaphore_mem>>)
      } else {
      }
      %mul3A_877 = arith.constant 4 : i32
      %mul3A_878 = arith.muli %mul3A_877, %scan3A_711 : i32
      %add3A_879 = arith.constant 1 : i32
      %add3A_880 = arith.addi %mul3A_878, %add3A_879 : i32
      %mul3A_881 = arith.constant 4 : i32
      %mul3A_882 = arith.muli %add3A_880, %mul3A_881 : i32
      %add3A_883 = arith.addi %select_n3A, %mul3A_882 : i32
      %dma_wait3A_884 = arith.constant 1 : i32
      %dma_wait3A_885 = arith.constant 0 : i32
      %dma_wait3A_886 = arith.constant 0 : i32
      %dma_wait3A_887 = tpu.memref_slice %arg5[%dma_wait3A_884, %dma_wait3A_885, %dma_wait3A_886] : memref<4x4x128xi32, #tpu.memory_space<vmem>> -> memref<1x4x128xi32, #tpu.memory_space<vmem>>
      %dma_wait3A_888 = tpu.memref_squeeze %dma_wait3A_887 : memref<1x4x128xi32, #tpu.memory_space<vmem>> -> memref<4x128xi32, #tpu.memory_space<vmem>>
      %dma_wait3A_889 = arith.constant 0 : i32
      %dma_wait3A_890 = tpu.memref_slice %arg3[%add3A_883, %dma_wait3A_889] : memref<25600x128xi32, #tpu.memory_space<hbm>> -> memref<4x128xi32, #tpu.memory_space<hbm>>
      %dma_wait3A_891 = arith.constant 0 : i32
      %dma_wait3A_892 = arith.constant 0 : i32
      %dma_wait3A_893 = tpu.memref_slice %arg5[%dma_wait3A_884, %dma_wait3A_891, %dma_wait3A_892] : memref<4x4x128xi32, #tpu.memory_space<vmem>> -> memref<1x4x128xi32, #tpu.memory_space<vmem>>
      %dma_wait3A_894 = tpu.memref_squeeze %dma_wait3A_893 : memref<1x4x128xi32, #tpu.memory_space<vmem>> -> memref<4x128xi32, #tpu.memory_space<vmem>>
      %dma_wait3A_895 = arith.constant 0 : i32
      %dma_wait3A_896 = tpu.memref_slice %arg3[%add3A_883, %dma_wait3A_895] : memref<25600x128xi32, #tpu.memory_space<hbm>> -> memref<4x128xi32, #tpu.memory_space<hbm>>
      tpu.wait_dma2 semaphore(%arg11 : memref<!tpu.dma_semaphore, #tpu.memory_space<semaphore_mem>>) src(%dma_wait3A_896 : memref<4x128xi32, #tpu.memory_space<hbm>>) dst(%dma_wait3A_894 : memref<4x128xi32, #tpu.memory_space<vmem>>)
      %mul3A_897 = arith.constant 512 : i32
      %mul3A_898 = arith.muli %add3A_880, %mul3A_897 : i32
      %add3A_899 = arith.addi %mul3A_2, %mul3A_898 : i32
      %dma_wait3A_900 = arith.constant 1 : i32
      %dma_wait3A_901 = arith.constant 0 : i32
      %dma_wait3A_902 = arith.constant 0 : i32
      %dma_wait3A_903 = tpu.memref_slice %arg6[%dma_wait3A_900, %dma_wait3A_901, %dma_wait3A_902] : memref<2x512x64xf32, #tpu.memory_space<vmem>> -> memref<1x512x64xf32, #tpu.memory_space<vmem>>
      %dma_wait3A_904 = tpu.memref_squeeze %dma_wait3A_903 : memref<1x512x64xf32, #tpu.memory_space<vmem>> -> memref<512x64xf32, #tpu.memory_space<vmem>>
      %dma_wait3A_905 = arith.constant 0 : i32
      %dma_wait3A_906 = tpu.memref_slice %arg4[%add3A_899, %dma_wait3A_905] : memref<3276800x128xf32, #tpu.memory_space<hbm>> -> memref<512x64xf32, #tpu.memory_space<hbm>>
      %dma_wait3A_907 = arith.constant 0 : i32
      %dma_wait3A_908 = tpu.memref_slice %arg4[%add3A_899, %dma_wait3A_907] : memref<3276800x128xf32, #tpu.memory_space<hbm>> -> memref<512x64xf32, #tpu.memory_space<hbm>>
      %dma_wait3A_909 = arith.constant 0 : i32
      %dma_wait3A_910 = arith.constant 0 : i32
      %dma_wait3A_911 = tpu.memref_slice %arg6[%dma_wait3A_900, %dma_wait3A_909, %dma_wait3A_910] : memref<2x512x64xf32, #tpu.memory_space<vmem>> -> memref<1x512x64xf32, #tpu.memory_space<vmem>>
      %dma_wait3A_912 = tpu.memref_squeeze %dma_wait3A_911 : memref<1x512x64xf32, #tpu.memory_space<vmem>> -> memref<512x64xf32, #tpu.memory_space<vmem>>
      tpu.wait_dma2 semaphore(%arg15 : memref<!tpu.dma_semaphore, #tpu.memory_space<semaphore_mem>>) src(%dma_wait3A_912 : memref<512x64xf32, #tpu.memory_space<vmem>>) dst(%dma_wait3A_908 : memref<512x64xf32, #tpu.memory_space<hbm>>)
      %dma_start3A_913 = arith.constant 1 : i32
      %dma_start3A_914 = arith.constant 0 : i32
      %dma_start3A_915 = arith.constant 1 : i32
      %dma_start3A_916 = arith.constant 0 : i32
      %dma_start3A_917 = arith.constant 0 : i32
      %dma_start3A_918 = tpu.memref_slice %arg6[%dma_start3A_915, %dma_start3A_916, %dma_start3A_917] : memref<2x512x64xf32, #tpu.memory_space<vmem>> -> memref<1x128x64xf32, #tpu.memory_space<vmem>>
      %dma_start3A_919 = tpu.memref_squeeze %dma_start3A_918 : memref<1x128x64xf32, #tpu.memory_space<vmem>> -> memref<128x64xf32, #tpu.memory_space<vmem>>
      %dma_start3A_920 = arith.constant 0 : i32
      %dma_start3A_921 = tpu.memref_slice %arg5[%dma_start3A_913, %dma_start3A_914, %dma_start3A_920] : memref<4x4x128xi32, #tpu.memory_space<vmem>> -> memref<1x1x128xi32, #tpu.memory_space<vmem>>
      %dma_start3A_922 = tpu.memref_squeeze %dma_start3A_921 : memref<1x1x128xi32, #tpu.memory_space<vmem>> -> memref<128xi32, #tpu.memory_space<vmem>>
      %dma_start3A_923 = arith.constant 0 : i32
      %dma_start3A_924 = arith.constant 0 : i32
      %dma_start3A_925 = tpu.memref_slice %arg7[%dma_start3A_923, %dma_start3A_924] : memref<200x64xf32, #tpu.memory_space<vmem_shared>> -> memref<200x64xf32, #tpu.memory_space<vmem_shared>>
      tpu.enqueue_indirect_dma source(%dma_start3A_925 : memref<200x64xf32, #tpu.memory_space<vmem_shared>>) target(%dma_start3A_919 : memref<128x64xf32, #tpu.memory_space<vmem>>) offsets(%dma_start3A_922 : memref<128xi32, #tpu.memory_space<vmem>>) semaphore(%arg9 : memref<!tpu.dma_semaphore, #tpu.memory_space<semaphore_mem>>)
      %dma_start3A_926 = arith.constant 1 : i32
      %dma_start3A_927 = arith.constant 1 : i32
      %dma_start3A_928 = arith.constant 1 : i32
      %dma_start3A_929 = arith.constant 128 : i32
      %dma_start3A_930 = arith.constant 0 : i32
      %dma_start3A_931 = tpu.memref_slice %arg6[%dma_start3A_928, %dma_start3A_929, %dma_start3A_930] : memref<2x512x64xf32, #tpu.memory_space<vmem>> -> memref<1x128x64xf32, #tpu.memory_space<vmem>>
      %dma_start3A_932 = tpu.memref_squeeze %dma_start3A_931 : memref<1x128x64xf32, #tpu.memory_space<vmem>> -> memref<128x64xf32, #tpu.memory_space<vmem>>
      %dma_start3A_933 = arith.constant 0 : i32
      %dma_start3A_934 = tpu.memref_slice %arg5[%dma_start3A_926, %dma_start3A_927, %dma_start3A_933] : memref<4x4x128xi32, #tpu.memory_space<vmem>> -> memref<1x1x128xi32, #tpu.memory_space<vmem>>
      %dma_start3A_935 = tpu.memref_squeeze %dma_start3A_934 : memref<1x1x128xi32, #tpu.memory_space<vmem>> -> memref<128xi32, #tpu.memory_space<vmem>>
      %dma_start3A_936 = arith.constant 0 : i32
      %dma_start3A_937 = arith.constant 0 : i32
      %dma_start3A_938 = tpu.memref_slice %arg7[%dma_start3A_936, %dma_start3A_937] : memref<200x64xf32, #tpu.memory_space<vmem_shared>> -> memref<200x64xf32, #tpu.memory_space<vmem_shared>>
      tpu.enqueue_indirect_dma source(%dma_start3A_938 : memref<200x64xf32, #tpu.memory_space<vmem_shared>>) target(%dma_start3A_932 : memref<128x64xf32, #tpu.memory_space<vmem>>) offsets(%dma_start3A_935 : memref<128xi32, #tpu.memory_space<vmem>>) semaphore(%arg9 : memref<!tpu.dma_semaphore, #tpu.memory_space<semaphore_mem>>)
      %dma_start3A_939 = arith.constant 1 : i32
      %dma_start3A_940 = arith.constant 2 : i32
      %dma_start3A_941 = arith.constant 1 : i32
      %dma_start3A_942 = arith.constant 256 : i32
      %dma_start3A_943 = arith.constant 0 : i32
      %dma_start3A_944 = tpu.memref_slice %arg6[%dma_start3A_941, %dma_start3A_942, %dma_start3A_943] : memref<2x512x64xf32, #tpu.memory_space<vmem>> -> memref<1x128x64xf32, #tpu.memory_space<vmem>>
      %dma_start3A_945 = tpu.memref_squeeze %dma_start3A_944 : memref<1x128x64xf32, #tpu.memory_space<vmem>> -> memref<128x64xf32, #tpu.memory_space<vmem>>
      %dma_start3A_946 = arith.constant 0 : i32
      %dma_start3A_947 = tpu.memref_slice %arg5[%dma_start3A_939, %dma_start3A_940, %dma_start3A_946] : memref<4x4x128xi32, #tpu.memory_space<vmem>> -> memref<1x1x128xi32, #tpu.memory_space<vmem>>
      %dma_start3A_948 = tpu.memref_squeeze %dma_start3A_947 : memref<1x1x128xi32, #tpu.memory_space<vmem>> -> memref<128xi32, #tpu.memory_space<vmem>>
      %dma_start3A_949 = arith.constant 0 : i32
      %dma_start3A_950 = arith.constant 0 : i32
      %dma_start3A_951 = tpu.memref_slice %arg7[%dma_start3A_949, %dma_start3A_950] : memref<200x64xf32, #tpu.memory_space<vmem_shared>> -> memref<200x64xf32, #tpu.memory_space<vmem_shared>>
      tpu.enqueue_indirect_dma source(%dma_start3A_951 : memref<200x64xf32, #tpu.memory_space<vmem_shared>>) target(%dma_start3A_945 : memref<128x64xf32, #tpu.memory_space<vmem>>) offsets(%dma_start3A_948 : memref<128xi32, #tpu.memory_space<vmem>>) semaphore(%arg9 : memref<!tpu.dma_semaphore, #tpu.memory_space<semaphore_mem>>)
      %dma_start3A_952 = arith.constant 1 : i32
      %dma_start3A_953 = arith.constant 3 : i32
      %dma_start3A_954 = arith.constant 1 : i32
      %dma_start3A_955 = arith.constant 384 : i32
      %dma_start3A_956 = arith.constant 0 : i32
      %dma_start3A_957 = tpu.memref_slice %arg6[%dma_start3A_954, %dma_start3A_955, %dma_start3A_956] : memref<2x512x64xf32, #tpu.memory_space<vmem>> -> memref<1x128x64xf32, #tpu.memory_space<vmem>>
      %dma_start3A_958 = tpu.memref_squeeze %dma_start3A_957 : memref<1x128x64xf32, #tpu.memory_space<vmem>> -> memref<128x64xf32, #tpu.memory_space<vmem>>
      %dma_start3A_959 = arith.constant 0 : i32
      %dma_start3A_960 = tpu.memref_slice %arg5[%dma_start3A_952, %dma_start3A_953, %dma_start3A_959] : memref<4x4x128xi32, #tpu.memory_space<vmem>> -> memref<1x1x128xi32, #tpu.memory_space<vmem>>
      %dma_start3A_961 = tpu.memref_squeeze %dma_start3A_960 : memref<1x1x128xi32, #tpu.memory_space<vmem>> -> memref<128xi32, #tpu.memory_space<vmem>>
      %dma_start3A_962 = arith.constant 0 : i32
      %dma_start3A_963 = arith.constant 0 : i32
      %dma_start3A_964 = tpu.memref_slice %arg7[%dma_start3A_962, %dma_start3A_963] : memref<200x64xf32, #tpu.memory_space<vmem_shared>> -> memref<200x64xf32, #tpu.memory_space<vmem_shared>>
      tpu.enqueue_indirect_dma source(%dma_start3A_964 : memref<200x64xf32, #tpu.memory_space<vmem_shared>>) target(%dma_start3A_958 : memref<128x64xf32, #tpu.memory_space<vmem>>) offsets(%dma_start3A_961 : memref<128xi32, #tpu.memory_space<vmem>>) semaphore(%arg9 : memref<!tpu.dma_semaphore, #tpu.memory_space<semaphore_mem>>)
      %dma_wait3A_965 = arith.constant 0 : i32
      %dma_wait3A_966 = arith.constant 0 : i32
      %dma_wait3A_967 = arith.constant 0 : i32
      %dma_wait3A_968 = arith.constant 0 : i32
      %dma_wait3A_969 = arith.constant 0 : i32
      %dma_wait3A_970 = tpu.memref_slice %arg6[%dma_wait3A_967, %dma_wait3A_968, %dma_wait3A_969] : memref<2x512x64xf32, #tpu.memory_space<vmem>> -> memref<1x128x64xf32, #tpu.memory_space<vmem>>
      %dma_wait3A_971 = tpu.memref_squeeze %dma_wait3A_970 : memref<1x128x64xf32, #tpu.memory_space<vmem>> -> memref<128x64xf32, #tpu.memory_space<vmem>>
      %dma_wait3A_972 = arith.constant 0 : i32
      %dma_wait3A_973 = tpu.memref_slice %arg5[%dma_wait3A_965, %dma_wait3A_966, %dma_wait3A_972] : memref<4x4x128xi32, #tpu.memory_space<vmem>> -> memref<1x1x128xi32, #tpu.memory_space<vmem>>
      %dma_wait3A_974 = tpu.memref_squeeze %dma_wait3A_973 : memref<1x1x128xi32, #tpu.memory_space<vmem>> -> memref<128xi32, #tpu.memory_space<vmem>>
      %dma_wait3A_975 = arith.constant 0 : i32
      %dma_wait3A_976 = arith.constant 0 : i32
      %dma_wait3A_977 = tpu.memref_slice %arg7[%dma_wait3A_975, %dma_wait3A_976] : memref<200x64xf32, #tpu.memory_space<vmem_shared>> -> memref<200x64xf32, #tpu.memory_space<vmem_shared>>
      tpu.wait_indirect_dma semaphore(%arg8 : memref<!tpu.dma_semaphore, #tpu.memory_space<semaphore_mem>>) src(%dma_wait3A_977 : memref<200x64xf32, #tpu.memory_space<vmem_shared>>) dst(%dma_wait3A_971 : memref<128x64xf32, #tpu.memory_space<vmem>>)
      %dma_wait3A_978 = arith.constant 0 : i32
      %dma_wait3A_979 = arith.constant 0 : i32
      %dma_wait3A_980 = arith.constant 0 : i32
      %dma_wait3A_981 = arith.constant 128 : i32
      %dma_wait3A_982 = arith.constant 0 : i32
      %dma_wait3A_983 = tpu.memref_slice %arg6[%dma_wait3A_980, %dma_wait3A_981, %dma_wait3A_982] : memref<2x512x64xf32, #tpu.memory_space<vmem>> -> memref<1x128x64xf32, #tpu.memory_space<vmem>>
      %dma_wait3A_984 = tpu.memref_squeeze %dma_wait3A_983 : memref<1x128x64xf32, #tpu.memory_space<vmem>> -> memref<128x64xf32, #tpu.memory_space<vmem>>
      %dma_wait3A_985 = arith.constant 0 : i32
      %dma_wait3A_986 = tpu.memref_slice %arg5[%dma_wait3A_978, %dma_wait3A_979, %dma_wait3A_985] : memref<4x4x128xi32, #tpu.memory_space<vmem>> -> memref<1x1x128xi32, #tpu.memory_space<vmem>>
      %dma_wait3A_987 = tpu.memref_squeeze %dma_wait3A_986 : memref<1x1x128xi32, #tpu.memory_space<vmem>> -> memref<128xi32, #tpu.memory_space<vmem>>
      %dma_wait3A_988 = arith.constant 0 : i32
      %dma_wait3A_989 = arith.constant 0 : i32
      %dma_wait3A_990 = tpu.memref_slice %arg7[%dma_wait3A_988, %dma_wait3A_989] : memref<200x64xf32, #tpu.memory_space<vmem_shared>> -> memref<200x64xf32, #tpu.memory_space<vmem_shared>>
      tpu.wait_indirect_dma semaphore(%arg8 : memref<!tpu.dma_semaphore, #tpu.memory_space<semaphore_mem>>) src(%dma_wait3A_990 : memref<200x64xf32, #tpu.memory_space<vmem_shared>>) dst(%dma_wait3A_984 : memref<128x64xf32, #tpu.memory_space<vmem>>)
      %dma_wait3A_991 = arith.constant 0 : i32
      %dma_wait3A_992 = arith.constant 0 : i32
      %dma_wait3A_993 = arith.constant 0 : i32
      %dma_wait3A_994 = arith.constant 256 : i32
      %dma_wait3A_995 = arith.constant 0 : i32
      %dma_wait3A_996 = tpu.memref_slice %arg6[%dma_wait3A_993, %dma_wait3A_994, %dma_wait3A_995] : memref<2x512x64xf32, #tpu.memory_space<vmem>> -> memref<1x128x64xf32, #tpu.memory_space<vmem>>
      %dma_wait3A_997 = tpu.memref_squeeze %dma_wait3A_996 : memref<1x128x64xf32, #tpu.memory_space<vmem>> -> memref<128x64xf32, #tpu.memory_space<vmem>>
      %dma_wait3A_998 = arith.constant 0 : i32
      %dma_wait3A_999 = tpu.memref_slice %arg5[%dma_wait3A_991, %dma_wait3A_992, %dma_wait3A_998] : memref<4x4x128xi32, #tpu.memory_space<vmem>> -> memref<1x1x128xi32, #tpu.memory_space<vmem>>
      %dma_wait3A_1000 = tpu.memref_squeeze %dma_wait3A_999 : memref<1x1x128xi32, #tpu.memory_space<vmem>> -> memref<128xi32, #tpu.memory_space<vmem>>
      %dma_wait3A_1001 = arith.constant 0 : i32
      %dma_wait3A_1002 = arith.constant 0 : i32
      %dma_wait3A_1003 = tpu.memref_slice %arg7[%dma_wait3A_1001, %dma_wait3A_1002] : memref<200x64xf32, #tpu.memory_space<vmem_shared>> -> memref<200x64xf32, #tpu.memory_space<vmem_shared>>
      tpu.wait_indirect_dma semaphore(%arg8 : memref<!tpu.dma_semaphore, #tpu.memory_space<semaphore_mem>>) src(%dma_wait3A_1003 : memref<200x64xf32, #tpu.memory_space<vmem_shared>>) dst(%dma_wait3A_997 : memref<128x64xf32, #tpu.memory_space<vmem>>)
      %dma_wait3A_1004 = arith.constant 0 : i32
      %dma_wait3A_1005 = arith.constant 0 : i32
      %dma_wait3A_1006 = arith.constant 0 : i32
      %dma_wait3A_1007 = arith.constant 384 : i32
      %dma_wait3A_1008 = arith.constant 0 : i32
      %dma_wait3A_1009 = tpu.memref_slice %arg6[%dma_wait3A_1006, %dma_wait3A_1007, %dma_wait3A_1008] : memref<2x512x64xf32, #tpu.memory_space<vmem>> -> memref<1x128x64xf32, #tpu.memory_space<vmem>>
      %dma_wait3A_1010 = tpu.memref_squeeze %dma_wait3A_1009 : memref<1x128x64xf32, #tpu.memory_space<vmem>> -> memref<128x64xf32, #tpu.memory_space<vmem>>
      %dma_wait3A_1011 = arith.constant 0 : i32
      %dma_wait3A_1012 = tpu.memref_slice %arg5[%dma_wait3A_1004, %dma_wait3A_1005, %dma_wait3A_1011] : memref<4x4x128xi32, #tpu.memory_space<vmem>> -> memref<1x1x128xi32, #tpu.memory_space<vmem>>
      %dma_wait3A_1013 = tpu.memref_squeeze %dma_wait3A_1012 : memref<1x1x128xi32, #tpu.memory_space<vmem>> -> memref<128xi32, #tpu.memory_space<vmem>>
      %dma_wait3A_1014 = arith.constant 0 : i32
      %dma_wait3A_1015 = arith.constant 0 : i32
      %dma_wait3A_1016 = tpu.memref_slice %arg7[%dma_wait3A_1014, %dma_wait3A_1015] : memref<200x64xf32, #tpu.memory_space<vmem_shared>> -> memref<200x64xf32, #tpu.memory_space<vmem_shared>>
      tpu.wait_indirect_dma semaphore(%arg8 : memref<!tpu.dma_semaphore, #tpu.memory_space<semaphore_mem>>) src(%dma_wait3A_1016 : memref<200x64xf32, #tpu.memory_space<vmem_shared>>) dst(%dma_wait3A_1010 : memref<128x64xf32, #tpu.memory_space<vmem>>)
      %sub3A_1017 = arith.constant 1 : i32
      %sub3A_1018 = arith.subi %add3A_880, %sub3A_1017 : i32
      %mul3A_1019 = arith.constant 512 : i32
      %mul3A_1020 = arith.muli %sub3A_1018, %mul3A_1019 : i32
      %add3A_1021 = arith.addi %mul3A_2, %mul3A_1020 : i32
      %dma_start3A_1022 = arith.constant 0 : i32
      %dma_start3A_1023 = arith.constant 0 : i32
      %dma_start3A_1024 = arith.constant 0 : i32
      %dma_start3A_1025 = tpu.memref_slice %arg6[%dma_start3A_1022, %dma_start3A_1023, %dma_start3A_1024] : memref<2x512x64xf32, #tpu.memory_space<vmem>> -> memref<1x512x64xf32, #tpu.memory_space<vmem>>
      %dma_start3A_1026 = tpu.memref_squeeze %dma_start3A_1025 : memref<1x512x64xf32, #tpu.memory_space<vmem>> -> memref<512x64xf32, #tpu.memory_space<vmem>>
      %dma_start3A_1027 = arith.constant 0 : i32
      %dma_start3A_1028 = tpu.memref_slice %arg4[%add3A_1021, %dma_start3A_1027] : memref<3276800x128xf32, #tpu.memory_space<hbm>> -> memref<512x64xf32, #tpu.memory_space<hbm>>
      %dma_start3A_1029 = arith.constant 0 : i32
      %dma_start3A_1030 = tpu.memref_slice %arg4[%add3A_1021, %dma_start3A_1029] : memref<3276800x128xf32, #tpu.memory_space<hbm>> -> memref<512x64xf32, #tpu.memory_space<hbm>>
      %dma_start3A_1031 = arith.constant 0 : i32
      %dma_start3A_1032 = arith.constant 0 : i32
      %dma_start3A_1033 = tpu.memref_slice %arg6[%dma_start3A_1022, %dma_start3A_1031, %dma_start3A_1032] : memref<2x512x64xf32, #tpu.memory_space<vmem>> -> memref<1x512x64xf32, #tpu.memory_space<vmem>>
      %dma_start3A_1034 = tpu.memref_squeeze %dma_start3A_1033 : memref<1x512x64xf32, #tpu.memory_space<vmem>> -> memref<512x64xf32, #tpu.memory_space<vmem>>
      tpu.enqueue_dma source(%dma_start3A_1034 : memref<512x64xf32, #tpu.memory_space<vmem>>) target(%dma_start3A_1030 : memref<512x64xf32, #tpu.memory_space<hbm>>) target_semaphore(%arg14 : memref<!tpu.dma_semaphore, #tpu.memory_space<semaphore_mem>>)
      %add3A_1035 = arith.constant 2 : i32
      %add3A_1036 = arith.addi %add3A_880, %add3A_1035 : i32
      %lt3A_1037 = arith.constant 200 : i32
      %lt3A_1038 = arith.cmpi slt, %add3A_1036, %lt3A_1037 : i32
      %convert_element_type3A_1039 = arith.extui %lt3A_1038 : i1 to i32
      %cond3A_1040 = arith.constant 0 : i32
      %cond3A_1041 = arith.cmpi ne, %convert_element_type3A_1039, %cond3A_1040 : i32
      scf.if %cond3A_1041 {
        %add3A_1373 = arith.constant 2 : i32
        %add3A_1374 = arith.addi %add3A_880, %add3A_1373 : i32
        %mul3A_1375 = arith.constant 4 : i32
        %mul3A_1376 = arith.muli %add3A_1374, %mul3A_1375 : i32
        %add3A_1377 = arith.addi %select_n3A, %mul3A_1376 : i32
        %dma_start3A_1378 = arith.constant 3 : i32
        %dma_start3A_1379 = arith.constant 0 : i32
        %dma_start3A_1380 = arith.constant 0 : i32
        %dma_start3A_1381 = tpu.memref_slice %arg5[%dma_start3A_1378, %dma_start3A_1379, %dma_start3A_1380] : memref<4x4x128xi32, #tpu.memory_space<vmem>> -> memref<1x4x128xi32, #tpu.memory_space<vmem>>
        %dma_start3A_1382 = tpu.memref_squeeze %dma_start3A_1381 : memref<1x4x128xi32, #tpu.memory_space<vmem>> -> memref<4x128xi32, #tpu.memory_space<vmem>>
        %dma_start3A_1383 = arith.constant 0 : i32
        %dma_start3A_1384 = tpu.memref_slice %arg3[%add3A_1377, %dma_start3A_1383] : memref<25600x128xi32, #tpu.memory_space<hbm>> -> memref<4x128xi32, #tpu.memory_space<hbm>>
        %dma_start3A_1385 = arith.constant 0 : i32
        %dma_start3A_1386 = arith.constant 0 : i32
        %dma_start3A_1387 = tpu.memref_slice %arg5[%dma_start3A_1378, %dma_start3A_1385, %dma_start3A_1386] : memref<4x4x128xi32, #tpu.memory_space<vmem>> -> memref<1x4x128xi32, #tpu.memory_space<vmem>>
        %dma_start3A_1388 = tpu.memref_squeeze %dma_start3A_1387 : memref<1x4x128xi32, #tpu.memory_space<vmem>> -> memref<4x128xi32, #tpu.memory_space<vmem>>
        %dma_start3A_1389 = arith.constant 0 : i32
        %dma_start3A_1390 = tpu.memref_slice %arg3[%add3A_1377, %dma_start3A_1389] : memref<25600x128xi32, #tpu.memory_space<hbm>> -> memref<4x128xi32, #tpu.memory_space<hbm>>
        tpu.enqueue_dma source(%dma_start3A_1390 : memref<4x128xi32, #tpu.memory_space<hbm>>) target(%dma_start3A_1388 : memref<4x128xi32, #tpu.memory_space<vmem>>) target_semaphore(%arg13 : memref<!tpu.dma_semaphore, #tpu.memory_space<semaphore_mem>>)
      } else {
      }
      %mul3A_1042 = arith.constant 4 : i32
      %mul3A_1043 = arith.muli %mul3A_1042, %scan3A_711 : i32
      %add3A_1044 = arith.constant 2 : i32
      %add3A_1045 = arith.addi %mul3A_1043, %add3A_1044 : i32
      %mul3A_1046 = arith.constant 4 : i32
      %mul3A_1047 = arith.muli %add3A_1045, %mul3A_1046 : i32
      %add3A_1048 = arith.addi %select_n3A, %mul3A_1047 : i32
      %dma_wait3A_1049 = arith.constant 2 : i32
      %dma_wait3A_1050 = arith.constant 0 : i32
      %dma_wait3A_1051 = arith.constant 0 : i32
      %dma_wait3A_1052 = tpu.memref_slice %arg5[%dma_wait3A_1049, %dma_wait3A_1050, %dma_wait3A_1051] : memref<4x4x128xi32, #tpu.memory_space<vmem>> -> memref<1x4x128xi32, #tpu.memory_space<vmem>>
      %dma_wait3A_1053 = tpu.memref_squeeze %dma_wait3A_1052 : memref<1x4x128xi32, #tpu.memory_space<vmem>> -> memref<4x128xi32, #tpu.memory_space<vmem>>
      %dma_wait3A_1054 = arith.constant 0 : i32
      %dma_wait3A_1055 = tpu.memref_slice %arg3[%add3A_1048, %dma_wait3A_1054] : memref<25600x128xi32, #tpu.memory_space<hbm>> -> memref<4x128xi32, #tpu.memory_space<hbm>>
      %dma_wait3A_1056 = arith.constant 0 : i32
      %dma_wait3A_1057 = arith.constant 0 : i32
      %dma_wait3A_1058 = tpu.memref_slice %arg5[%dma_wait3A_1049, %dma_wait3A_1056, %dma_wait3A_1057] : memref<4x4x128xi32, #tpu.memory_space<vmem>> -> memref<1x4x128xi32, #tpu.memory_space<vmem>>
      %dma_wait3A_1059 = tpu.memref_squeeze %dma_wait3A_1058 : memref<1x4x128xi32, #tpu.memory_space<vmem>> -> memref<4x128xi32, #tpu.memory_space<vmem>>
      %dma_wait3A_1060 = arith.constant 0 : i32
      %dma_wait3A_1061 = tpu.memref_slice %arg3[%add3A_1048, %dma_wait3A_1060] : memref<25600x128xi32, #tpu.memory_space<hbm>> -> memref<4x128xi32, #tpu.memory_space<hbm>>
      tpu.wait_dma2 semaphore(%arg12 : memref<!tpu.dma_semaphore, #tpu.memory_space<semaphore_mem>>) src(%dma_wait3A_1061 : memref<4x128xi32, #tpu.memory_space<hbm>>) dst(%dma_wait3A_1059 : memref<4x128xi32, #tpu.memory_space<vmem>>)
      %mul3A_1062 = arith.constant 512 : i32
      %mul3A_1063 = arith.muli %add3A_1045, %mul3A_1062 : i32
      %add3A_1064 = arith.addi %mul3A_2, %mul3A_1063 : i32
      %dma_wait3A_1065 = arith.constant 0 : i32
      %dma_wait3A_1066 = arith.constant 0 : i32
      %dma_wait3A_1067 = arith.constant 0 : i32
      %dma_wait3A_1068 = tpu.memref_slice %arg6[%dma_wait3A_1065, %dma_wait3A_1066, %dma_wait3A_1067] : memref<2x512x64xf32, #tpu.memory_space<vmem>> -> memref<1x512x64xf32, #tpu.memory_space<vmem>>
      %dma_wait3A_1069 = tpu.memref_squeeze %dma_wait3A_1068 : memref<1x512x64xf32, #tpu.memory_space<vmem>> -> memref<512x64xf32, #tpu.memory_space<vmem>>
      %dma_wait3A_1070 = arith.constant 0 : i32
      %dma_wait3A_1071 = tpu.memref_slice %arg4[%add3A_1064, %dma_wait3A_1070] : memref<3276800x128xf32, #tpu.memory_space<hbm>> -> memref<512x64xf32, #tpu.memory_space<hbm>>
      %dma_wait3A_1072 = arith.constant 0 : i32
      %dma_wait3A_1073 = tpu.memref_slice %arg4[%add3A_1064, %dma_wait3A_1072] : memref<3276800x128xf32, #tpu.memory_space<hbm>> -> memref<512x64xf32, #tpu.memory_space<hbm>>
      %dma_wait3A_1074 = arith.constant 0 : i32
      %dma_wait3A_1075 = arith.constant 0 : i32
      %dma_wait3A_1076 = tpu.memref_slice %arg6[%dma_wait3A_1065, %dma_wait3A_1074, %dma_wait3A_1075] : memref<2x512x64xf32, #tpu.memory_space<vmem>> -> memref<1x512x64xf32, #tpu.memory_space<vmem>>
      %dma_wait3A_1077 = tpu.memref_squeeze %dma_wait3A_1076 : memref<1x512x64xf32, #tpu.memory_space<vmem>> -> memref<512x64xf32, #tpu.memory_space<vmem>>
      tpu.wait_dma2 semaphore(%arg14 : memref<!tpu.dma_semaphore, #tpu.memory_space<semaphore_mem>>) src(%dma_wait3A_1077 : memref<512x64xf32, #tpu.memory_space<vmem>>) dst(%dma_wait3A_1073 : memref<512x64xf32, #tpu.memory_space<hbm>>)
      %dma_start3A_1078 = arith.constant 2 : i32
      %dma_start3A_1079 = arith.constant 0 : i32
      %dma_start3A_1080 = arith.constant 0 : i32
      %dma_start3A_1081 = arith.constant 0 : i32
      %dma_start3A_1082 = arith.constant 0 : i32
      %dma_start3A_1083 = tpu.memref_slice %arg6[%dma_start3A_1080, %dma_start3A_1081, %dma_start3A_1082] : memref<2x512x64xf32, #tpu.memory_space<vmem>> -> memref<1x128x64xf32, #tpu.memory_space<vmem>>
      %dma_start3A_1084 = tpu.memref_squeeze %dma_start3A_1083 : memref<1x128x64xf32, #tpu.memory_space<vmem>> -> memref<128x64xf32, #tpu.memory_space<vmem>>
      %dma_start3A_1085 = arith.constant 0 : i32
      %dma_start3A_1086 = tpu.memref_slice %arg5[%dma_start3A_1078, %dma_start3A_1079, %dma_start3A_1085] : memref<4x4x128xi32, #tpu.memory_space<vmem>> -> memref<1x1x128xi32, #tpu.memory_space<vmem>>
      %dma_start3A_1087 = tpu.memref_squeeze %dma_start3A_1086 : memref<1x1x128xi32, #tpu.memory_space<vmem>> -> memref<128xi32, #tpu.memory_space<vmem>>
      %dma_start3A_1088 = arith.constant 0 : i32
      %dma_start3A_1089 = arith.constant 0 : i32
      %dma_start3A_1090 = tpu.memref_slice %arg7[%dma_start3A_1088, %dma_start3A_1089] : memref<200x64xf32, #tpu.memory_space<vmem_shared>> -> memref<200x64xf32, #tpu.memory_space<vmem_shared>>
      tpu.enqueue_indirect_dma source(%dma_start3A_1090 : memref<200x64xf32, #tpu.memory_space<vmem_shared>>) target(%dma_start3A_1084 : memref<128x64xf32, #tpu.memory_space<vmem>>) offsets(%dma_start3A_1087 : memref<128xi32, #tpu.memory_space<vmem>>) semaphore(%arg8 : memref<!tpu.dma_semaphore, #tpu.memory_space<semaphore_mem>>)
      %dma_start3A_1091 = arith.constant 2 : i32
      %dma_start3A_1092 = arith.constant 1 : i32
      %dma_start3A_1093 = arith.constant 0 : i32
      %dma_start3A_1094 = arith.constant 128 : i32
      %dma_start3A_1095 = arith.constant 0 : i32
      %dma_start3A_1096 = tpu.memref_slice %arg6[%dma_start3A_1093, %dma_start3A_1094, %dma_start3A_1095] : memref<2x512x64xf32, #tpu.memory_space<vmem>> -> memref<1x128x64xf32, #tpu.memory_space<vmem>>
      %dma_start3A_1097 = tpu.memref_squeeze %dma_start3A_1096 : memref<1x128x64xf32, #tpu.memory_space<vmem>> -> memref<128x64xf32, #tpu.memory_space<vmem>>
      %dma_start3A_1098 = arith.constant 0 : i32
      %dma_start3A_1099 = tpu.memref_slice %arg5[%dma_start3A_1091, %dma_start3A_1092, %dma_start3A_1098] : memref<4x4x128xi32, #tpu.memory_space<vmem>> -> memref<1x1x128xi32, #tpu.memory_space<vmem>>
      %dma_start3A_1100 = tpu.memref_squeeze %dma_start3A_1099 : memref<1x1x128xi32, #tpu.memory_space<vmem>> -> memref<128xi32, #tpu.memory_space<vmem>>
      %dma_start3A_1101 = arith.constant 0 : i32
      %dma_start3A_1102 = arith.constant 0 : i32
      %dma_start3A_1103 = tpu.memref_slice %arg7[%dma_start3A_1101, %dma_start3A_1102] : memref<200x64xf32, #tpu.memory_space<vmem_shared>> -> memref<200x64xf32, #tpu.memory_space<vmem_shared>>
      tpu.enqueue_indirect_dma source(%dma_start3A_1103 : memref<200x64xf32, #tpu.memory_space<vmem_shared>>) target(%dma_start3A_1097 : memref<128x64xf32, #tpu.memory_space<vmem>>) offsets(%dma_start3A_1100 : memref<128xi32, #tpu.memory_space<vmem>>) semaphore(%arg8 : memref<!tpu.dma_semaphore, #tpu.memory_space<semaphore_mem>>)
      %dma_start3A_1104 = arith.constant 2 : i32
      %dma_start3A_1105 = arith.constant 2 : i32
      %dma_start3A_1106 = arith.constant 0 : i32
      %dma_start3A_1107 = arith.constant 256 : i32
      %dma_start3A_1108 = arith.constant 0 : i32
      %dma_start3A_1109 = tpu.memref_slice %arg6[%dma_start3A_1106, %dma_start3A_1107, %dma_start3A_1108] : memref<2x512x64xf32, #tpu.memory_space<vmem>> -> memref<1x128x64xf32, #tpu.memory_space<vmem>>
      %dma_start3A_1110 = tpu.memref_squeeze %dma_start3A_1109 : memref<1x128x64xf32, #tpu.memory_space<vmem>> -> memref<128x64xf32, #tpu.memory_space<vmem>>
      %dma_start3A_1111 = arith.constant 0 : i32
      %dma_start3A_1112 = tpu.memref_slice %arg5[%dma_start3A_1104, %dma_start3A_1105, %dma_start3A_1111] : memref<4x4x128xi32, #tpu.memory_space<vmem>> -> memref<1x1x128xi32, #tpu.memory_space<vmem>>
      %dma_start3A_1113 = tpu.memref_squeeze %dma_start3A_1112 : memref<1x1x128xi32, #tpu.memory_space<vmem>> -> memref<128xi32, #tpu.memory_space<vmem>>
      %dma_start3A_1114 = arith.constant 0 : i32
      %dma_start3A_1115 = arith.constant 0 : i32
      %dma_start3A_1116 = tpu.memref_slice %arg7[%dma_start3A_1114, %dma_start3A_1115] : memref<200x64xf32, #tpu.memory_space<vmem_shared>> -> memref<200x64xf32, #tpu.memory_space<vmem_shared>>
      tpu.enqueue_indirect_dma source(%dma_start3A_1116 : memref<200x64xf32, #tpu.memory_space<vmem_shared>>) target(%dma_start3A_1110 : memref<128x64xf32, #tpu.memory_space<vmem>>) offsets(%dma_start3A_1113 : memref<128xi32, #tpu.memory_space<vmem>>) semaphore(%arg8 : memref<!tpu.dma_semaphore, #tpu.memory_space<semaphore_mem>>)
      %dma_start3A_1117 = arith.constant 2 : i32
      %dma_start3A_1118 = arith.constant 3 : i32
      %dma_start3A_1119 = arith.constant 0 : i32
      %dma_start3A_1120 = arith.constant 384 : i32
      %dma_start3A_1121 = arith.constant 0 : i32
      %dma_start3A_1122 = tpu.memref_slice %arg6[%dma_start3A_1119, %dma_start3A_1120, %dma_start3A_1121] : memref<2x512x64xf32, #tpu.memory_space<vmem>> -> memref<1x128x64xf32, #tpu.memory_space<vmem>>
      %dma_start3A_1123 = tpu.memref_squeeze %dma_start3A_1122 : memref<1x128x64xf32, #tpu.memory_space<vmem>> -> memref<128x64xf32, #tpu.memory_space<vmem>>
      %dma_start3A_1124 = arith.constant 0 : i32
      %dma_start3A_1125 = tpu.memref_slice %arg5[%dma_start3A_1117, %dma_start3A_1118, %dma_start3A_1124] : memref<4x4x128xi32, #tpu.memory_space<vmem>> -> memref<1x1x128xi32, #tpu.memory_space<vmem>>
      %dma_start3A_1126 = tpu.memref_squeeze %dma_start3A_1125 : memref<1x1x128xi32, #tpu.memory_space<vmem>> -> memref<128xi32, #tpu.memory_space<vmem>>
      %dma_start3A_1127 = arith.constant 0 : i32
      %dma_start3A_1128 = arith.constant 0 : i32
      %dma_start3A_1129 = tpu.memref_slice %arg7[%dma_start3A_1127, %dma_start3A_1128] : memref<200x64xf32, #tpu.memory_space<vmem_shared>> -> memref<200x64xf32, #tpu.memory_space<vmem_shared>>
      tpu.enqueue_indirect_dma source(%dma_start3A_1129 : memref<200x64xf32, #tpu.memory_space<vmem_shared>>) target(%dma_start3A_1123 : memref<128x64xf32, #tpu.memory_space<vmem>>) offsets(%dma_start3A_1126 : memref<128xi32, #tpu.memory_space<vmem>>) semaphore(%arg8 : memref<!tpu.dma_semaphore, #tpu.memory_space<semaphore_mem>>)
      %dma_wait3A_1130 = arith.constant 0 : i32
      %dma_wait3A_1131 = arith.constant 0 : i32
      %dma_wait3A_1132 = arith.constant 1 : i32
      %dma_wait3A_1133 = arith.constant 0 : i32
      %dma_wait3A_1134 = arith.constant 0 : i32
      %dma_wait3A_1135 = tpu.memref_slice %arg6[%dma_wait3A_1132, %dma_wait3A_1133, %dma_wait3A_1134] : memref<2x512x64xf32, #tpu.memory_space<vmem>> -> memref<1x128x64xf32, #tpu.memory_space<vmem>>
      %dma_wait3A_1136 = tpu.memref_squeeze %dma_wait3A_1135 : memref<1x128x64xf32, #tpu.memory_space<vmem>> -> memref<128x64xf32, #tpu.memory_space<vmem>>
      %dma_wait3A_1137 = arith.constant 0 : i32
      %dma_wait3A_1138 = tpu.memref_slice %arg5[%dma_wait3A_1130, %dma_wait3A_1131, %dma_wait3A_1137] : memref<4x4x128xi32, #tpu.memory_space<vmem>> -> memref<1x1x128xi32, #tpu.memory_space<vmem>>
      %dma_wait3A_1139 = tpu.memref_squeeze %dma_wait3A_1138 : memref<1x1x128xi32, #tpu.memory_space<vmem>> -> memref<128xi32, #tpu.memory_space<vmem>>
      %dma_wait3A_1140 = arith.constant 0 : i32
      %dma_wait3A_1141 = arith.constant 0 : i32
      %dma_wait3A_1142 = tpu.memref_slice %arg7[%dma_wait3A_1140, %dma_wait3A_1141] : memref<200x64xf32, #tpu.memory_space<vmem_shared>> -> memref<200x64xf32, #tpu.memory_space<vmem_shared>>
      tpu.wait_indirect_dma semaphore(%arg9 : memref<!tpu.dma_semaphore, #tpu.memory_space<semaphore_mem>>) src(%dma_wait3A_1142 : memref<200x64xf32, #tpu.memory_space<vmem_shared>>) dst(%dma_wait3A_1136 : memref<128x64xf32, #tpu.memory_space<vmem>>)
      %dma_wait3A_1143 = arith.constant 0 : i32
      %dma_wait3A_1144 = arith.constant 0 : i32
      %dma_wait3A_1145 = arith.constant 1 : i32
      %dma_wait3A_1146 = arith.constant 128 : i32
      %dma_wait3A_1147 = arith.constant 0 : i32
      %dma_wait3A_1148 = tpu.memref_slice %arg6[%dma_wait3A_1145, %dma_wait3A_1146, %dma_wait3A_1147] : memref<2x512x64xf32, #tpu.memory_space<vmem>> -> memref<1x128x64xf32, #tpu.memory_space<vmem>>
      %dma_wait3A_1149 = tpu.memref_squeeze %dma_wait3A_1148 : memref<1x128x64xf32, #tpu.memory_space<vmem>> -> memref<128x64xf32, #tpu.memory_space<vmem>>
      %dma_wait3A_1150 = arith.constant 0 : i32
      %dma_wait3A_1151 = tpu.memref_slice %arg5[%dma_wait3A_1143, %dma_wait3A_1144, %dma_wait3A_1150] : memref<4x4x128xi32, #tpu.memory_space<vmem>> -> memref<1x1x128xi32, #tpu.memory_space<vmem>>
      %dma_wait3A_1152 = tpu.memref_squeeze %dma_wait3A_1151 : memref<1x1x128xi32, #tpu.memory_space<vmem>> -> memref<128xi32, #tpu.memory_space<vmem>>
      %dma_wait3A_1153 = arith.constant 0 : i32
      %dma_wait3A_1154 = arith.constant 0 : i32
      %dma_wait3A_1155 = tpu.memref_slice %arg7[%dma_wait3A_1153, %dma_wait3A_1154] : memref<200x64xf32, #tpu.memory_space<vmem_shared>> -> memref<200x64xf32, #tpu.memory_space<vmem_shared>>
      tpu.wait_indirect_dma semaphore(%arg9 : memref<!tpu.dma_semaphore, #tpu.memory_space<semaphore_mem>>) src(%dma_wait3A_1155 : memref<200x64xf32, #tpu.memory_space<vmem_shared>>) dst(%dma_wait3A_1149 : memref<128x64xf32, #tpu.memory_space<vmem>>)
      %dma_wait3A_1156 = arith.constant 0 : i32
      %dma_wait3A_1157 = arith.constant 0 : i32
      %dma_wait3A_1158 = arith.constant 1 : i32
      %dma_wait3A_1159 = arith.constant 256 : i32
      %dma_wait3A_1160 = arith.constant 0 : i32
      %dma_wait3A_1161 = tpu.memref_slice %arg6[%dma_wait3A_1158, %dma_wait3A_1159, %dma_wait3A_1160] : memref<2x512x64xf32, #tpu.memory_space<vmem>> -> memref<1x128x64xf32, #tpu.memory_space<vmem>>
      %dma_wait3A_1162 = tpu.memref_squeeze %dma_wait3A_1161 : memref<1x128x64xf32, #tpu.memory_space<vmem>> -> memref<128x64xf32, #tpu.memory_space<vmem>>
      %dma_wait3A_1163 = arith.constant 0 : i32
      %dma_wait3A_1164 = tpu.memref_slice %arg5[%dma_wait3A_1156, %dma_wait3A_1157, %dma_wait3A_1163] : memref<4x4x128xi32, #tpu.memory_space<vmem>> -> memref<1x1x128xi32, #tpu.memory_space<vmem>>
      %dma_wait3A_1165 = tpu.memref_squeeze %dma_wait3A_1164 : memref<1x1x128xi32, #tpu.memory_space<vmem>> -> memref<128xi32, #tpu.memory_space<vmem>>
      %dma_wait3A_1166 = arith.constant 0 : i32
      %dma_wait3A_1167 = arith.constant 0 : i32
      %dma_wait3A_1168 = tpu.memref_slice %arg7[%dma_wait3A_1166, %dma_wait3A_1167] : memref<200x64xf32, #tpu.memory_space<vmem_shared>> -> memref<200x64xf32, #tpu.memory_space<vmem_shared>>
      tpu.wait_indirect_dma semaphore(%arg9 : memref<!tpu.dma_semaphore, #tpu.memory_space<semaphore_mem>>) src(%dma_wait3A_1168 : memref<200x64xf32, #tpu.memory_space<vmem_shared>>) dst(%dma_wait3A_1162 : memref<128x64xf32, #tpu.memory_space<vmem>>)
      %dma_wait3A_1169 = arith.constant 0 : i32
      %dma_wait3A_1170 = arith.constant 0 : i32
      %dma_wait3A_1171 = arith.constant 1 : i32
      %dma_wait3A_1172 = arith.constant 384 : i32
      %dma_wait3A_1173 = arith.constant 0 : i32
      %dma_wait3A_1174 = tpu.memref_slice %arg6[%dma_wait3A_1171, %dma_wait3A_1172, %dma_wait3A_1173] : memref<2x512x64xf32, #tpu.memory_space<vmem>> -> memref<1x128x64xf32, #tpu.memory_space<vmem>>
      %dma_wait3A_1175 = tpu.memref_squeeze %dma_wait3A_1174 : memref<1x128x64xf32, #tpu.memory_space<vmem>> -> memref<128x64xf32, #tpu.memory_space<vmem>>
      %dma_wait3A_1176 = arith.constant 0 : i32
      %dma_wait3A_1177 = tpu.memref_slice %arg5[%dma_wait3A_1169, %dma_wait3A_1170, %dma_wait3A_1176] : memref<4x4x128xi32, #tpu.memory_space<vmem>> -> memref<1x1x128xi32, #tpu.memory_space<vmem>>
      %dma_wait3A_1178 = tpu.memref_squeeze %dma_wait3A_1177 : memref<1x1x128xi32, #tpu.memory_space<vmem>> -> memref<128xi32, #tpu.memory_space<vmem>>
      %dma_wait3A_1179 = arith.constant 0 : i32
      %dma_wait3A_1180 = arith.constant 0 : i32
      %dma_wait3A_1181 = tpu.memref_slice %arg7[%dma_wait3A_1179, %dma_wait3A_1180] : memref<200x64xf32, #tpu.memory_space<vmem_shared>> -> memref<200x64xf32, #tpu.memory_space<vmem_shared>>
      tpu.wait_indirect_dma semaphore(%arg9 : memref<!tpu.dma_semaphore, #tpu.memory_space<semaphore_mem>>) src(%dma_wait3A_1181 : memref<200x64xf32, #tpu.memory_space<vmem_shared>>) dst(%dma_wait3A_1175 : memref<128x64xf32, #tpu.memory_space<vmem>>)
      %sub3A_1182 = arith.constant 1 : i32
      %sub3A_1183 = arith.subi %add3A_1045, %sub3A_1182 : i32
      %mul3A_1184 = arith.constant 512 : i32
      %mul3A_1185 = arith.muli %sub3A_1183, %mul3A_1184 : i32
      %add3A_1186 = arith.addi %mul3A_2, %mul3A_1185 : i32
      %dma_start3A_1187 = arith.constant 1 : i32
      %dma_start3A_1188 = arith.constant 0 : i32
      %dma_start3A_1189 = arith.constant 0 : i32
      %dma_start3A_1190 = tpu.memref_slice %arg6[%dma_start3A_1187, %dma_start3A_1188, %dma_start3A_1189] : memref<2x512x64xf32, #tpu.memory_space<vmem>> -> memref<1x512x64xf32, #tpu.memory_space<vmem>>
      %dma_start3A_1191 = tpu.memref_squeeze %dma_start3A_1190 : memref<1x512x64xf32, #tpu.memory_space<vmem>> -> memref<512x64xf32, #tpu.memory_space<vmem>>
      %dma_start3A_1192 = arith.constant 0 : i32
      %dma_start3A_1193 = tpu.memref_slice %arg4[%add3A_1186, %dma_start3A_1192] : memref<3276800x128xf32, #tpu.memory_space<hbm>> -> memref<512x64xf32, #tpu.memory_space<hbm>>
      %dma_start3A_1194 = arith.constant 0 : i32
      %dma_start3A_1195 = tpu.memref_slice %arg4[%add3A_1186, %dma_start3A_1194] : memref<3276800x128xf32, #tpu.memory_space<hbm>> -> memref<512x64xf32, #tpu.memory_space<hbm>>
      %dma_start3A_1196 = arith.constant 0 : i32
      %dma_start3A_1197 = arith.constant 0 : i32
      %dma_start3A_1198 = tpu.memref_slice %arg6[%dma_start3A_1187, %dma_start3A_1196, %dma_start3A_1197] : memref<2x512x64xf32, #tpu.memory_space<vmem>> -> memref<1x512x64xf32, #tpu.memory_space<vmem>>
      %dma_start3A_1199 = tpu.memref_squeeze %dma_start3A_1198 : memref<1x512x64xf32, #tpu.memory_space<vmem>> -> memref<512x64xf32, #tpu.memory_space<vmem>>
      tpu.enqueue_dma source(%dma_start3A_1199 : memref<512x64xf32, #tpu.memory_space<vmem>>) target(%dma_start3A_1195 : memref<512x64xf32, #tpu.memory_space<hbm>>) target_semaphore(%arg15 : memref<!tpu.dma_semaphore, #tpu.memory_space<semaphore_mem>>)
      %add3A_1200 = arith.constant 2 : i32
      %add3A_1201 = arith.addi %add3A_1045, %add3A_1200 : i32
      %lt3A_1202 = arith.constant 200 : i32
      %lt3A_1203 = arith.cmpi slt, %add3A_1201, %lt3A_1202 : i32
      %convert_element_type3A_1204 = arith.extui %lt3A_1203 : i1 to i32
      %cond3A_1205 = arith.constant 0 : i32
      %cond3A_1206 = arith.cmpi ne, %convert_element_type3A_1204, %cond3A_1205 : i32
      scf.if %cond3A_1206 {
        %add3A_1373 = arith.constant 2 : i32
        %add3A_1374 = arith.addi %add3A_1045, %add3A_1373 : i32
        %mul3A_1375 = arith.constant 4 : i32
        %mul3A_1376 = arith.muli %add3A_1374, %mul3A_1375 : i32
        %add3A_1377 = arith.addi %select_n3A, %mul3A_1376 : i32
        %dma_start3A_1378 = arith.constant 0 : i32
        %dma_start3A_1379 = arith.constant 0 : i32
        %dma_start3A_1380 = arith.constant 0 : i32
        %dma_start3A_1381 = tpu.memref_slice %arg5[%dma_start3A_1378, %dma_start3A_1379, %dma_start3A_1380] : memref<4x4x128xi32, #tpu.memory_space<vmem>> -> memref<1x4x128xi32, #tpu.memory_space<vmem>>
        %dma_start3A_1382 = tpu.memref_squeeze %dma_start3A_1381 : memref<1x4x128xi32, #tpu.memory_space<vmem>> -> memref<4x128xi32, #tpu.memory_space<vmem>>
        %dma_start3A_1383 = arith.constant 0 : i32
        %dma_start3A_1384 = tpu.memref_slice %arg3[%add3A_1377, %dma_start3A_1383] : memref<25600x128xi32, #tpu.memory_space<hbm>> -> memref<4x128xi32, #tpu.memory_space<hbm>>
        %dma_start3A_1385 = arith.constant 0 : i32
        %dma_start3A_1386 = arith.constant 0 : i32
        %dma_start3A_1387 = tpu.memref_slice %arg5[%dma_start3A_1378, %dma_start3A_1385, %dma_start3A_1386] : memref<4x4x128xi32, #tpu.memory_space<vmem>> -> memref<1x4x128xi32, #tpu.memory_space<vmem>>
        %dma_start3A_1388 = tpu.memref_squeeze %dma_start3A_1387 : memref<1x4x128xi32, #tpu.memory_space<vmem>> -> memref<4x128xi32, #tpu.memory_space<vmem>>
        %dma_start3A_1389 = arith.constant 0 : i32
        %dma_start3A_1390 = tpu.memref_slice %arg3[%add3A_1377, %dma_start3A_1389] : memref<25600x128xi32, #tpu.memory_space<hbm>> -> memref<4x128xi32, #tpu.memory_space<hbm>>
        tpu.enqueue_dma source(%dma_start3A_1390 : memref<4x128xi32, #tpu.memory_space<hbm>>) target(%dma_start3A_1388 : memref<4x128xi32, #tpu.memory_space<vmem>>) target_semaphore(%arg10 : memref<!tpu.dma_semaphore, #tpu.memory_space<semaphore_mem>>)
      } else {
      }
      %mul3A_1207 = arith.constant 4 : i32
      %mul3A_1208 = arith.muli %mul3A_1207, %scan3A_711 : i32
      %add3A_1209 = arith.constant 3 : i32
      %add3A_1210 = arith.addi %mul3A_1208, %add3A_1209 : i32
      %mul3A_1211 = arith.constant 4 : i32
      %mul3A_1212 = arith.muli %add3A_1210, %mul3A_1211 : i32
      %add3A_1213 = arith.addi %select_n3A, %mul3A_1212 : i32
      %dma_wait3A_1214 = arith.constant 3 : i32
      %dma_wait3A_1215 = arith.constant 0 : i32
      %dma_wait3A_1216 = arith.constant 0 : i32
      %dma_wait3A_1217 = tpu.memref_slice %arg5[%dma_wait3A_1214, %dma_wait3A_1215, %dma_wait3A_1216] : memref<4x4x128xi32, #tpu.memory_space<vmem>> -> memref<1x4x128xi32, #tpu.memory_space<vmem>>
      %dma_wait3A_1218 = tpu.memref_squeeze %dma_wait3A_1217 : memref<1x4x128xi32, #tpu.memory_space<vmem>> -> memref<4x128xi32, #tpu.memory_space<vmem>>
      %dma_wait3A_1219 = arith.constant 0 : i32
      %dma_wait3A_1220 = tpu.memref_slice %arg3[%add3A_1213, %dma_wait3A_1219] : memref<25600x128xi32, #tpu.memory_space<hbm>> -> memref<4x128xi32, #tpu.memory_space<hbm>>
      %dma_wait3A_1221 = arith.constant 0 : i32
      %dma_wait3A_1222 = arith.constant 0 : i32
      %dma_wait3A_1223 = tpu.memref_slice %arg5[%dma_wait3A_1214, %dma_wait3A_1221, %dma_wait3A_1222] : memref<4x4x128xi32, #tpu.memory_space<vmem>> -> memref<1x4x128xi32, #tpu.memory_space<vmem>>
      %dma_wait3A_1224 = tpu.memref_squeeze %dma_wait3A_1223 : memref<1x4x128xi32, #tpu.memory_space<vmem>> -> memref<4x128xi32, #tpu.memory_space<vmem>>
      %dma_wait3A_1225 = arith.constant 0 : i32
      %dma_wait3A_1226 = tpu.memref_slice %arg3[%add3A_1213, %dma_wait3A_1225] : memref<25600x128xi32, #tpu.memory_space<hbm>> -> memref<4x128xi32, #tpu.memory_space<hbm>>
      tpu.wait_dma2 semaphore(%arg13 : memref<!tpu.dma_semaphore, #tpu.memory_space<semaphore_mem>>) src(%dma_wait3A_1226 : memref<4x128xi32, #tpu.memory_space<hbm>>) dst(%dma_wait3A_1224 : memref<4x128xi32, #tpu.memory_space<vmem>>)
      %mul3A_1227 = arith.constant 512 : i32
      %mul3A_1228 = arith.muli %add3A_1210, %mul3A_1227 : i32
      %add3A_1229 = arith.addi %mul3A_2, %mul3A_1228 : i32
      %dma_wait3A_1230 = arith.constant 1 : i32
      %dma_wait3A_1231 = arith.constant 0 : i32
      %dma_wait3A_1232 = arith.constant 0 : i32
      %dma_wait3A_1233 = tpu.memref_slice %arg6[%dma_wait3A_1230, %dma_wait3A_1231, %dma_wait3A_1232] : memref<2x512x64xf32, #tpu.memory_space<vmem>> -> memref<1x512x64xf32, #tpu.memory_space<vmem>>
      %dma_wait3A_1234 = tpu.memref_squeeze %dma_wait3A_1233 : memref<1x512x64xf32, #tpu.memory_space<vmem>> -> memref<512x64xf32, #tpu.memory_space<vmem>>
      %dma_wait3A_1235 = arith.constant 0 : i32
      %dma_wait3A_1236 = tpu.memref_slice %arg4[%add3A_1229, %dma_wait3A_1235] : memref<3276800x128xf32, #tpu.memory_space<hbm>> -> memref<512x64xf32, #tpu.memory_space<hbm>>
      %dma_wait3A_1237 = arith.constant 0 : i32
      %dma_wait3A_1238 = tpu.memref_slice %arg4[%add3A_1229, %dma_wait3A_1237] : memref<3276800x128xf32, #tpu.memory_space<hbm>> -> memref<512x64xf32, #tpu.memory_space<hbm>>
      %dma_wait3A_1239 = arith.constant 0 : i32
      %dma_wait3A_1240 = arith.constant 0 : i32
      %dma_wait3A_1241 = tpu.memref_slice %arg6[%dma_wait3A_1230, %dma_wait3A_1239, %dma_wait3A_1240] : memref<2x512x64xf32, #tpu.memory_space<vmem>> -> memref<1x512x64xf32, #tpu.memory_space<vmem>>
      %dma_wait3A_1242 = tpu.memref_squeeze %dma_wait3A_1241 : memref<1x512x64xf32, #tpu.memory_space<vmem>> -> memref<512x64xf32, #tpu.memory_space<vmem>>
      tpu.wait_dma2 semaphore(%arg15 : memref<!tpu.dma_semaphore, #tpu.memory_space<semaphore_mem>>) src(%dma_wait3A_1242 : memref<512x64xf32, #tpu.memory_space<vmem>>) dst(%dma_wait3A_1238 : memref<512x64xf32, #tpu.memory_space<hbm>>)
      %dma_start3A_1243 = arith.constant 3 : i32
      %dma_start3A_1244 = arith.constant 0 : i32
      %dma_start3A_1245 = arith.constant 1 : i32
      %dma_start3A_1246 = arith.constant 0 : i32
      %dma_start3A_1247 = arith.constant 0 : i32
      %dma_start3A_1248 = tpu.memref_slice %arg6[%dma_start3A_1245, %dma_start3A_1246, %dma_start3A_1247] : memref<2x512x64xf32, #tpu.memory_space<vmem>> -> memref<1x128x64xf32, #tpu.memory_space<vmem>>
      %dma_start3A_1249 = tpu.memref_squeeze %dma_start3A_1248 : memref<1x128x64xf32, #tpu.memory_space<vmem>> -> memref<128x64xf32, #tpu.memory_space<vmem>>
      %dma_start3A_1250 = arith.constant 0 : i32
      %dma_start3A_1251 = tpu.memref_slice %arg5[%dma_start3A_1243, %dma_start3A_1244, %dma_start3A_1250] : memref<4x4x128xi32, #tpu.memory_space<vmem>> -> memref<1x1x128xi32, #tpu.memory_space<vmem>>
      %dma_start3A_1252 = tpu.memref_squeeze %dma_start3A_1251 : memref<1x1x128xi32, #tpu.memory_space<vmem>> -> memref<128xi32, #tpu.memory_space<vmem>>
      %dma_start3A_1253 = arith.constant 0 : i32
      %dma_start3A_1254 = arith.constant 0 : i32
      %dma_start3A_1255 = tpu.memref_slice %arg7[%dma_start3A_1253, %dma_start3A_1254] : memref<200x64xf32, #tpu.memory_space<vmem_shared>> -> memref<200x64xf32, #tpu.memory_space<vmem_shared>>
      tpu.enqueue_indirect_dma source(%dma_start3A_1255 : memref<200x64xf32, #tpu.memory_space<vmem_shared>>) target(%dma_start3A_1249 : memref<128x64xf32, #tpu.memory_space<vmem>>) offsets(%dma_start3A_1252 : memref<128xi32, #tpu.memory_space<vmem>>) semaphore(%arg9 : memref<!tpu.dma_semaphore, #tpu.memory_space<semaphore_mem>>)
      %dma_start3A_1256 = arith.constant 3 : i32
      %dma_start3A_1257 = arith.constant 1 : i32
      %dma_start3A_1258 = arith.constant 1 : i32
      %dma_start3A_1259 = arith.constant 128 : i32
      %dma_start3A_1260 = arith.constant 0 : i32
      %dma_start3A_1261 = tpu.memref_slice %arg6[%dma_start3A_1258, %dma_start3A_1259, %dma_start3A_1260] : memref<2x512x64xf32, #tpu.memory_space<vmem>> -> memref<1x128x64xf32, #tpu.memory_space<vmem>>
      %dma_start3A_1262 = tpu.memref_squeeze %dma_start3A_1261 : memref<1x128x64xf32, #tpu.memory_space<vmem>> -> memref<128x64xf32, #tpu.memory_space<vmem>>
      %dma_start3A_1263 = arith.constant 0 : i32
      %dma_start3A_1264 = tpu.memref_slice %arg5[%dma_start3A_1256, %dma_start3A_1257, %dma_start3A_1263] : memref<4x4x128xi32, #tpu.memory_space<vmem>> -> memref<1x1x128xi32, #tpu.memory_space<vmem>>
      %dma_start3A_1265 = tpu.memref_squeeze %dma_start3A_1264 : memref<1x1x128xi32, #tpu.memory_space<vmem>> -> memref<128xi32, #tpu.memory_space<vmem>>
      %dma_start3A_1266 = arith.constant 0 : i32
      %dma_start3A_1267 = arith.constant 0 : i32
      %dma_start3A_1268 = tpu.memref_slice %arg7[%dma_start3A_1266, %dma_start3A_1267] : memref<200x64xf32, #tpu.memory_space<vmem_shared>> -> memref<200x64xf32, #tpu.memory_space<vmem_shared>>
      tpu.enqueue_indirect_dma source(%dma_start3A_1268 : memref<200x64xf32, #tpu.memory_space<vmem_shared>>) target(%dma_start3A_1262 : memref<128x64xf32, #tpu.memory_space<vmem>>) offsets(%dma_start3A_1265 : memref<128xi32, #tpu.memory_space<vmem>>) semaphore(%arg9 : memref<!tpu.dma_semaphore, #tpu.memory_space<semaphore_mem>>)
      %dma_start3A_1269 = arith.constant 3 : i32
      %dma_start3A_1270 = arith.constant 2 : i32
      %dma_start3A_1271 = arith.constant 1 : i32
      %dma_start3A_1272 = arith.constant 256 : i32
      %dma_start3A_1273 = arith.constant 0 : i32
      %dma_start3A_1274 = tpu.memref_slice %arg6[%dma_start3A_1271, %dma_start3A_1272, %dma_start3A_1273] : memref<2x512x64xf32, #tpu.memory_space<vmem>> -> memref<1x128x64xf32, #tpu.memory_space<vmem>>
      %dma_start3A_1275 = tpu.memref_squeeze %dma_start3A_1274 : memref<1x128x64xf32, #tpu.memory_space<vmem>> -> memref<128x64xf32, #tpu.memory_space<vmem>>
      %dma_start3A_1276 = arith.constant 0 : i32
      %dma_start3A_1277 = tpu.memref_slice %arg5[%dma_start3A_1269, %dma_start3A_1270, %dma_start3A_1276] : memref<4x4x128xi32, #tpu.memory_space<vmem>> -> memref<1x1x128xi32, #tpu.memory_space<vmem>>
      %dma_start3A_1278 = tpu.memref_squeeze %dma_start3A_1277 : memref<1x1x128xi32, #tpu.memory_space<vmem>> -> memref<128xi32, #tpu.memory_space<vmem>>
      %dma_start3A_1279 = arith.constant 0 : i32
      %dma_start3A_1280 = arith.constant 0 : i32
      %dma_start3A_1281 = tpu.memref_slice %arg7[%dma_start3A_1279, %dma_start3A_1280] : memref<200x64xf32, #tpu.memory_space<vmem_shared>> -> memref<200x64xf32, #tpu.memory_space<vmem_shared>>
      tpu.enqueue_indirect_dma source(%dma_start3A_1281 : memref<200x64xf32, #tpu.memory_space<vmem_shared>>) target(%dma_start3A_1275 : memref<128x64xf32, #tpu.memory_space<vmem>>) offsets(%dma_start3A_1278 : memref<128xi32, #tpu.memory_space<vmem>>) semaphore(%arg9 : memref<!tpu.dma_semaphore, #tpu.memory_space<semaphore_mem>>)
      %dma_start3A_1282 = arith.constant 3 : i32
      %dma_start3A_1283 = arith.constant 3 : i32
      %dma_start3A_1284 = arith.constant 1 : i32
      %dma_start3A_1285 = arith.constant 384 : i32
      %dma_start3A_1286 = arith.constant 0 : i32
      %dma_start3A_1287 = tpu.memref_slice %arg6[%dma_start3A_1284, %dma_start3A_1285, %dma_start3A_1286] : memref<2x512x64xf32, #tpu.memory_space<vmem>> -> memref<1x128x64xf32, #tpu.memory_space<vmem>>
      %dma_start3A_1288 = tpu.memref_squeeze %dma_start3A_1287 : memref<1x128x64xf32, #tpu.memory_space<vmem>> -> memref<128x64xf32, #tpu.memory_space<vmem>>
      %dma_start3A_1289 = arith.constant 0 : i32
      %dma_start3A_1290 = tpu.memref_slice %arg5[%dma_start3A_1282, %dma_start3A_1283, %dma_start3A_1289] : memref<4x4x128xi32, #tpu.memory_space<vmem>> -> memref<1x1x128xi32, #tpu.memory_space<vmem>>
      %dma_start3A_1291 = tpu.memref_squeeze %dma_start3A_1290 : memref<1x1x128xi32, #tpu.memory_space<vmem>> -> memref<128xi32, #tpu.memory_space<vmem>>
      %dma_start3A_1292 = arith.constant 0 : i32
      %dma_start3A_1293 = arith.constant 0 : i32
      %dma_start3A_1294 = tpu.memref_slice %arg7[%dma_start3A_1292, %dma_start3A_1293] : memref<200x64xf32, #tpu.memory_space<vmem_shared>> -> memref<200x64xf32, #tpu.memory_space<vmem_shared>>
      tpu.enqueue_indirect_dma source(%dma_start3A_1294 : memref<200x64xf32, #tpu.memory_space<vmem_shared>>) target(%dma_start3A_1288 : memref<128x64xf32, #tpu.memory_space<vmem>>) offsets(%dma_start3A_1291 : memref<128xi32, #tpu.memory_space<vmem>>) semaphore(%arg9 : memref<!tpu.dma_semaphore, #tpu.memory_space<semaphore_mem>>)
      %dma_wait3A_1295 = arith.constant 0 : i32
      %dma_wait3A_1296 = arith.constant 0 : i32
      %dma_wait3A_1297 = arith.constant 0 : i32
      %dma_wait3A_1298 = arith.constant 0 : i32
      %dma_wait3A_1299 = arith.constant 0 : i32
      %dma_wait3A_1300 = tpu.memref_slice %arg6[%dma_wait3A_1297, %dma_wait3A_1298, %dma_wait3A_1299] : memref<2x512x64xf32, #tpu.memory_space<vmem>> -> memref<1x128x64xf32, #tpu.memory_space<vmem>>
      %dma_wait3A_1301 = tpu.memref_squeeze %dma_wait3A_1300 : memref<1x128x64xf32, #tpu.memory_space<vmem>> -> memref<128x64xf32, #tpu.memory_space<vmem>>
      %dma_wait3A_1302 = arith.constant 0 : i32
      %dma_wait3A_1303 = tpu.memref_slice %arg5[%dma_wait3A_1295, %dma_wait3A_1296, %dma_wait3A_1302] : memref<4x4x128xi32, #tpu.memory_space<vmem>> -> memref<1x1x128xi32, #tpu.memory_space<vmem>>
      %dma_wait3A_1304 = tpu.memref_squeeze %dma_wait3A_1303 : memref<1x1x128xi32, #tpu.memory_space<vmem>> -> memref<128xi32, #tpu.memory_space<vmem>>
      %dma_wait3A_1305 = arith.constant 0 : i32
      %dma_wait3A_1306 = arith.constant 0 : i32
      %dma_wait3A_1307 = tpu.memref_slice %arg7[%dma_wait3A_1305, %dma_wait3A_1306] : memref<200x64xf32, #tpu.memory_space<vmem_shared>> -> memref<200x64xf32, #tpu.memory_space<vmem_shared>>
      tpu.wait_indirect_dma semaphore(%arg8 : memref<!tpu.dma_semaphore, #tpu.memory_space<semaphore_mem>>) src(%dma_wait3A_1307 : memref<200x64xf32, #tpu.memory_space<vmem_shared>>) dst(%dma_wait3A_1301 : memref<128x64xf32, #tpu.memory_space<vmem>>)
      %dma_wait3A_1308 = arith.constant 0 : i32
      %dma_wait3A_1309 = arith.constant 0 : i32
      %dma_wait3A_1310 = arith.constant 0 : i32
      %dma_wait3A_1311 = arith.constant 128 : i32
      %dma_wait3A_1312 = arith.constant 0 : i32
      %dma_wait3A_1313 = tpu.memref_slice %arg6[%dma_wait3A_1310, %dma_wait3A_1311, %dma_wait3A_1312] : memref<2x512x64xf32, #tpu.memory_space<vmem>> -> memref<1x128x64xf32, #tpu.memory_space<vmem>>
      %dma_wait3A_1314 = tpu.memref_squeeze %dma_wait3A_1313 : memref<1x128x64xf32, #tpu.memory_space<vmem>> -> memref<128x64xf32, #tpu.memory_space<vmem>>
      %dma_wait3A_1315 = arith.constant 0 : i32
      %dma_wait3A_1316 = tpu.memref_slice %arg5[%dma_wait3A_1308, %dma_wait3A_1309, %dma_wait3A_1315] : memref<4x4x128xi32, #tpu.memory_space<vmem>> -> memref<1x1x128xi32, #tpu.memory_space<vmem>>
      %dma_wait3A_1317 = tpu.memref_squeeze %dma_wait3A_1316 : memref<1x1x128xi32, #tpu.memory_space<vmem>> -> memref<128xi32, #tpu.memory_space<vmem>>
      %dma_wait3A_1318 = arith.constant 0 : i32
      %dma_wait3A_1319 = arith.constant 0 : i32
      %dma_wait3A_1320 = tpu.memref_slice %arg7[%dma_wait3A_1318, %dma_wait3A_1319] : memref<200x64xf32, #tpu.memory_space<vmem_shared>> -> memref<200x64xf32, #tpu.memory_space<vmem_shared>>
      tpu.wait_indirect_dma semaphore(%arg8 : memref<!tpu.dma_semaphore, #tpu.memory_space<semaphore_mem>>) src(%dma_wait3A_1320 : memref<200x64xf32, #tpu.memory_space<vmem_shared>>) dst(%dma_wait3A_1314 : memref<128x64xf32, #tpu.memory_space<vmem>>)
      %dma_wait3A_1321 = arith.constant 0 : i32
      %dma_wait3A_1322 = arith.constant 0 : i32
      %dma_wait3A_1323 = arith.constant 0 : i32
      %dma_wait3A_1324 = arith.constant 256 : i32
      %dma_wait3A_1325 = arith.constant 0 : i32
      %dma_wait3A_1326 = tpu.memref_slice %arg6[%dma_wait3A_1323, %dma_wait3A_1324, %dma_wait3A_1325] : memref<2x512x64xf32, #tpu.memory_space<vmem>> -> memref<1x128x64xf32, #tpu.memory_space<vmem>>
      %dma_wait3A_1327 = tpu.memref_squeeze %dma_wait3A_1326 : memref<1x128x64xf32, #tpu.memory_space<vmem>> -> memref<128x64xf32, #tpu.memory_space<vmem>>
      %dma_wait3A_1328 = arith.constant 0 : i32
      %dma_wait3A_1329 = tpu.memref_slice %arg5[%dma_wait3A_1321, %dma_wait3A_1322, %dma_wait3A_1328] : memref<4x4x128xi32, #tpu.memory_space<vmem>> -> memref<1x1x128xi32, #tpu.memory_space<vmem>>
      %dma_wait3A_1330 = tpu.memref_squeeze %dma_wait3A_1329 : memref<1x1x128xi32, #tpu.memory_space<vmem>> -> memref<128xi32, #tpu.memory_space<vmem>>
      %dma_wait3A_1331 = arith.constant 0 : i32
      %dma_wait3A_1332 = arith.constant 0 : i32
      %dma_wait3A_1333 = tpu.memref_slice %arg7[%dma_wait3A_1331, %dma_wait3A_1332] : memref<200x64xf32, #tpu.memory_space<vmem_shared>> -> memref<200x64xf32, #tpu.memory_space<vmem_shared>>
      tpu.wait_indirect_dma semaphore(%arg8 : memref<!tpu.dma_semaphore, #tpu.memory_space<semaphore_mem>>) src(%dma_wait3A_1333 : memref<200x64xf32, #tpu.memory_space<vmem_shared>>) dst(%dma_wait3A_1327 : memref<128x64xf32, #tpu.memory_space<vmem>>)
      %dma_wait3A_1334 = arith.constant 0 : i32
      %dma_wait3A_1335 = arith.constant 0 : i32
      %dma_wait3A_1336 = arith.constant 0 : i32
      %dma_wait3A_1337 = arith.constant 384 : i32
      %dma_wait3A_1338 = arith.constant 0 : i32
      %dma_wait3A_1339 = tpu.memref_slice %arg6[%dma_wait3A_1336, %dma_wait3A_1337, %dma_wait3A_1338] : memref<2x512x64xf32, #tpu.memory_space<vmem>> -> memref<1x128x64xf32, #tpu.memory_space<vmem>>
      %dma_wait3A_1340 = tpu.memref_squeeze %dma_wait3A_1339 : memref<1x128x64xf32, #tpu.memory_space<vmem>> -> memref<128x64xf32, #tpu.memory_space<vmem>>
      %dma_wait3A_1341 = arith.constant 0 : i32
      %dma_wait3A_1342 = tpu.memref_slice %arg5[%dma_wait3A_1334, %dma_wait3A_1335, %dma_wait3A_1341] : memref<4x4x128xi32, #tpu.memory_space<vmem>> -> memref<1x1x128xi32, #tpu.memory_space<vmem>>
      %dma_wait3A_1343 = tpu.memref_squeeze %dma_wait3A_1342 : memref<1x1x128xi32, #tpu.memory_space<vmem>> -> memref<128xi32, #tpu.memory_space<vmem>>
      %dma_wait3A_1344 = arith.constant 0 : i32
      %dma_wait3A_1345 = arith.constant 0 : i32
      %dma_wait3A_1346 = tpu.memref_slice %arg7[%dma_wait3A_1344, %dma_wait3A_1345] : memref<200x64xf32, #tpu.memory_space<vmem_shared>> -> memref<200x64xf32, #tpu.memory_space<vmem_shared>>
      tpu.wait_indirect_dma semaphore(%arg8 : memref<!tpu.dma_semaphore, #tpu.memory_space<semaphore_mem>>) src(%dma_wait3A_1346 : memref<200x64xf32, #tpu.memory_space<vmem_shared>>) dst(%dma_wait3A_1340 : memref<128x64xf32, #tpu.memory_space<vmem>>)
      %sub3A_1347 = arith.constant 1 : i32
      %sub3A_1348 = arith.subi %add3A_1210, %sub3A_1347 : i32
      %mul3A_1349 = arith.constant 512 : i32
      %mul3A_1350 = arith.muli %sub3A_1348, %mul3A_1349 : i32
      %add3A_1351 = arith.addi %mul3A_2, %mul3A_1350 : i32
      %dma_start3A_1352 = arith.constant 0 : i32
      %dma_start3A_1353 = arith.constant 0 : i32
      %dma_start3A_1354 = arith.constant 0 : i32
      %dma_start3A_1355 = tpu.memref_slice %arg6[%dma_start3A_1352, %dma_start3A_1353, %dma_start3A_1354] : memref<2x512x64xf32, #tpu.memory_space<vmem>> -> memref<1x512x64xf32, #tpu.memory_space<vmem>>
      %dma_start3A_1356 = tpu.memref_squeeze %dma_start3A_1355 : memref<1x512x64xf32, #tpu.memory_space<vmem>> -> memref<512x64xf32, #tpu.memory_space<vmem>>
      %dma_start3A_1357 = arith.constant 0 : i32
      %dma_start3A_1358 = tpu.memref_slice %arg4[%add3A_1351, %dma_start3A_1357] : memref<3276800x128xf32, #tpu.memory_space<hbm>> -> memref<512x64xf32, #tpu.memory_space<hbm>>
      %dma_start3A_1359 = arith.constant 0 : i32
      %dma_start3A_1360 = tpu.memref_slice %arg4[%add3A_1351, %dma_start3A_1359] : memref<3276800x128xf32, #tpu.memory_space<hbm>> -> memref<512x64xf32, #tpu.memory_space<hbm>>
      %dma_start3A_1361 = arith.constant 0 : i32
      %dma_start3A_1362 = arith.constant 0 : i32
      %dma_start3A_1363 = tpu.memref_slice %arg6[%dma_start3A_1352, %dma_start3A_1361, %dma_start3A_1362] : memref<2x512x64xf32, #tpu.memory_space<vmem>> -> memref<1x512x64xf32, #tpu.memory_space<vmem>>
      %dma_start3A_1364 = tpu.memref_squeeze %dma_start3A_1363 : memref<1x512x64xf32, #tpu.memory_space<vmem>> -> memref<512x64xf32, #tpu.memory_space<vmem>>
      tpu.enqueue_dma source(%dma_start3A_1364 : memref<512x64xf32, #tpu.memory_space<vmem>>) target(%dma_start3A_1360 : memref<512x64xf32, #tpu.memory_space<hbm>>) target_semaphore(%arg14 : memref<!tpu.dma_semaphore, #tpu.memory_space<semaphore_mem>>)
      %add3A_1365 = arith.constant 2 : i32
      %add3A_1366 = arith.addi %add3A_1210, %add3A_1365 : i32
      %lt3A_1367 = arith.constant 200 : i32
      %lt3A_1368 = arith.cmpi slt, %add3A_1366, %lt3A_1367 : i32
      %convert_element_type3A_1369 = arith.extui %lt3A_1368 : i1 to i32
      %cond3A_1370 = arith.constant 0 : i32
      %cond3A_1371 = arith.cmpi ne, %convert_element_type3A_1369, %cond3A_1370 : i32
      scf.if %cond3A_1371 {
        %add3A_1373 = arith.constant 2 : i32
        %add3A_1374 = arith.addi %add3A_1210, %add3A_1373 : i32
        %mul3A_1375 = arith.constant 4 : i32
        %mul3A_1376 = arith.muli %add3A_1374, %mul3A_1375 : i32
        %add3A_1377 = arith.addi %select_n3A, %mul3A_1376 : i32
        %dma_start3A_1378 = arith.constant 1 : i32
        %dma_start3A_1379 = arith.constant 0 : i32
        %dma_start3A_1380 = arith.constant 0 : i32
        %dma_start3A_1381 = tpu.memref_slice %arg5[%dma_start3A_1378, %dma_start3A_1379, %dma_start3A_1380] : memref<4x4x128xi32, #tpu.memory_space<vmem>> -> memref<1x4x128xi32, #tpu.memory_space<vmem>>
        %dma_start3A_1382 = tpu.memref_squeeze %dma_start3A_1381 : memref<1x4x128xi32, #tpu.memory_space<vmem>> -> memref<4x128xi32, #tpu.memory_space<vmem>>
        %dma_start3A_1383 = arith.constant 0 : i32
        %dma_start3A_1384 = tpu.memref_slice %arg3[%add3A_1377, %dma_start3A_1383] : memref<25600x128xi32, #tpu.memory_space<hbm>> -> memref<4x128xi32, #tpu.memory_space<hbm>>
        %dma_start3A_1385 = arith.constant 0 : i32
        %dma_start3A_1386 = arith.constant 0 : i32
        %dma_start3A_1387 = tpu.memref_slice %arg5[%dma_start3A_1378, %dma_start3A_1385, %dma_start3A_1386] : memref<4x4x128xi32, #tpu.memory_space<vmem>> -> memref<1x4x128xi32, #tpu.memory_space<vmem>>
        %dma_start3A_1388 = tpu.memref_squeeze %dma_start3A_1387 : memref<1x4x128xi32, #tpu.memory_space<vmem>> -> memref<4x128xi32, #tpu.memory_space<vmem>>
        %dma_start3A_1389 = arith.constant 0 : i32
        %dma_start3A_1390 = tpu.memref_slice %arg3[%add3A_1377, %dma_start3A_1389] : memref<25600x128xi32, #tpu.memory_space<hbm>> -> memref<4x128xi32, #tpu.memory_space<hbm>>
        tpu.enqueue_dma source(%dma_start3A_1390 : memref<4x128xi32, #tpu.memory_space<hbm>>) target(%dma_start3A_1388 : memref<4x128xi32, #tpu.memory_space<vmem>>) target_semaphore(%arg11 : memref<!tpu.dma_semaphore, #tpu.memory_space<semaphore_mem>>)
      } else {
      }
      %scan3A_1372 = arith.constant 0 : i32
      scf.yield %scan3A_1372 : i32
    }
    %scan3A_613 = arith.constant 49 : i32
    %dma_wait3A_614 = arith.constant 0 : i32
    %dma_wait3A_615 = arith.constant 0 : i32
    %dma_wait3A_616 = arith.constant 1 : i32
    %dma_wait3A_617 = arith.constant 0 : i32
    %dma_wait3A_618 = arith.constant 0 : i32
    %dma_wait3A_619 = tpu.memref_slice %arg6[%dma_wait3A_616, %dma_wait3A_617, %dma_wait3A_618] : memref<2x512x64xf32, #tpu.memory_space<vmem>> -> memref<1x128x64xf32, #tpu.memory_space<vmem>>
    %dma_wait3A_620 = tpu.memref_squeeze %dma_wait3A_619 : memref<1x128x64xf32, #tpu.memory_space<vmem>> -> memref<128x64xf32, #tpu.memory_space<vmem>>
    %dma_wait3A_621 = arith.constant 0 : i32
    %dma_wait3A_622 = tpu.memref_slice %arg5[%dma_wait3A_614, %dma_wait3A_615, %dma_wait3A_621] : memref<4x4x128xi32, #tpu.memory_space<vmem>> -> memref<1x1x128xi32, #tpu.memory_space<vmem>>
    %dma_wait3A_623 = tpu.memref_squeeze %dma_wait3A_622 : memref<1x1x128xi32, #tpu.memory_space<vmem>> -> memref<128xi32, #tpu.memory_space<vmem>>
    %dma_wait3A_624 = arith.constant 0 : i32
    %dma_wait3A_625 = arith.constant 0 : i32
    %dma_wait3A_626 = tpu.memref_slice %arg7[%dma_wait3A_624, %dma_wait3A_625] : memref<200x64xf32, #tpu.memory_space<vmem_shared>> -> memref<200x64xf32, #tpu.memory_space<vmem_shared>>
    tpu.wait_indirect_dma semaphore(%arg9 : memref<!tpu.dma_semaphore, #tpu.memory_space<semaphore_mem>>) src(%dma_wait3A_626 : memref<200x64xf32, #tpu.memory_space<vmem_shared>>) dst(%dma_wait3A_620 : memref<128x64xf32, #tpu.memory_space<vmem>>)
    %dma_wait3A_627 = arith.constant 0 : i32
    %dma_wait3A_628 = arith.constant 0 : i32
    %dma_wait3A_629 = arith.constant 1 : i32
    %dma_wait3A_630 = arith.constant 128 : i32
    %dma_wait3A_631 = arith.constant 0 : i32
    %dma_wait3A_632 = tpu.memref_slice %arg6[%dma_wait3A_629, %dma_wait3A_630, %dma_wait3A_631] : memref<2x512x64xf32, #tpu.memory_space<vmem>> -> memref<1x128x64xf32, #tpu.memory_space<vmem>>
    %dma_wait3A_633 = tpu.memref_squeeze %dma_wait3A_632 : memref<1x128x64xf32, #tpu.memory_space<vmem>> -> memref<128x64xf32, #tpu.memory_space<vmem>>
    %dma_wait3A_634 = arith.constant 0 : i32
    %dma_wait3A_635 = tpu.memref_slice %arg5[%dma_wait3A_627, %dma_wait3A_628, %dma_wait3A_634] : memref<4x4x128xi32, #tpu.memory_space<vmem>> -> memref<1x1x128xi32, #tpu.memory_space<vmem>>
    %dma_wait3A_636 = tpu.memref_squeeze %dma_wait3A_635 : memref<1x1x128xi32, #tpu.memory_space<vmem>> -> memref<128xi32, #tpu.memory_space<vmem>>
    %dma_wait3A_637 = arith.constant 0 : i32
    %dma_wait3A_638 = arith.constant 0 : i32
    %dma_wait3A_639 = tpu.memref_slice %arg7[%dma_wait3A_637, %dma_wait3A_638] : memref<200x64xf32, #tpu.memory_space<vmem_shared>> -> memref<200x64xf32, #tpu.memory_space<vmem_shared>>
    tpu.wait_indirect_dma semaphore(%arg9 : memref<!tpu.dma_semaphore, #tpu.memory_space<semaphore_mem>>) src(%dma_wait3A_639 : memref<200x64xf32, #tpu.memory_space<vmem_shared>>) dst(%dma_wait3A_633 : memref<128x64xf32, #tpu.memory_space<vmem>>)
    %dma_wait3A_640 = arith.constant 0 : i32
    %dma_wait3A_641 = arith.constant 0 : i32
    %dma_wait3A_642 = arith.constant 1 : i32
    %dma_wait3A_643 = arith.constant 256 : i32
    %dma_wait3A_644 = arith.constant 0 : i32
    %dma_wait3A_645 = tpu.memref_slice %arg6[%dma_wait3A_642, %dma_wait3A_643, %dma_wait3A_644] : memref<2x512x64xf32, #tpu.memory_space<vmem>> -> memref<1x128x64xf32, #tpu.memory_space<vmem>>
    %dma_wait3A_646 = tpu.memref_squeeze %dma_wait3A_645 : memref<1x128x64xf32, #tpu.memory_space<vmem>> -> memref<128x64xf32, #tpu.memory_space<vmem>>
    %dma_wait3A_647 = arith.constant 0 : i32
    %dma_wait3A_648 = tpu.memref_slice %arg5[%dma_wait3A_640, %dma_wait3A_641, %dma_wait3A_647] : memref<4x4x128xi32, #tpu.memory_space<vmem>> -> memref<1x1x128xi32, #tpu.memory_space<vmem>>
    %dma_wait3A_649 = tpu.memref_squeeze %dma_wait3A_648 : memref<1x1x128xi32, #tpu.memory_space<vmem>> -> memref<128xi32, #tpu.memory_space<vmem>>
    %dma_wait3A_650 = arith.constant 0 : i32
    %dma_wait3A_651 = arith.constant 0 : i32
    %dma_wait3A_652 = tpu.memref_slice %arg7[%dma_wait3A_650, %dma_wait3A_651] : memref<200x64xf32, #tpu.memory_space<vmem_shared>> -> memref<200x64xf32, #tpu.memory_space<vmem_shared>>
    tpu.wait_indirect_dma semaphore(%arg9 : memref<!tpu.dma_semaphore, #tpu.memory_space<semaphore_mem>>) src(%dma_wait3A_652 : memref<200x64xf32, #tpu.memory_space<vmem_shared>>) dst(%dma_wait3A_646 : memref<128x64xf32, #tpu.memory_space<vmem>>)
    %dma_wait3A_653 = arith.constant 0 : i32
    %dma_wait3A_654 = arith.constant 0 : i32
    %dma_wait3A_655 = arith.constant 1 : i32
    %dma_wait3A_656 = arith.constant 384 : i32
    %dma_wait3A_657 = arith.constant 0 : i32
    %dma_wait3A_658 = tpu.memref_slice %arg6[%dma_wait3A_655, %dma_wait3A_656, %dma_wait3A_657] : memref<2x512x64xf32, #tpu.memory_space<vmem>> -> memref<1x128x64xf32, #tpu.memory_space<vmem>>
    %dma_wait3A_659 = tpu.memref_squeeze %dma_wait3A_658 : memref<1x128x64xf32, #tpu.memory_space<vmem>> -> memref<128x64xf32, #tpu.memory_space<vmem>>
    %dma_wait3A_660 = arith.constant 0 : i32
    %dma_wait3A_661 = tpu.memref_slice %arg5[%dma_wait3A_653, %dma_wait3A_654, %dma_wait3A_660] : memref<4x4x128xi32, #tpu.memory_space<vmem>> -> memref<1x1x128xi32, #tpu.memory_space<vmem>>
    %dma_wait3A_662 = tpu.memref_squeeze %dma_wait3A_661 : memref<1x1x128xi32, #tpu.memory_space<vmem>> -> memref<128xi32, #tpu.memory_space<vmem>>
    %dma_wait3A_663 = arith.constant 0 : i32
    %dma_wait3A_664 = arith.constant 0 : i32
    %dma_wait3A_665 = tpu.memref_slice %arg7[%dma_wait3A_663, %dma_wait3A_664] : memref<200x64xf32, #tpu.memory_space<vmem_shared>> -> memref<200x64xf32, #tpu.memory_space<vmem_shared>>
    tpu.wait_indirect_dma semaphore(%arg9 : memref<!tpu.dma_semaphore, #tpu.memory_space<semaphore_mem>>) src(%dma_wait3A_665 : memref<200x64xf32, #tpu.memory_space<vmem_shared>>) dst(%dma_wait3A_659 : memref<128x64xf32, #tpu.memory_space<vmem>>)
    %add3A_666 = arith.constant 101888 : i32
    %add3A_667 = arith.addi %mul3A_2, %add3A_666 : i32
    %dma_start3A_668 = arith.constant 1 : i32
    %dma_start3A_669 = arith.constant 0 : i32
    %dma_start3A_670 = arith.constant 0 : i32
    %dma_start3A_671 = tpu.memref_slice %arg6[%dma_start3A_668, %dma_start3A_669, %dma_start3A_670] : memref<2x512x64xf32, #tpu.memory_space<vmem>> -> memref<1x512x64xf32, #tpu.memory_space<vmem>>
    %dma_start3A_672 = tpu.memref_squeeze %dma_start3A_671 : memref<1x512x64xf32, #tpu.memory_space<vmem>> -> memref<512x64xf32, #tpu.memory_space<vmem>>
    %dma_start3A_673 = arith.constant 0 : i32
    %dma_start3A_674 = tpu.memref_slice %arg4[%add3A_667, %dma_start3A_673] : memref<3276800x128xf32, #tpu.memory_space<hbm>> -> memref<512x64xf32, #tpu.memory_space<hbm>>
    %dma_start3A_675 = arith.constant 0 : i32
    %dma_start3A_676 = tpu.memref_slice %arg4[%add3A_667, %dma_start3A_675] : memref<3276800x128xf32, #tpu.memory_space<hbm>> -> memref<512x64xf32, #tpu.memory_space<hbm>>
    %dma_start3A_677 = arith.constant 0 : i32
    %dma_start3A_678 = arith.constant 0 : i32
    %dma_start3A_679 = tpu.memref_slice %arg6[%dma_start3A_668, %dma_start3A_677, %dma_start3A_678] : memref<2x512x64xf32, #tpu.memory_space<vmem>> -> memref<1x512x64xf32, #tpu.memory_space<vmem>>
    %dma_start3A_680 = tpu.memref_squeeze %dma_start3A_679 : memref<1x512x64xf32, #tpu.memory_space<vmem>> -> memref<512x64xf32, #tpu.memory_space<vmem>>
    tpu.enqueue_dma source(%dma_start3A_680 : memref<512x64xf32, #tpu.memory_space<vmem>>) target(%dma_start3A_676 : memref<512x64xf32, #tpu.memory_space<hbm>>) target_semaphore(%arg15 : memref<!tpu.dma_semaphore, #tpu.memory_space<semaphore_mem>>)
    %add3A_681 = arith.constant 0 : i32
    %add3A_682 = arith.addi %mul3A_2, %add3A_681 : i32
    %dma_wait3A_683 = arith.constant 0 : i32
    %dma_wait3A_684 = arith.constant 0 : i32
    %dma_wait3A_685 = arith.constant 0 : i32
    %dma_wait3A_686 = tpu.memref_slice %arg6[%dma_wait3A_683, %dma_wait3A_684, %dma_wait3A_685] : memref<2x512x64xf32, #tpu.memory_space<vmem>> -> memref<1x512x64xf32, #tpu.memory_space<vmem>>
    %dma_wait3A_687 = tpu.memref_squeeze %dma_wait3A_686 : memref<1x512x64xf32, #tpu.memory_space<vmem>> -> memref<512x64xf32, #tpu.memory_space<vmem>>
    %dma_wait3A_688 = arith.constant 0 : i32
    %dma_wait3A_689 = tpu.memref_slice %arg4[%add3A_682, %dma_wait3A_688] : memref<3276800x128xf32, #tpu.memory_space<hbm>> -> memref<512x64xf32, #tpu.memory_space<hbm>>
    %dma_wait3A_690 = arith.constant 0 : i32
    %dma_wait3A_691 = tpu.memref_slice %arg4[%add3A_682, %dma_wait3A_690] : memref<3276800x128xf32, #tpu.memory_space<hbm>> -> memref<512x64xf32, #tpu.memory_space<hbm>>
    %dma_wait3A_692 = arith.constant 0 : i32
    %dma_wait3A_693 = arith.constant 0 : i32
    %dma_wait3A_694 = tpu.memref_slice %arg6[%dma_wait3A_683, %dma_wait3A_692, %dma_wait3A_693] : memref<2x512x64xf32, #tpu.memory_space<vmem>> -> memref<1x512x64xf32, #tpu.memory_space<vmem>>
    %dma_wait3A_695 = tpu.memref_squeeze %dma_wait3A_694 : memref<1x512x64xf32, #tpu.memory_space<vmem>> -> memref<512x64xf32, #tpu.memory_space<vmem>>
    tpu.wait_dma2 semaphore(%arg14 : memref<!tpu.dma_semaphore, #tpu.memory_space<semaphore_mem>>) src(%dma_wait3A_695 : memref<512x64xf32, #tpu.memory_space<vmem>>) dst(%dma_wait3A_691 : memref<512x64xf32, #tpu.memory_space<hbm>>)
    %add3A_696 = arith.constant 0 : i32
    %add3A_697 = arith.addi %mul3A_2, %add3A_696 : i32
    %dma_wait3A_698 = arith.constant 1 : i32
    %dma_wait3A_699 = arith.constant 0 : i32
    %dma_wait3A_700 = arith.constant 0 : i32
    %dma_wait3A_701 = tpu.memref_slice %arg6[%dma_wait3A_698, %dma_wait3A_699, %dma_wait3A_700] : memref<2x512x64xf32, #tpu.memory_space<vmem>> -> memref<1x512x64xf32, #tpu.memory_space<vmem>>
    %dma_wait3A_702 = tpu.memref_squeeze %dma_wait3A_701 : memref<1x512x64xf32, #tpu.memory_space<vmem>> -> memref<512x64xf32, #tpu.memory_space<vmem>>
    %dma_wait3A_703 = arith.constant 0 : i32
    %dma_wait3A_704 = tpu.memref_slice %arg4[%add3A_697, %dma_wait3A_703] : memref<3276800x128xf32, #tpu.memory_space<hbm>> -> memref<512x64xf32, #tpu.memory_space<hbm>>
    %dma_wait3A_705 = arith.constant 0 : i32
    %dma_wait3A_706 = tpu.memref_slice %arg4[%add3A_697, %dma_wait3A_705] : memref<3276800x128xf32, #tpu.memory_space<hbm>> -> memref<512x64xf32, #tpu.memory_space<hbm>>
    %dma_wait3A_707 = arith.constant 0 : i32
    %dma_wait3A_708 = arith.constant 0 : i32
    %dma_wait3A_709 = tpu.memref_slice %arg6[%dma_wait3A_698, %dma_wait3A_707, %dma_wait3A_708] : memref<2x512x64xf32, #tpu.memory_space<vmem>> -> memref<1x512x64xf32, #tpu.memory_space<vmem>>
    %dma_wait3A_710 = tpu.memref_squeeze %dma_wait3A_709 : memref<1x512x64xf32, #tpu.memory_space<vmem>> -> memref<512x64xf32, #tpu.memory_space<vmem>>
    tpu.wait_dma2 semaphore(%arg15 : memref<!tpu.dma_semaphore, #tpu.memory_space<semaphore_mem>>) src(%dma_wait3A_710 : memref<512x64xf32, #tpu.memory_space<vmem>>) dst(%dma_wait3A_706 : memref<512x64xf32, #tpu.memory_space<hbm>>)
    return
  }
}

</mosaic_0001>

<sc_bundles>
// kernel: kernel.3.cloned.1.call-start
scs
__scs_entry_jumppad:
0x0: {  	(pc) =	sbr.rel $0x88, $3  }
0x1: {  	(tag) =	ssettag $0x0;
	lr =	simm.s32 $0x1  }
0x2: {  	[smem:$0x3F9F] =	sst lr;
	_ =	strace $0xD0000000  }
0x3: {  	_ = 	snop  }
0x4: {  	_ = 	snop  }
0x5: {  	_ = 	snop  }
0x6: {  	_ = 	snop  }
0x7: {  	_ = 	snop  }
__scs_overlays_trampoline_lowered:
0x8: {  	[smem:$0x3FAE] =	sst s0  }
0x9: {  	[smem:$0x3FAF] =	sst s1  }
0xa: {  	[smem:$0x3FB0] =	sst s2  }
0xb: {  	[smem:$0x3FB1] =	sst s3  }
0xc: {  	[smem:$0x3FB2] =	sst s4  }
0xd: {  	[smem:$0x3FB3] =	sst s5  }
0xe: {  	[smem:$0x3FB4] =	sst s6  }
0xf: {  	[smem:$0x3FB5] =	sst s7  }
0x10: {  	[smem:$0x3FB6] =	sst s8  }
0x11: {  	[smem:$0x3FB7] =	sst s9;
	s0 =	simm.s32 @!p0 $0x0  }
0x12: {  	s1 =	sld [smem:$0x3F9D];
	s0 =	simm.s32 @p0 $0x1  }
0x13: {  	[smem:$0x3FB8] =	sst s0;
	s0 =	simm.s32 @!p1 $0x0  }
0x14: {  	s2 =	sld [smem:$0x3F9C];
	s0 =	simm.s32 @p1 $0x1  }
0x15: {  	[smem:$0x3FB9] =	sst s0;
	s0 =	simm.s32 @!p2 $0x0  }
0x16: {  	s3 =	sld [smem:$0x3FDB];
	s0 =	simm.s32 @p2 $0x1  }
0x17: {  	s4 =	simm.s32 $0x1BF5;
	[smem:$0x3FBB] =	sst s0  }
0x18: {  	s0 =	sld [smem:$0x3F9E];
	_ =	swait.ge [sflag:s4], $0x0  }
0x19: {  	s7 =	sld [smem:$0x3F9F]  }
0x1a: {  	s8 =	sadd.s32 $0xFFFFE003, lr  }
0x1b: {  	s9 =	sadd.s32 $0xFFFFFEF7, lr;
	s5 =	simm.s32 $0xFFFFFFFF;
	p2 =	slt.u32 s8, $0xFFFFF086  }
0x1c: {  	p1 =	slt.u32 s9, $0xF7A;
	s5 =	simm.s32 @!p2 $0x0  }
0x1d: {  	s5 =	simm.s32 @p1 $0x1;
	p0 =	seq.s32 s7, s2  }
0x1e: {  	s7 =	smul.u32 @!p0 $0xF7A, s2;
	p2 =	seq.s32 @!p0 s5, $0x0  }
0x1f: {  	s9 =	smul.u32 $0xF7A, s1;
	s8 =	simm.s32 @!p0 $0x1BF5;
	p2 =	por !p2, p0  }
0x20: {  	[sflag:s8] =	ssyncset.s32 @!p0 $0xFFFFF086;
	s6 =	sadd.s32 @!p0 s3, s7;
	s7 =	simm.s32 @!p0 $0x108  }
0x21: {  	s3 =	sadd.s32 s3, s9;
	s6 =	sadd.s32 @!p0 $0x88, s6;
	s7 =	simm.s32 @p2 $0x1082  }
0x22: {  	[simem:s7], [sflag:s8] =	dma.local @!p0 [hbm:s6], $0xF7A  }
0x23: {  	s9 =	sor.u32 $0xD0000000, s2;
	s6 =	simm.s32 $0x108;
	_ =	swait.ge @!p0 [sflag:s8], $0x0  }
0x24: {  	s3 =	sadd.s32 $0x88, s3;
	s6 =	simm.s32 @!p1 $0x1082;
	[sflag:s4] =	ssyncset.s32 $0xFFFFF086  }
0x25: {  	[simem:s6], [sflag:s4] =	dma.local [hbm:s3], $0xF7A  }
0x26: {  	[smem:$0x3F9F] =	sst s1;
	(tag) =	ssettag s2;
	_ =	strace s9  }
0x27: {  	s1 =	sld [smem:$0x3FAF]  }
0x28: {  	s2 =	sld [smem:$0x3FB0]  }
0x29: {  	s4 =	sld [smem:$0x3FB2]  }
0x2a: {  	p0 =	seq.s32 s5, $0x0;
	s5 =	sld [smem:$0x3FB3]  }
0x2b: {  	s6 =	sld [smem:$0x3FB4]  }
0x2c: {  	s7 =	sld [smem:$0x3FB5]  }
0x2d: {  	s3 =	simm.s32 $0x108;
	s8 =	sld [smem:$0x3FB6]  }
0x2e: {  	s3 =	simm.s32 @!p0 $0x1082;
	s9 =	sld [smem:$0x3FB7]  }
0x2f: {  	lr =	sadd.s32 s0, s3;
	s0 =	sld [smem:$0x3FAE]  }
0x30: {  	s3 =	sld [smem:$0x3FB1]  }
0x31: {  	[smem:$0x3FBA] =	sst s10  }
0x32: {  	s10 =	sld [smem:$0x3FB8];
	_ =	sdelay $0x3  }
0x33: {  	p0 =	seq.s32 s10, $0x1;
	s10 =	sld [smem:$0x3FBA];
	_ =	sdelay $0x3  }
0x34: {  	[smem:$0x3FBA] =	sst s10  }
0x35: {  	s10 =	sld [smem:$0x3FB9];
	_ =	sdelay $0x3  }
0x36: {  	p1 =	seq.s32 s10, $0x1;
	s10 =	sld [smem:$0x3FBA];
	_ =	sdelay $0x3  }
0x37: {  	[smem:$0x3FBA] =	sst s10  }
0x38: {  	s10 =	sld [smem:$0x3FBB]  }
0x39: {  	_ = 	snop;
	(pc) =	sbr.ind lr, $3  }
0x3a: {  	_ = 	snop  }
0x3b: {  	_ = 	snop  }
0x3c: {  	p2 =	seq.s32 s10, $0x1;
	s10 =	sld [smem:$0x3FBA]  }
0x3d: {  	_ =	shalt  }
0x3e: {  	_ =	shalt  }
0x3f: {  	_ =	shalt  }
0x40: {  	_ =	shalt  }
0x41: {  	_ =	shalt  }
0x42: {  	_ =	shalt  }
0x43: {  	_ =	shalt  }
0x44: {  	_ =	shalt  }
0x45: {  	_ =	shalt  }
0x46: {  	_ =	shalt  }
0x47: {  	_ =	shalt  }
0x48: {  	_ =	shalt  }
0x49: {  	_ =	shalt  }
0x4a: {  	_ =	shalt  }
0x4b: {  	_ =	shalt  }
0x4c: {  	_ =	shalt  }
0x4d: {  	_ =	shalt  }
0x4e: {  	_ =	shalt  }
0x4f: {  	_ =	shalt  }
0x50: {  	_ =	shalt  }
0x51: {  	_ =	shalt  }
0x52: {  	_ =	shalt  }
0x53: {  	_ =	shalt  }
0x54: {  	_ =	shalt  }
0x55: {  	_ =	shalt  }
0x56: {  	_ =	shalt  }
0x57: {  	_ =	shalt  }
0x58: {  	_ =	shalt  }
0x59: {  	_ =	shalt  }
0x5a: {  	_ =	shalt  }
0x5b: {  	_ =	shalt  }
0x5c: {  	_ =	shalt  }
0x5d: {  	_ =	shalt  }
0x5e: {  	_ =	shalt  }
0x5f: {  	_ =	shalt  }
0x60: {  	_ =	shalt  }
0x61: {  	_ =	shalt  }
0x62: {  	_ =	shalt  }
0x63: {  	_ =	shalt  }
0x64: {  	_ =	shalt  }
0x65: {  	_ =	shalt  }
0x66: {  	_ =	shalt  }
0x67: {  	_ =	shalt  }
0x68: {  	_ =	shalt  }
0x69: {  	_ =	shalt  }
0x6a: {  	_ =	shalt  }
0x6b: {  	_ =	shalt  }
0x6c: {  	_ =	shalt  }
0x6d: {  	_ =	shalt  }
0x6e: {  	_ =	shalt  }
0x6f: {  	_ =	shalt  }
0x70: {  	_ =	shalt  }
0x71: {  	_ =	shalt  }
0x72: {  	_ =	shalt  }
0x73: {  	_ =	shalt  }
0x74: {  	_ =	shalt  }
0x75: {  	_ =	shalt  }
0x76: {  	_ =	shalt  }
0x77: {  	_ =	shalt  }
0x78: {  	_ =	shalt  }
0x79: {  	_ =	shalt  }
0x7a: {  	_ =	shalt  }
0x7b: {  	_ =	shalt  }
0x7c: {  	_ =	shalt  }
0x7d: {  	_ =	shalt  }
0x7e: {  	_ =	shalt  }
0x7f: {  	_ =	shalt  }
0x80: {  	_ =	shalt  }
0x81: {  	_ =	shalt  }
0x82: {  	_ =	shalt  }
0x83: {  	_ =	shalt  }
0x84: {  	_ =	shalt  }
0x85: {  	_ =	shalt  }
0x86: {  	_ =	shalt  }
0x87: {  	_ =	shalt  }
.Lfunc_end0:
.L_simem_size_0:
called_computation.1_lowered:
.L_overlay_start_0:
0x88: {  	s2 =	sld [smem:$0x3FD9]  }
0x89: {  	s3 =	sld [smem:$0x3FFE];
	_ =	sdelay $0x1  }
0x8a: {  	s1 =	srdreg.scid  }
0x8b: {  	s0 =	sand.u32 $0x1, s1  }
0x8c: {  	s17 =	sshll.u32 s0, $0xA;
	s2 =	sadd.s32 s3, s2  }
0x8d: {  	s2 =	sadd.s32 s2, s17  }
0x8e: {  	[smem:$0x3FC6] =	sst s2  }
0x8f: {  	_ = 	snop  }
0x90: {  	s2 =	sld [smem:$0x3FD0];
	(tm) =	ssettm $0x1  }
0x91: {  	s18 =	sld [smem:$0x3FFB];
	_ =	sdelay $0x3  }
0x92: {  	_ =	strace s18  }
0x93: {  	s3 =	sld [smem:$0x3FFC];
	_ =	sdelay $0x3  }
0x94: {  	_ =	strace s3  }
0x95: {  	s3 =	sld [smem:$0x3FFD];
	_ =	sdelay $0x3  }
0x96: {  	_ =	strace s3  }
0x97: {  	_ =	strace $0x8FFFFFFF  }
0x98: {  	s19 =	sld [smem:$0x3FDB];
	_ =	sdelay $0x1  }
0x99: {  	s4 =	simm.s32 $_scs_section_size  }
0x9a: {  	s5 =	simm.s32 $_size__tile_overlayer_lowered;
	s6 =	simm.s32 $_tile_overlayer_lowered  }
0x9b: {  	s22 =	simm.s32 $0x1BFF;
	s21 =	sshll.u32 s6, $0x1;
	s3 =	sadd.s32 s4, s19  }
0x9c: {  	s7 =	simm.s32 $0x0;
	s20 =	sshll.u32 s5, $0x1;
	s5 =	sadd.s32 s21, s3  }
0x9d: {  	[timem:s7], [sflag:s22] =	dma.local [hbm:s5], s20  }
0x9e: {  	_ =	swait.ge [sflag:s22], s20  }
0x9f: {  	s4 =	ssub.s32 $0x0, s20;
	[sflag:s22] =	ssyncset.done $0x0  }
0xa0: {  	[sflag:s22] =	ssyncadd.s32 s4;
	_ =	sdelay $0x1  }
0xa1: {  	s23 =	simm.s32 $0x1B8B  }
0xa2: {  	_ =	swait.ge [sflag:s23], $0x1  }
0xa3: {  	[sflag:s23] =	ssyncset.done $0x0  }
0xa4: {  	s25 =	simm.s32 $0x1B8E;
	s24 =	sld [smem:$0x3FFE];
	[sflag:s23] =	ssyncadd.s32 $0xFFFFFFFF  }
0xa5: {  	s26 =	simm.s32 $execute0_lowered;
	[smem:$0x3FD2] =	sst s25  }
0xa6: {  	s5 =	sshll.u32 s26, $0x1;
	_ =	strace $0x80000046;
	[dreg:$0x1] =	wrdreg $0xFFFFFFFF  }
0xa7: {  	s28 =	simm.s32 $_size_execute0_lowered;
	s3 =	sadd.s32 s3, s5;
	[dreg:$0x0] =	wrdreg $0x0  }
0xa8: {  	s5 =	sshll.u32 s28, $0x1;
	[dreg:$0x2] =	wrdreg s3  }
0xa9: {  	[dreg:$0x3] =	wrdreg s5  }
0xaa: {  	[dreg:$0x4] =	wrdreg $0xC0  }
0xab: {  	_ =	task [dreg:s7], $0x5FFFF  }
0xac: {  	[dreg:$0x1] =	wrdreg $0xFFFFFFFF  }
0xad: {  	[dreg:$0x0] =	wrdreg $0x60  }
0xae: {  	[dreg:$0x2] =	wrdreg s24  }
0xaf: {  	[dreg:$0x3] =	wrdreg s2  }
0xb0: {  	[dreg:$0x4] =	wrdreg $0x108000  }
0xb1: {  	[dreg:$0x5] =	wrdreg $0x9  }
0xb2: {  	_ =	task.clear_ibuf [dreg:s7], $0x6FFFF;
	_ =	strace $0x90000046  }
0xb3: {  	s29 =	simm.s32 $0x9;
	_ =	strace $0x80000048  }
0xb4: {  	_ =	swait.ge [sflag:s29], $0x1  }
0xb5: {  	[sflag:s29] =	ssyncadd.s32 $0xFFFFFFFF  }
0xb6: {  	_ =	strace $0x90000048  }
0xb7: {  	_ =	sfence  }
0xb8: {  	s30 =	sld [smem:$0x0];
	_ =	sdelay $0x2  }
0xb9: {  	s31 =	sshll.u32 s1, $0xD;
	s1 =	sshrl.u32 s1, $0x2  }
0xba: {  	s3 =	sand.u32 $0x4000, s31;
	s1 =	sadd.s32 s1, s30  }
0xbb: {  	s0 =	sor.u32 s3, s0;
	s1 =	sshll.u32 s1, $0x11  }
0xbc: {  	s0 =	sor.u32 s1, s0  }
0xbd: {  	s0 =	sadd.s32 $0x8F2B, s0  }
0xbe: {  	[sflag:s0] =	ssyncadd.remote.s32 $0x1  }
0xbf: {  	_ =	sfence.sel $0xFFFF  }
0xc0: {  	[dreg:$0x0] =	wrdreg $0xFFFFFFFF;
	(pc) =	sbr.abs _section_cstart, $3  }
0xc1: {  	[dreg:$0x1] =	wrdreg $0xFFFFFFFF  }
0xc2: {  	_ =	task.clear_ibuf [dreg:s7], $0x2FFFF;
	_ =	strace $0x9FFFFFFF  }
0xc3: {  	(tm) =	ssettm $0x7FFFFFFF  }
tec
execute0_lowered:
.L_overlay_start_1:
0x0: {  	(tag) =	ssettag $0x1  }
0x1: {  	s0 =	rddreg [dreg:$0x0]  }
0x2: {  	s3 =	rddreg [dreg:$0x1]  }
0x3: {  	s2 =	srdreg.scid;
	s4 =	stileid.u32  }
0x4: {  	s1 =	rddreg [dreg:$0x2];
	s28 =	simm.s32 $0x800;
	s29 =	simm.s32 $0x2800  }
0x5: {  	s31 =	simm.s32 $0x4800;
	s5 =	sand.u32 $0x1, s2;
	s24 =	smul.u32 $0x1900000, s4  }
0x6: {  	s6 =	sshll.u32 s4, $0x1;
	s2 =	simm.s32 $0x0;
	s14 =	smul.u32 $0x32000, s4  }
0x7: {  	s8 =	sadd.s32 $0x800, s0;
	s0 =	sadd.s32 $0x1000, s0;
	s26 =	smul.u32 $0xC80000, s5  }
0x8: {  	s6 =	sor.u32 s5, s6;
	s21 =	ssub.s32 $0x2, s5;
	s5 =	smul.u32 $0x19000, s5  }
0x9: {  	p0 =	sne.s32 s4, $0x0;
	[smem:$0x7FF] =	sst s2;
	s7 =	smul.u32 $0x19000, s6  }
0xa: {  	_ =	strace $0x80000047;
	s9 =	smul.u32 $0x190000, s6;
	s10 =	sshrl.u32 s21, $0x1  }
0xb: {  	[dreg:$0x4] =	wrdreg s8;
	s6 =	smul.u32 $0xC80000, s6;
	s22 =	ssub.s32 s21, s10  }
0xc: {  	s8 =	sadd.s32 s26, s24;
	s5 =	sadd.s32 s5, s14;
	s14 =	simm.s32 $0x1  }
0xd: {  	s10 =	simm.s32 $0x8;
	s7 =	sshrl.u32 s7, $0x3;
	s12 =	sadd.s32 s0, s9  }
0xe: {  	s6 =	sshrl.u32 s6, $0x3;
	s9 =	sor.u32 $0x40000, s8;
	s17 =	sadd.s32 $0x1200, s5  }
0xf: {  	s19 =	sadd.s32 $0x1000, s5;
	s20 =	sor.u32 $0xE00, s5;
	s21 =	sshll.u32 s5, $0x4  }
0x10: {  	s5 =	sor.u32 $0xC00, s5;
	s13 =	sadd.s32 $0x4000, s12;
	[dreg:$0x8] =	wrdreg s12  }
0x11: {  	s11 =	sadd.s32 s3, s7;
	s12 =	sadd.s32 $0x2000, s12;
	[dreg:$0xa] =	wrdreg s13  }
0x12: {  	s6 =	sadd.s32 s0, s6;
	s16 =	sshrl.u32 s9, $0x3;
	[dreg:$0xb] =	wrdreg s12  }
0x13: {  	s7 =	smax.u32 s22, $0x1;
	s18 =	sshrl.u32 s17, $0x3;
	[dreg:$0x5] =	wrdreg s11  }
0x14: {  	s5 =	sshrl.u32 s5, $0x3;
	s23 =	sadd.s32 $0x40, s11;
	[dreg:$0xf] =	wrdreg s7  }
0x15: {  	s9 =	simm.s32 $0xA800;
	s25 =	sadd.s32 $0x80, s11;
	[dreg:$0x6] =	wrdreg s23  }
0x16: {  	s17 =	simm.s32 $0x5;
	s30 =	sadd.s32 $0xC0, s11;
	[dreg:$0x7] =	wrdreg s25  }
0x17: {  	s15 =	sadd.s32 $0x100, s11;
	s11 =	sadd.s32 $0x140, s11;
	[dreg:$0x9] =	wrdreg s30  }
0x18: {  	s6 =	sadd.s32 $0x18E000, s6;
	s7 =	sshrl.u32 s20, $0x3;
	[dreg:$0xc] =	wrdreg s15  }
0x19: {  	s13 =	simm.s32 $0xE800;
	s12 =	simm.s32 $0x0;
	[dreg:$0xd] =	wrdreg s11  }
0x1a: {  	[dreg:$0xe] =	wrdreg s6;
	s6 =	sadd.s32 s16, s0;
	s22 =	sadd.s32 s7, s3  }
0x1b: {  	s23 =	sadd.s32 s21, s0;
	s25 =	sor.u32 $0x60000, s8;
	s30 =	sadd.s32 s5, s3  }
0x1c: {  	s5 =	simm.s32 $0x4;
	s11 =	simm.s32 $0xC800;
	s7 =	simm.s32 $0x40  }
0x1d: {  	s16 =	simm.s32 $0x600;
	s8 =	simm.s32 $0x6;
	[dreg:$0x10] =	wrdreg s6  }
0x1e: {  	s6 =	sadd.s32 s18, s3;
	[dreg:$0x13] =	wrdreg s22;
	s24 =	sadd.s32 $0xA000, s23  }
0x1f: {  	s20 =	sadd.s32 $0x6000, s23;
	s26 =	sshrl.u32 s25, $0x3;
	[dreg:$0x15] =	wrdreg s30  }
.Ltmp0:
0x20: {  	s23 =	simm.s32 $0x200;
	s25 =	simm.s32 $0x3;
	(pc) =	sbr.rel .LBB2_1-.Ltmp0, $4  }
0x21: {  	s18 =	simm.s32 $0x7;
	[dreg:$0x11] =	wrdreg s6;
	s6 =	sshrl.u32 s19, $0x3  }
0x22: {  	[dreg:$0x14] =	wrdreg s24;
	s21 =	sadd.s32 s26, s0;
	s24 =	simm.s32 $0x400  }
0x23: {  	s26 =	simm.s32 $0x80;
	s0 =	simm.s32 $0x2;
	s6 =	sadd.s32 s6, s3  }
0x24: {  	s3 =	simm.s32 $0x6800;
	[dreg:$0x12] =	wrdreg s6;
	s6 =	simm.s32 $0x8800  }
.LBB2_4:
0x25: {  	_ =	swait.ge [sflag:s0], $0x2000  }
0x26: {  	[sflag:s0] =	ssyncset.done $0x0  }
0x27: {  	[sflag:s0] =	ssyncadd.s32 $0xFFFFE000  }
0x28: {  	_ =	swait.ge [sflag:s0], $0x2000  }
0x29: {  	[sflag:s0] =	ssyncset.done $0x0  }
0x2a: {  	[sflag:s0] =	ssyncadd.s32 $0xFFFFE000  }
0x2b: {  	_ =	swait.ge [sflag:s0], $0x2000  }
0x2c: {  	[sflag:s0] =	ssyncset.done $0x0  }
0x2d: {  	[sflag:s0] =	ssyncadd.s32 $0xFFFFE000  }
0x2e: {  	_ =	swait.ge [sflag:s0], $0x2000  }
0x2f: {  	[sflag:s0] =	ssyncset.done $0x0  }
0x30: {  	s4 =	rddreg [dreg:$0xe];
	[sflag:s0] =	ssyncadd.s32 $0xFFFFE000  }
0x31: {  	[hbm4b:s4+s7] =	stream.strided.scatter [tilespmem:s6], [sflag:$0x8], $0x8000, s26, s7, $0x38;
	[tilespmem:$0x10B20] =	vst v63  }
0x32: {  	_ =	swait.ge [sflag:s18], $0x8000  }
0x33: {  	[sflag:s18] =	ssyncset.done $0x0  }
0x34: {  	[sflag:s18] =	ssyncadd.s32 $0xFFFF8000  }
0x35: {  	_ =	swait.ge [sflag:s10], $0x8000  }
0x36: {  	s12 =	rddreg [dreg:$0x16]  }
0x37: {  	s30 =	rddreg [dreg:$0xf];
	s12 =	sadd.s32 $0x1, s12  }
0x38: {  	p1 =	sne.s32 s12, s30  }
.Ltmp1:
0x39: {  	_ = 	snop;
	(pc) =	sbr.rel @!p1 .LBB2_5-.Ltmp1, $3  }
0x3a: {  	_ =	sdelay $0x1  }
0x3b: {  	[sflag:s10] =	ssyncset.done $0x0  }
0x3c: {  	[sflag:s10] =	ssyncadd.s32 $0xFFFF8000  }
.LBB2_1:
0x3d: {  	[dreg:$0x16] =	wrdreg s12  }
0x3e: {  	s4 =	sshrl.u32 @!p0 s1, $0x3;
	s12 =	simm.s32 @!p0 $0x1C09;
	s15 =	rddreg [dreg:$0x4]  }
0x3f: {  	[spmem:s4], [sflag:s12] =	dma.local @!p0 [hbm:s15], $0x640  }
0x40: {  	s4 =	simm.s32 @!p0 $0x9  }
0x41: {  	_ =	swait.ge @!p0 [sflag:s4], $0x640  }
0x42: {  	[sflag:s4] =	ssyncset.done @!p0 $0x0  }
0x43: {  	[sflag:s4] =	ssyncadd.s32 @!p0 $0xFFFFF9C0  }
0x44: {  	[bflag:$0x0] =	sbarrier.arrive $0xFFFF  }
0x45: {  	s12 =	rddreg [dreg:$0x5]  }
0x46: {  	[tilespmem:s2], [sflag:$0x3] =	stream.linear.gather [hbm4b:s12+s2], $0x200, $0x38;
	[tilespmem:$0x10B20] =	vst v63  }
0x47: {  	s15 =	rddreg [dreg:$0x6]  }
0x48: {  	[tilespmem:s23], [sflag:$0x4] =	stream.linear.gather [hbm4b:s15+s2], $0x200, $0x38;
	[tilespmem:$0x10B20] =	vst v63  }
0x49: {  	s19 =	rddreg [dreg:$0x7]  }
0x4a: {  	[tilespmem:s24], [sflag:$0x5] =	stream.linear.gather [hbm4b:s19+s2], $0x200, $0x38;
	[tilespmem:$0x10B20] =	vst v63  }
0x4b: {  	_ =	swait.ge [sflag:s25], $0x200  }
0x4c: {  	[sflag:s25] =	ssyncset.done $0x0  }
0x4d: {  	[sflag:s25] =	ssyncadd.s32 $0xFFFFFE00  }
0x4e: {  	[tilespmem:s28], [sflag:$0x1] =	stream.indirect.gather [spmem:s1], $0x40, s2, s26, $0xb8;
	[tilespmem:$0x10B20] =	vst v63  }
0x4f: {  	_ = 	snop  }
0x50: {  	[tilespmem:s29], [sflag:$0x1] =	stream.indirect.gather [spmem:s1], $0x40, s26, s26, $0xb8;
	[tilespmem:$0x10B20] =	vst v63  }
0x51: {  	s22 =	simm.s32 $0x100  }
0x52: {  	[tilespmem:s31], [sflag:$0x1] =	stream.indirect.gather [spmem:s1], $0x40, s22, s26, $0xb8;
	[tilespmem:$0x10B20] =	vst v63  }
0x53: {  	s12 =	simm.s32 $0x180  }
0x54: {  	[tilespmem:s3], [sflag:$0x1] =	stream.indirect.gather [spmem:s1], $0x40, s12, s26, $0xb8;
	[tilespmem:$0x10B20] =	vst v63  }
0x55: {  	_ =	swait.ge [sflag:s5], $0x200  }
0x56: {  	[sflag:s5] =	ssyncset.done $0x0  }
0x57: {  	[sflag:s5] =	ssyncadd.s32 $0xFFFFFE00  }
0x58: {  	[tilespmem:s6], [sflag:$0x2] =	stream.indirect.gather [spmem:s1], $0x40, s23, s26, $0xb8;
	[tilespmem:$0x10B20] =	vst v63  }
0x59: {  	s15 =	simm.s32 $0x280  }
0x5a: {  	[tilespmem:s9], [sflag:$0x2] =	stream.indirect.gather [spmem:s1], $0x40, s15, s26, $0xb8;
	[tilespmem:$0x10B20] =	vst v63  }
0x5b: {  	s19 =	simm.s32 $0x300  }
0x5c: {  	[tilespmem:s11], [sflag:$0x2] =	stream.indirect.gather [spmem:s1], $0x40, s19, s26, $0xb8;
	[tilespmem:$0x10B20] =	vst v63  }
0x5d: {  	s22 =	simm.s32 $0x380  }
0x5e: {  	[tilespmem:s13], [sflag:$0x2] =	stream.indirect.gather [spmem:s1], $0x40, s22, s26, $0xb8;
	[tilespmem:$0x10B20] =	vst v63  }
0x5f: {  	_ =	swait.ge [sflag:s14], $0x2000  }
0x60: {  	[sflag:s14] =	ssyncset.done $0x0  }
0x61: {  	[sflag:s14] =	ssyncadd.s32 $0xFFFFE000  }
0x62: {  	_ =	swait.ge [sflag:s14], $0x2000  }
0x63: {  	[sflag:s14] =	ssyncset.done $0x0  }
0x64: {  	[sflag:s14] =	ssyncadd.s32 $0xFFFFE000  }
0x65: {  	_ =	swait.ge [sflag:s14], $0x2000  }
0x66: {  	[sflag:s14] =	ssyncset.done $0x0  }
0x67: {  	[sflag:s14] =	ssyncadd.s32 $0xFFFFE000  }
0x68: {  	_ =	swait.ge [sflag:s14], $0x2000  }
0x69: {  	[sflag:s14] =	ssyncset.done $0x0  }
0x6a: {  	s12 =	rddreg [dreg:$0x8];
	[sflag:s14] =	ssyncadd.s32 $0xFFFFE000  }
0x6b: {  	[hbm4b:s12+s7] =	stream.strided.scatter [tilespmem:s28], [sflag:$0x7], $0x8000, s26, s7, $0x38;
	[tilespmem:$0x10B20] =	vst v63  }
0x6c: {  	s15 =	rddreg [dreg:$0x9]  }
0x6d: {  	[tilespmem:s16], [sflag:$0x6] =	stream.linear.gather [hbm4b:s15+s2], $0x200, $0x38;
	[tilespmem:$0x10B20] =	vst v63  }
0x6e: {  	_ =	swait.ge [sflag:s17], $0x200  }
0x6f: {  	[sflag:s17] =	ssyncset.done $0x0  }
0x70: {  	[sflag:s17] =	ssyncadd.s32 $0xFFFFFE00  }
0x71: {  	_ =	swait.ge [sflag:s18], $0x8000  }
0x72: {  	[sflag:s18] =	ssyncset.done $0x0  }
0x73: {  	[sflag:s18] =	ssyncadd.s32 $0xFFFF8000  }
0x74: {  	[tilespmem:s28], [sflag:$0x1] =	stream.indirect.gather [spmem:s1], $0x40, s24, s26, $0xb8;
	[tilespmem:$0x10B20] =	vst v63  }
0x75: {  	s19 =	simm.s32 $0x480  }
0x76: {  	[tilespmem:s29], [sflag:$0x1] =	stream.indirect.gather [spmem:s1], $0x40, s19, s26, $0xb8;
	[tilespmem:$0x10B20] =	vst v63  }
0x77: {  	s22 =	simm.s32 $0x500  }
0x78: {  	[tilespmem:s31], [sflag:$0x1] =	stream.indirect.gather [spmem:s1], $0x40, s22, s26, $0xb8;
	[tilespmem:$0x10B20] =	vst v63  }
0x79: {  	s12 =	simm.s32 $0x580  }
0x7a: {  	[tilespmem:s3], [sflag:$0x1] =	stream.indirect.gather [spmem:s1], $0x40, s12, s26, $0xb8;
	[tilespmem:$0x10B20] =	vst v63  }
0x7b: {  	_ =	swait.ge [sflag:s0], $0x2000  }
0x7c: {  	[sflag:s0] =	ssyncset.done $0x0  }
0x7d: {  	[sflag:s0] =	ssyncadd.s32 $0xFFFFE000  }
0x7e: {  	_ =	swait.ge [sflag:s0], $0x2000  }
0x7f: {  	[sflag:s0] =	ssyncset.done $0x0  }
0x80: {  	[sflag:s0] =	ssyncadd.s32 $0xFFFFE000  }
0x81: {  	_ =	swait.ge [sflag:s0], $0x2000  }
0x82: {  	[sflag:s0] =	ssyncset.done $0x0  }
0x83: {  	[sflag:s0] =	ssyncadd.s32 $0xFFFFE000  }
0x84: {  	_ =	swait.ge [sflag:s0], $0x2000  }
0x85: {  	[sflag:s0] =	ssyncset.done $0x0  }
0x86: {  	s15 =	rddreg [dreg:$0xb];
	[sflag:s0] =	ssyncadd.s32 $0xFFFFE000  }
0x87: {  	[hbm4b:s15+s7] =	stream.strided.scatter [tilespmem:s6], [sflag:$0x8], $0x8000, s26, s7, $0x38;
	[tilespmem:$0x10B20] =	vst v63  }
0x88: {  	s19 =	rddreg [dreg:$0xc]  }
0x89: {  	[tilespmem:s2], [sflag:$0x3] =	stream.linear.gather [hbm4b:s19+s2], $0x200, $0x38;
	[tilespmem:$0x10B20] =	vst v63  }
0x8a: {  	_ =	swait.ge [sflag:s8], $0x200  }
0x8b: {  	[sflag:s8] =	ssyncset.done $0x0  }
0x8c: {  	[sflag:s8] =	ssyncadd.s32 $0xFFFFFE00  }
0x8d: {  	_ =	swait.ge [sflag:s10], $0x8000  }
0x8e: {  	[sflag:s10] =	ssyncset.done $0x0  }
0x8f: {  	[sflag:s10] =	ssyncadd.s32 $0xFFFF8000  }
0x90: {  	[tilespmem:s6], [sflag:$0x2] =	stream.indirect.gather [spmem:s1], $0x40, s16, s26, $0xb8;
	[tilespmem:$0x10B20] =	vst v63  }
0x91: {  	s22 =	simm.s32 $0x680  }
0x92: {  	[tilespmem:s9], [sflag:$0x2] =	stream.indirect.gather [spmem:s1], $0x40, s22, s26, $0xb8;
	[tilespmem:$0x10B20] =	vst v63  }
0x93: {  	s12 =	simm.s32 $0x700  }
0x94: {  	[tilespmem:s11], [sflag:$0x2] =	stream.indirect.gather [spmem:s1], $0x40, s12, s26, $0xb8;
	[tilespmem:$0x10B20] =	vst v63  }
0x95: {  	s15 =	simm.s32 $0x780  }
0x96: {  	[tilespmem:s13], [sflag:$0x2] =	stream.indirect.gather [spmem:s1], $0x40, s15, s26, $0xb8;
	[tilespmem:$0x10B20] =	vst v63  }
0x97: {  	_ =	swait.ge [sflag:s14], $0x2000  }
0x98: {  	[sflag:s14] =	ssyncset.done $0x0  }
0x99: {  	[sflag:s14] =	ssyncadd.s32 $0xFFFFE000  }
0x9a: {  	_ =	swait.ge [sflag:s14], $0x2000  }
0x9b: {  	[sflag:s14] =	ssyncset.done $0x0  }
0x9c: {  	[sflag:s14] =	ssyncadd.s32 $0xFFFFE000  }
0x9d: {  	_ =	swait.ge [sflag:s14], $0x2000  }
0x9e: {  	[sflag:s14] =	ssyncset.done $0x0  }
0x9f: {  	[sflag:s14] =	ssyncadd.s32 $0xFFFFE000  }
0xa0: {  	_ =	swait.ge [sflag:s14], $0x2000  }
0xa1: {  	s19 =	rddreg [dreg:$0xa]  }
0xa2: {  	s22 =	rddreg [dreg:$0xd]  }
0xa3: {  	[sflag:s14] =	ssyncset.done $0x0;
	s30 =	rddreg [dreg:$0x15]  }
0xa4: {  	s12 =	rddreg [dreg:$0x13];
	[sflag:s14] =	ssyncadd.s32 $0xFFFFE000  }
0xa5: {  	[hbm4b:s19+s7] =	stream.strided.scatter [tilespmem:s28], [sflag:$0x7], $0x8000, s26, s7, $0x38;
	[tilespmem:$0x10B20] =	vst v63  }
0xa6: {  	s4 =	rddreg [dreg:$0x12]  }
0xa7: {  	[tilespmem:s23], [sflag:$0x4] =	stream.linear.gather [hbm4b:s22+s2], $0x200, $0x38;
	[tilespmem:$0x10B20] =	vst v63  }
0xa8: {  	s15 =	simm.s32 $0x0;
	s22 =	rddreg [dreg:$0x11]  }
.LBB2_2:
0xa9: {  	_ =	swait.ge [sflag:s25], $0x200  }
0xaa: {  	[sflag:s25] =	ssyncset.done $0x0  }
0xab: {  	[sflag:s25] =	ssyncadd.s32 $0xFFFFFE00  }
0xac: {  	_ =	swait.ge [sflag:s18], $0x8000  }
0xad: {  	[sflag:s18] =	ssyncset.done $0x0  }
0xae: {  	[sflag:s18] =	ssyncadd.s32 $0xFFFF8000  }
0xaf: {  	[tilespmem:s28], [sflag:$0x1] =	stream.indirect.gather [spmem:s1], $0x40, s2, s26, $0xb8;
	[tilespmem:$0x10B20] =	vst v63  }
0xb0: {  	_ = 	snop  }
0xb1: {  	[tilespmem:s29], [sflag:$0x1] =	stream.indirect.gather [spmem:s1], $0x40, s26, s26, $0xb8;
	[tilespmem:$0x10B20] =	vst v63  }
0xb2: {  	s19 =	simm.s32 $0x100  }
0xb3: {  	[tilespmem:s31], [sflag:$0x1] =	stream.indirect.gather [spmem:s1], $0x40, s19, s26, $0xb8;
	[tilespmem:$0x10B20] =	vst v63  }
0xb4: {  	s19 =	simm.s32 $0x180  }
0xb5: {  	[tilespmem:s3], [sflag:$0x1] =	stream.indirect.gather [spmem:s1], $0x40, s19, s26, $0xb8;
	[tilespmem:$0x10B20] =	vst v63  }
0xb6: {  	_ =	swait.ge [sflag:s0], $0x2000  }
0xb7: {  	[sflag:s0] =	ssyncset.done $0x0  }
0xb8: {  	[sflag:s0] =	ssyncadd.s32 $0xFFFFE000  }
0xb9: {  	_ =	swait.ge [sflag:s0], $0x2000  }
0xba: {  	[sflag:s0] =	ssyncset.done $0x0  }
0xbb: {  	[sflag:s0] =	ssyncadd.s32 $0xFFFFE000  }
0xbc: {  	_ =	swait.ge [sflag:s0], $0x2000  }
0xbd: {  	[sflag:s0] =	ssyncset.done $0x0  }
0xbe: {  	[sflag:s0] =	ssyncadd.s32 $0xFFFFE000  }
0xbf: {  	_ =	swait.ge [sflag:s0], $0x2000  }
0xc0: {  	[sflag:s0] =	ssyncset.done $0x0  }
0xc1: {  	s19 =	sadd.s32 s15, s20;
	[sflag:s0] =	ssyncadd.s32 $0xFFFFE000  }
0xc2: {  	[hbm4b:s19+s7] =	stream.strided.scatter [tilespmem:s6], [sflag:$0x8], $0x8000, s26, s7, $0x38;
	[tilespmem:$0x10B20] =	vst v63  }
0xc3: {  	_ = 	snop  }
0xc4: {  	[tilespmem:s24], [sflag:$0x5] =	stream.linear.gather [hbm4b:s30+s2], $0x200, $0x38;
	[tilespmem:$0x10B20] =	vst v63  }
0xc5: {  	_ =	swait.ge [sflag:s5], $0x200  }
0xc6: {  	[sflag:s5] =	ssyncset.done $0x0  }
0xc7: {  	[sflag:s5] =	ssyncadd.s32 $0xFFFFFE00  }
0xc8: {  	_ =	swait.ge [sflag:s10], $0x8000  }
0xc9: {  	[sflag:s10] =	ssyncset.done $0x0  }
0xca: {  	[sflag:s10] =	ssyncadd.s32 $0xFFFF8000  }
0xcb: {  	[tilespmem:s6], [sflag:$0x2] =	stream.indirect.gather [spmem:s1], $0x40, s23, s26, $0xb8;
	[tilespmem:$0x10B20] =	vst v63  }
0xcc: {  	s19 =	simm.s32 $0x280  }
0xcd: {  	[tilespmem:s9], [sflag:$0x2] =	stream.indirect.gather [spmem:s1], $0x40, s19, s26, $0xb8;
	[tilespmem:$0x10B20] =	vst v63  }
0xce: {  	s19 =	simm.s32 $0x300  }
0xcf: {  	[tilespmem:s11], [sflag:$0x2] =	stream.indirect.gather [spmem:s1], $0x40, s19, s26, $0xb8;
	[tilespmem:$0x10B20] =	vst v63  }
0xd0: {  	s19 =	simm.s32 $0x380  }
0xd1: {  	[tilespmem:s13], [sflag:$0x2] =	stream.indirect.gather [spmem:s1], $0x40, s19, s26, $0xb8;
	[tilespmem:$0x10B20] =	vst v63  }
0xd2: {  	_ =	swait.ge [sflag:s14], $0x2000  }
0xd3: {  	[sflag:s14] =	ssyncset.done $0x0  }
0xd4: {  	[sflag:s14] =	ssyncadd.s32 $0xFFFFE000  }
0xd5: {  	_ =	swait.ge [sflag:s14], $0x2000  }
0xd6: {  	[sflag:s14] =	ssyncset.done $0x0  }
0xd7: {  	[sflag:s14] =	ssyncadd.s32 $0xFFFFE000  }
0xd8: {  	_ =	swait.ge [sflag:s14], $0x2000  }
0xd9: {  	[sflag:s14] =	ssyncset.done $0x0  }
0xda: {  	[sflag:s14] =	ssyncadd.s32 $0xFFFFE000  }
0xdb: {  	_ =	swait.ge [sflag:s14], $0x2000  }
0xdc: {  	[sflag:s14] =	ssyncset.done $0x0;
	s19 =	rddreg [dreg:$0x10]  }
0xdd: {  	s19 =	sadd.s32 s15, s19;
	[sflag:s14] =	ssyncadd.s32 $0xFFFFE000  }
0xde: {  	[hbm4b:s19+s7] =	stream.strided.scatter [tilespmem:s28], [sflag:$0x7], $0x8000, s26, s7, $0x38;
	[tilespmem:$0x10B20] =	vst v63  }
0xdf: {  	_ = 	snop  }
0xe0: {  	[tilespmem:s16], [sflag:$0x6] =	stream.linear.gather [hbm4b:s12+s2], $0x200, $0x38;
	[tilespmem:$0x10B20] =	vst v63  }
0xe1: {  	_ =	swait.ge [sflag:s17], $0x200  }
0xe2: {  	[sflag:s17] =	ssyncset.done $0x0  }
0xe3: {  	[sflag:s17] =	ssyncadd.s32 $0xFFFFFE00  }
0xe4: {  	_ =	swait.ge [sflag:s18], $0x8000  }
0xe5: {  	[sflag:s18] =	ssyncset.done $0x0  }
0xe6: {  	[sflag:s18] =	ssyncadd.s32 $0xFFFF8000  }
0xe7: {  	[tilespmem:s28], [sflag:$0x1] =	stream.indirect.gather [spmem:s1], $0x40, s24, s26, $0xb8;
	[tilespmem:$0x10B20] =	vst v63  }
0xe8: {  	s19 =	simm.s32 $0x480  }
0xe9: {  	[tilespmem:s29], [sflag:$0x1] =	stream.indirect.gather [spmem:s1], $0x40, s19, s26, $0xb8;
	[tilespmem:$0x10B20] =	vst v63  }
0xea: {  	s19 =	simm.s32 $0x500  }
0xeb: {  	[tilespmem:s31], [sflag:$0x1] =	stream.indirect.gather [spmem:s1], $0x40, s19, s26, $0xb8;
	[tilespmem:$0x10B20] =	vst v63  }
0xec: {  	s19 =	simm.s32 $0x580  }
0xed: {  	[tilespmem:s3], [sflag:$0x1] =	stream.indirect.gather [spmem:s1], $0x40, s19, s26, $0xb8;
	[tilespmem:$0x10B20] =	vst v63  }
0xee: {  	_ =	swait.ge [sflag:s0], $0x2000  }
0xef: {  	[sflag:s0] =	ssyncset.done $0x0  }
0xf0: {  	[sflag:s0] =	ssyncadd.s32 $0xFFFFE000  }
0xf1: {  	_ =	swait.ge [sflag:s0], $0x2000  }
0xf2: {  	[sflag:s0] =	ssyncset.done $0x0  }
0xf3: {  	[sflag:s0] =	ssyncadd.s32 $0xFFFFE000  }
0xf4: {  	_ =	swait.ge [sflag:s0], $0x2000  }
0xf5: {  	[sflag:s0] =	ssyncset.done $0x0  }
0xf6: {  	[sflag:s0] =	ssyncadd.s32 $0xFFFFE000  }
0xf7: {  	_ =	swait.ge [sflag:s0], $0x2000  }
0xf8: {  	[sflag:s0] =	ssyncset.done $0x0;
	s19 =	rddreg [dreg:$0x14]  }
0xf9: {  	p1 =	seq.s32 s15, $0x180000;
	s19 =	sadd.s32 s15, s19;
	[sflag:s0] =	ssyncadd.s32 $0xFFFFE000  }
0xfa: {  	[hbm4b:s19+s7] =	stream.strided.scatter [tilespmem:s6], [sflag:$0x8], $0x8000, s26, s7, $0x38;
	[tilespmem:$0x10B20] =	vst v63  }
0xfb: {  	s19 =	simm.s32 @!p1 $0x0  }
0xfc: {  	[tilespmem:s19], [sflag:$0x3] =	stream.linear.gather @!p1 [hbm4b:s4+s19], $0x200, $0x38;
	[tilespmem:$0x10B20] =	vst v63  }
0xfd: {  	_ =	swait.ge [sflag:s8], $0x200  }
0xfe: {  	[sflag:s8] =	ssyncset.done $0x0  }
0xff: {  	[sflag:s8] =	ssyncadd.s32 $0xFFFFFE00  }
0x100: {  	_ =	swait.ge [sflag:s10], $0x8000  }
0x101: {  	[sflag:s10] =	ssyncset.done $0x0  }
0x102: {  	[sflag:s10] =	ssyncadd.s32 $0xFFFF8000  }
0x103: {  	[tilespmem:s6], [sflag:$0x2] =	stream.indirect.gather [spmem:s1], $0x40, s16, s26, $0xb8;
	[tilespmem:$0x10B20] =	vst v63  }
0x104: {  	s19 =	simm.s32 $0x680  }
0x105: {  	[tilespmem:s9], [sflag:$0x2] =	stream.indirect.gather [spmem:s1], $0x40, s19, s26, $0xb8;
	[tilespmem:$0x10B20] =	vst v63  }
0x106: {  	s19 =	simm.s32 $0x700  }
0x107: {  	[tilespmem:s11], [sflag:$0x2] =	stream.indirect.gather [spmem:s1], $0x40, s19, s26, $0xb8;
	[tilespmem:$0x10B20] =	vst v63  }
0x108: {  	s19 =	simm.s32 $0x780  }
0x109: {  	[tilespmem:s13], [sflag:$0x2] =	stream.indirect.gather [spmem:s1], $0x40, s19, s26, $0xb8;
	[tilespmem:$0x10B20] =	vst v63  }
0x10a: {  	_ =	swait.ge [sflag:s14], $0x2000  }
0x10b: {  	[sflag:s14] =	ssyncset.done $0x0  }
0x10c: {  	[sflag:s14] =	ssyncadd.s32 $0xFFFFE000  }
0x10d: {  	_ =	swait.ge [sflag:s14], $0x2000  }
0x10e: {  	[sflag:s14] =	ssyncset.done $0x0  }
0x10f: {  	[sflag:s14] =	ssyncadd.s32 $0xFFFFE000  }
0x110: {  	_ =	swait.ge [sflag:s14], $0x2000  }
0x111: {  	[sflag:s14] =	ssyncset.done $0x0  }
.Ltmp2:
0x112: {  	[sflag:s14] =	ssyncadd.s32 $0xFFFFE000;
	(pc) =	sbr.rel @p1 .LBB2_4-.Ltmp2, $4  }
0x113: {  	_ =	swait.ge [sflag:s14], $0x2000  }
0x114: {  	[sflag:s14] =	ssyncset.done $0x0  }
0x115: {  	s19 =	sadd.s32 s15, s21;
	[sflag:s14] =	ssyncadd.s32 $0xFFFFE000  }
0x116: {  	[hbm4b:s19+s7] =	stream.strided.scatter [tilespmem:s28], [sflag:$0x7], $0x8000, s26, s7, $0x38;
	[tilespmem:$0x10B20] =	vst v63  }
.Ltmp3:
0x117: {  	(pc) =	sbr.rel .LBB2_2-.Ltmp3, $4  }
0x118: {  	_ = 	snop  }
0x119: {  	[tilespmem:s23], [sflag:$0x4] =	stream.linear.gather [hbm4b:s22+s2], $0x200, $0x38;
	[tilespmem:$0x10B20] =	vst v63  }
0x11a: {  	s15 =	sadd.s32 $0x8000, s15;
	s22 =	sadd.s32 $0x100, s22  }
0x11b: {  	s4 =	sadd.s32 $0x100, s4;
	s12 =	sadd.s32 $0x100, s12;
	s30 =	sadd.s32 $0x100, s30  }
.LBB2_5:
0x11c: {  	_ =	sfence.sel $0x180000  }
0x11d: {  	[bflag:$0x0] =	sbarrier.arrive $0xFFFF  }
0x11e: {  	_ =	strace $0x90000047  }
0x11f: {  	[bflag:$0x2] =	sbarrier.arrive $0xFFFF  }
0x120: {  	s0 =	rddreg [dreg:$0x3]  }
0x121: {  	s0 =	sadd.s32 @!p0 $0x100000, s0  }
0x122: {  	[sflag:s0] =	ssyncadd.tile.s32 @!p0 $0x1;
	_ =	shalt  }
.Lfunc_end2:
_tile_overlayer_lowered:
.L_overlay_start_2:
0x123: {  	(tag) =	ssettag $0x2  }
0x124: {  	s0 =	rddreg [dreg:$0x0];
	s2 =	stileid.u32  }
0x125: {  	s1 =	rddreg [dreg:$0x1];
	p0 =	sne.s32 s2, $0x0  }
0x126: {  	s3 =	rddreg [dreg:$0x2];
	[bflag:$0x3] =	sbarrier.arrive $0xFFFF;
	s2 =	simm.s32 @!p0 $0x1C09  }
0x127: {  	[timem:s3], [sflag:s2] =	dma.local @!p0 [hbm:s0], s1  }
0x128: {  	s0 =	simm.s32 @!p0 $0x9  }
0x129: {  	_ =	swait.ge @!p0 [sflag:s0], s1  }
0x12a: {  	s1 =	ssub.s32 @!p0 $0x0, s1;
	[sflag:s0] =	ssyncset.done @!p0 $0x0  }
0x12b: {  	[sflag:s0] =	ssyncadd.s32 @!p0 s1  }
0x12c: {  	[bflag:$0x3] =	sbarrier.arrive $0xFFFF  }
0x12d: {  	_ =	shalt  }

// kernel: sparse-core-data-format-call.cloned.1.call-start
scs
called_computation_lowered:
.L_overlay_start_0:
0x0: {  	s2 =	sld [smem:$0x3FD9]  }
0x1: {  	s3 =	sld [smem:$0x3FFE];
	_ =	sdelay $0x1  }
0x2: {  	s1 =	srdreg.scid  }
0x3: {  	s0 =	sand.u32 $0x1, s1  }
0x4: {  	s18 =	sshll.u32 s0, $0xA;
	s2 =	sadd.s32 s3, s2  }
0x5: {  	s2 =	sadd.s32 s2, s18  }
0x6: {  	[smem:$0x3FC6] =	sst s2  }
0x7: {  	_ = 	snop  }
0x8: {  	s2 =	sld [smem:$0x3FD0];
	(tm) =	ssettm $0x1  }
0x9: {  	s19 =	sld [smem:$0x3FFB];
	_ =	sdelay $0x3  }
0xa: {  	_ =	strace s19  }
0xb: {  	s3 =	sld [smem:$0x3FFC];
	_ =	sdelay $0x3  }
0xc: {  	_ =	strace s3  }
0xd: {  	s3 =	sld [smem:$0x3FFD];
	_ =	sdelay $0x3  }
0xe: {  	_ =	strace s3  }
0xf: {  	_ =	strace $0x8FFFFFFF  }
0x10: {  	s20 =	sld [smem:$0x3FDB];
	_ =	sdelay $0x1  }
0x11: {  	s4 =	simm.s32 $_scs_section_size  }
0x12: {  	s5 =	simm.s32 $_size__tile_overlayer_lowered;
	s6 =	simm.s32 $_tile_overlayer_lowered  }
0x13: {  	s23 =	simm.s32 $0x1BFF;
	s22 =	sshll.u32 s6, $0x1;
	s3 =	sadd.s32 s4, s20  }
0x14: {  	s7 =	simm.s32 $0x0;
	s21 =	sshll.u32 s5, $0x1;
	s5 =	sadd.s32 s22, s3  }
0x15: {  	[timem:s7], [sflag:s23] =	dma.local [hbm:s5], s21  }
0x16: {  	_ =	swait.ge [sflag:s23], s21  }
0x17: {  	s4 =	ssub.s32 $0x0, s21;
	[sflag:s23] =	ssyncset.done $0x0  }
0x18: {  	[sflag:s23] =	ssyncadd.s32 s4;
	_ =	sdelay $0x1  }
0x19: {  	s24 =	simm.s32 $0x1B8B  }
0x1a: {  	_ =	swait.ge [sflag:s24], $0x1  }
0x1b: {  	[sflag:s24] =	ssyncset.done $0x0  }
0x1c: {  	s26 =	simm.s32 $0x1B8E;
	s25 =	sld [smem:$0x3FFE];
	[sflag:s24] =	ssyncadd.s32 $0xFFFFFFFF  }
0x1d: {  	s27 =	simm.s32 $execute0_lowered;
	[smem:$0x3FD2] =	sst s26  }
0x1e: {  	s5 =	sshll.u32 s27, $0x1;
	_ =	strace $0x80000049;
	[dreg:$0x1] =	wrdreg $0xFFFFFFFF  }
0x1f: {  	s28 =	simm.s32 $_size_execute0_lowered;
	s3 =	sadd.s32 s3, s5;
	[dreg:$0x0] =	wrdreg $0x0  }
0x20: {  	s5 =	sshll.u32 s28, $0x1;
	[dreg:$0x2] =	wrdreg s3  }
0x21: {  	[dreg:$0x3] =	wrdreg s5  }
0x22: {  	[dreg:$0x4] =	wrdreg $0xC0  }
0x23: {  	_ =	task [dreg:s7], $0x5FFFF  }
0x24: {  	[dreg:$0x1] =	wrdreg $0xFFFFFFFF  }
0x25: {  	[dreg:$0x0] =	wrdreg $0x60  }
0x26: {  	[dreg:$0x2] =	wrdreg s25  }
0x27: {  	[dreg:$0x3] =	wrdreg s2  }
0x28: {  	[dreg:$0x4] =	wrdreg $0x9  }
0x29: {  	_ =	task.clear_ibuf [dreg:s7], $0x5FFFF;
	_ =	strace $0x90000049  }
0x2a: {  	s29 =	simm.s32 $0x9;
	_ =	strace $0x8000004B  }
0x2b: {  	_ =	swait.ge [sflag:s29], $0x1  }
0x2c: {  	[sflag:s29] =	ssyncadd.s32 $0xFFFFFFFF  }
0x2d: {  	_ =	strace $0x9000004B  }
0x2e: {  	_ =	sfence  }
0x2f: {  	s30 =	sld [smem:$0x0];
	_ =	sdelay $0x2  }
0x30: {  	s31 =	sshll.u32 s1, $0xD;
	s1 =	sshrl.u32 s1, $0x2  }
0x31: {  	s3 =	sand.u32 $0x4000, s31;
	s1 =	sadd.s32 s1, s30  }
0x32: {  	s0 =	sor.u32 s3, s0;
	s1 =	sshll.u32 s1, $0x11  }
0x33: {  	s0 =	sor.u32 s1, s0  }
0x34: {  	s0 =	sadd.s32 $0x8F2B, s0  }
0x35: {  	[sflag:s0] =	ssyncadd.remote.s32 $0x1  }
0x36: {  	_ =	sfence.sel $0xFFFF  }
0x37: {  	[dreg:$0x0] =	wrdreg $0xFFFFFFFF;
	(pc) =	sbr.abs _section_cstart, $3  }
0x38: {  	[dreg:$0x1] =	wrdreg $0xFFFFFFFF  }
0x39: {  	_ =	task.clear_ibuf [dreg:s7], $0x2FFFF;
	_ =	strace $0x9FFFFFFF  }
0x3a: {  	(tm) =	ssettm $0x7FFFFFFF  }
0x3b: {  	_ =	shalt  }
tec
execute0_lowered:
.L_overlay_start_1:
0x0: {  	(tag) =	ssettag $0x1  }
0x1: {  	s0 =	srdreg.scid  }
0x2: {  	s1 =	sshll.u32 s0, $0x4  }
0x3: {  	s0 =	stileid.u32;
	s1 =	sand.u32 $0x10, s1  }
0x4: {  	s1 =	sor.u32 s0, s1  }
0x5: {  	s6 =	rddreg [dreg:$0x0];
	s4 =	simm.s32 $0x1;
	s2 =	sshll.u32 s1, $0x7  }
0x6: {  	s7 =	simm.s32 $0x2;
	s12 =	simm.s32 $0x0;
	s1 =	ssub.s32 $0x4000, s2  }
0x7: {  	s8 =	simm.s32 $0x20000;
	s13 =	simm.s32 $0x0;
	s3 =	sand.u32 $0xF80, s1  }
0x8: {  	s9 =	simm.s32 $0x0;
	s5 =	sshrl.u32 s1, $0xC;
	p0 =	sne.s32 s3, $0x0  }
.Ltmp0:
0x9: {  	s1 =	rddreg [dreg:$0x2];
	s4 =	simm.s32 @!p0 $0x0;
	(pc) =	sbr.rel .LBB1_1-.Ltmp0, $4  }
0xa: {  	s11 =	simm.s32 $0x0;
	s3 =	rddreg [dreg:$0x1];
	s5 =	sadd.s32 s4, s5  }
0xb: {  	_ =	strace $0x8000004A;
	s4 =	simm.s32 $0x1;
	s5 =	smul.u32 $0xC8, s5  }
0xc: {  	s6 =	sadd.s32 $0x1000, s6;
	s10 =	smov.u32 s2;
	[sflag:s4] =	ssyncpa.u1 $0x0  }
0xd: {  	p0 =	por $0x0, $0x0;
	[sflag:s7] =	ssyncpa.u1 $0x0;
	s7 =	sor.u32 $0x1, s5  }
.LBB1_4:
0xe: {  	s16 =	sshll.u32 s13, $0x3;
	s17 =	sand.u32 $0x78, s13  }
0xf: {  	s30 =	sand.u32 $0x1F800, s13;
	s12 =	sshll.u32 s12, $0x11;
	s16 =	sand.u32 $0x3C00, s16  }
0x10: {  	[tilespmem:s15+$0x810 ss:$0x81] =	vst.msk $0xffff, v2;
	s31 =	sand.u32 $0x7, s13;
	s16 =	sor.u32 s17, s16;
	s17 =	sadd.s32 s3, s30  }
0x11: {  	[tilespmem:s15+$0x1020 ss:$0x81] =	vst.msk $0xffff, v0;
	s13 =	sshll.u32 s31, $0x12;
	s12 =	sadd.s32 s12, s17;
	s16 =	sshrl.u32 s16, $0x3  }
0x12: {  	[tilespmem:s15+$0x0 ss:$0x81] =	vst.msk $0xffff, v1;
	s13 =	sor.u32 $0x400, s13;
	s12 =	sadd.s32 s16, s12  }
0x13: {  	[hbm4b:s12+s13] =	stream.strided.scatter [tilespmem:s14], [sflag:$0x2], $0x2000, s8, s13, $0x20;
	[tilespmem:$0x8080] =	vst v63  }
.LBB1_5:
0x14: {  	s14 =	sadd.s32 $0x1, s9  }
0x15: {  	s12 =	sadd.s32 $0x1000, s10;
	s16 =	smov.u32 s10;
	p2 =	sgt.s32 s14, $0xC7  }
0x16: {  	s16 =	smov.u32 @p2 s12  }
0x17: {  	s14 =	simm.s32 @p2 $0x0;
	p2 =	sgt.s32 s16, $0x3FFF  }
0x18: {  	s16 =	smov.u32 @p2 s2;
	p2 =	sne.s32 s11, s7  }
.Ltmp1:
0x19: {  	p1 =	slt.u32 s11, $0x2;
	(pc) =	sbr.rel @!p2 .LBB1_6-.Ltmp1, $4  }
0x1a: {  	s15 =	simm.s32 @!p1 $0x2  }
0x1b: {  	s13 =	smov.u32 s10;
	p0 =	por !p0, !p0;
	_ =	swait.ge @!p1 [sflag:s15], $0x2000  }
0x1c: {  	s12 =	smov.u32 s9;
	[sflag:s15] =	ssyncset.done @!p1 $0x0;
	s9 =	smov.u32 s14  }
0x1d: {  	s11 =	sadd.s32 $0x1, s11;
	[sflag:s15] =	ssyncadd.s32 @!p1 $0xFFFFE000;
	s10 =	smov.u32 s16  }
.LBB1_1:
0x1e: {  	p1 =	sge.u32 s11, s5  }
0x1f: {  	s14 =	sand.u32 @!p1 $0x1FFFFFF, s9  }
0x20: {  	s15 =	smulhi.u32 @!p1 $0x147AE15, s14;
	_ =	sdelay $0x1  }
0x21: {  	s15 =	smul.u32 @!p1 $0xC8, s15  }
0x22: {  	s16 =	sxor.u32 @!p1 $0xFFFFFFFF, s11;
	s17 =	smul.u32 @!p1 $0xC80, s10  }
0x23: {  	s31 =	sadd.s32 $0xFFFFFFFF, s11;
	s16 =	sshll.u32 @!p1 s16, $0xD;
	s14 =	ssub.s32 @!p1 s14, s15  }
0x24: {  	s15 =	sand.u32 @!p1 $0x2000, s16;
	s16 =	sadd.s32 @!p1 s6, s17;
	s14 =	sshll.u32 @!p1 s14, $0x4  }
0x25: {  	s17 =	simm.s32 @!p1 $0x6400;
	s14 =	sadd.s32 @!p1 s14, s16;
	s16 =	simm.s32 @!p1 $0x40  }
0x26: {  	[tilespmem:s15], [sflag:$0x1] =	stream.strided.gather @!p1 [hbm4b:s14+s16], $0x2000, s17, s16, $0x38;
	[tilespmem:$0x8080] =	vst v63  }
0x27: {  	p1 =	sge.u32 s31, s5  }
.Ltmp2:
0x28: {  	_ = 	snop;
	(pc) =	sbr.rel @p1 .LBB1_5-.Ltmp2, $1  }
0x29: {  	_ =	sdelay $0x3  }
0x2a: {  	s14 =	simm.s32 $0x1  }
0x2b: {  	_ =	swait.ge [sflag:s4], $0x2000;
	s14 =	simm.s32 @!p0 $0x0  }
0x2c: {  	[sflag:s4] =	ssyncset.done $0x0;
	s15 =	sshll.u32 s14, $0xD  }
0x2d: {  	[sflag:s4] =	ssyncadd.s32 $0xFFFFE000;
	s18 =	sor.u32 $0x20, s15  }
0x2e: {  	s14 =	smul.u32 $0x8100, s14;
	v3 =	vld [tilespmem:s18+$0x10]  }
0x2f: {  	s30 =	sand.u32 $0x1, s11;
	v2 =	vld [tilespmem:s18+$0xFFFFFFF0]  }
0x30: {  	s15 =	smul.u32 $0x8100, s30;
	s14 =	sshrl.u32 s14, $0x2;
	v0 =	vld [tilespmem:s18+$0x0]  }
0x31: {  	v1 =	vld [tilespmem:s18+$0xFFFFFFE0];
	s16 =	sor.u32 $0x4000, s14  }
0x32: {  	s31 =	sshrl.u32 s15, $0x2;
	s15 =	sadd.s32 $0x0, s16  }
0x33: {  	s17 =	simm.s32 $0x4;
	s18 =	sadd.s32 $0x40, s18;
	s14 =	sor.u32 $0x4000, s31;
	[tilespmem:s15+$0x1830 ss:$0x81] =	vst.msk $0xffff, v3  }
.LBB1_3:
0x34: {  	v3 =	vld [tilespmem:s18+$0x10];
	p1 =	sne.s32 s17, $0x1FC;
	[tilespmem:s15+$0x810 ss:$0x81] =	vst.msk $0xffff, v2;
	s19 =	smov.u32 s17;
	s17 =	sadd.s32 $0x4, s17  }
.Ltmp3:
0x35: {  	v2 =	vld [tilespmem:s18+$0xFFFFFFF0];
	[tilespmem:s15+$0x1020 ss:$0x81] =	vst.msk $0xffff, v0;
	(pc) =	sbr.rel @p1 .LBB1_3-.Ltmp3, $4  }
0x36: {  	v0 =	vld [tilespmem:s18+$0x0];
	[tilespmem:s15+$0x0 ss:$0x81] =	vst.msk $0xffff, v1  }
0x37: {  	s15 =	sshra.s32 s19, $0x2;
	v1 =	vld [tilespmem:s18+$0xFFFFFFE0]  }
0x38: {  	s15 =	sadd.s32 s15, s16  }
0x39: {  	s18 =	sadd.s32 $0x40, s18;
	[tilespmem:s15+$0x1830 ss:$0x81] =	vst.msk $0xffff, v3  }
.Ltmp4:
0x3a: {  	_ = 	snop;
	(pc) =	sbr.rel .LBB1_4-.Ltmp4, $1  }
0x3b: {  	_ =	sdelay $0x3  }
.LBB1_6:
0x3c: {  	_ =	sfence.sel $0x180000  }
0x3d: {  	s2 =	simm.s32 $0x1;
	[bflag:$0x0] =	sbarrier.arrive $0xFFFF  }
0x3e: {  	s31 =	simm.s32 $0x2;
	[sflag:s2] =	ssyncpa.u1 $0x1  }
0x3f: {  	[sflag:s31] =	ssyncpa.u1 $0x1  }
0x40: {  	p0 =	sne.s32 s0, $0x0;
	_ =	strace $0x9000004A  }
0x41: {  	s0 =	sadd.s32 @!p0 $0x100000, s1;
	[bflag:$0x2] =	sbarrier.arrive $0xFFFF  }
0x42: {  	[sflag:s0] =	ssyncadd.tile.s32 @!p0 $0x1;
	_ =	shalt  }
.Lfunc_end1:
_tile_overlayer_lowered:
.L_overlay_start_2:
0x43: {  	(tag) =	ssettag $0x2  }
0x44: {  	s0 =	rddreg [dreg:$0x0];
	s2 =	stileid.u32  }
0x45: {  	s1 =	rddreg [dreg:$0x1];
	p0 =	sne.s32 s2, $0x0  }
0x46: {  	s3 =	rddreg [dreg:$0x2];
	[bflag:$0x3] =	sbarrier.arrive $0xFFFF;
	s2 =	simm.s32 @!p0 $0x1C01  }
0x47: {  	[timem:s3], [sflag:s2] =	dma.local @!p0 [hbm:s0], s1  }
0x48: {  	s0 =	simm.s32 @!p0 $0x1  }
0x49: {  	_ =	swait.ge @!p0 [sflag:s0], s1  }
0x4a: {  	s1 =	ssub.s32 @!p0 $0x0, s1;
	[sflag:s0] =	ssyncset.done @!p0 $0x0  }
0x4b: {  	[sflag:s0] =	ssyncadd.s32 @!p0 s1  }
0x4c: {  	[bflag:$0x3] =	sbarrier.arrive $0xFFFF  }
0x4d: {  	_ =	shalt  }

</sc_bundles>
